<compile_context>
chip_gen: v7x
topology: tpu7x:2x2x1
jax: 0.10.2.dev20260603
libtpu: 0.0.44.dev20260713+nightly
codegen_flags: <defaults>
</compile_context>

<pallas_src>
import functools

import jax
import jax.numpy as jnp
from jax import lax
from jax.experimental import pallas as pl
from jax.experimental.pallas import tpu as pltpu
from jax.experimental.pallas import tpu_sc as plsc

NUM_ROWS = 1_000_000
D = 64
BATCH = 16384
FEATS = 26
NC, NS = 2, 16
NW = NC * NS
BATCH_W = BATCH // NW
GB = 128
SPANS = BATCH_W // GB
NCHUNK = FEATS * SPANS
L = 16
JU = 8
GBP = GB + 1


def _sc_gather_t(x_t, table):
    mesh = plsc.VectorSubcoreMesh(core_axis_name="c", subcore_axis_name="s")

    @functools.partial(
        pl.kernel,
        out_type=jax.ShapeDtypeStruct((FEATS, D, BATCH), jnp.float32),
        mesh=mesh,
        scratch_types=[
            pltpu.VMEM((FEATS, BATCH_W), jnp.int32),
            pltpu.VMEM((2, GB, D), jnp.float32),
            pltpu.VMEM((2, D, GBP), jnp.float32),
            [pltpu.SemaphoreType.DMA] * 2,
            [pltpu.SemaphoreType.DMA] * 2,
        ],
        compiler_params=pltpu.CompilerParams(
            use_tc_tiling_on_sc=False, needs_layout_passes=False
        ),
    )
    def k(xt_hbm, table_hbm, out_hbm, idx_v, gbuf, tbuf, gsems, osems):
        wid = lax.axis_index("s") * NC + lax.axis_index("c")
        wb0 = wid * BATCH_W
        pltpu.sync_copy(xt_hbm.at[:, pl.ds(wb0, BATCH_W)], idx_v)

        def fire(s, b):
            f = s // SPANS
            k0 = (s % SPANS) * GB
            pltpu.async_copy(
                table_hbm.at[idx_v.at[f, pl.ds(k0, GB)]],
                gbuf.at[b],
                gsems[b],
            )

        def wait_gather(b):
            pltpu.make_async_copy(
                table_hbm.at[pl.ds(0, GB)], gbuf.at[b], gsems[b]
            ).wait()

        def transpose(b):
            d_iota = [
                lax.iota(jnp.int32, L) + d0 for d0 in range(0, D, L)
            ]
            col1 = jnp.full((L,), 1, jnp.int32)

            def jbody(t, carry):
                for ju in range(JU):
                    j = t * JU + ju
                    jvec = col1 * j
                    for di, d0 in enumerate(range(0, D, L)):
                        vals = gbuf[b, j, pl.ds(d0, L)]
                        plsc.store_scatter(
                            tbuf.at[b], [d_iota[di], jvec], vals
                        )
                return carry

            lax.fori_loop(0, GB // JU, jbody, 0)

        def put(s, b):
            f = s // SPANS
            k0 = (s % SPANS) * GB
            pltpu.async_copy(
                tbuf.at[b, :, pl.ds(0, GB)],
                out_hbm.at[f, :, pl.ds(wb0 + k0, GB)],
                osems[b],
            )

        def drain_out(b):
            pltpu.make_async_copy(
                tbuf.at[b, :, pl.ds(0, GB)],
                out_hbm.at[0, :, pl.ds(0, GB)],
                osems[b],
            ).wait()

        fire(0, 0)
        fire(1, 1)

        def body(t, carry):
            for b in range(2):
                s = t * 2 + b
                wait_gather(b)
                transpose(b)
                fire(s + 2, b)
                put(s, b)
                drain_out(b)
            return carry

        lax.fori_loop(0, NCHUNK // 2 - 1, body, 0)

        for b in range(2):
            s = NCHUNK - 2 + b
            wait_gather(b)
            transpose(b)
            put(s, b)
            drain_out(b)

    return k(x_t, table)


def kernel(x, table):
    out_t = _sc_gather_t(x.T, table)
    return jnp.transpose(out_t, (2, 0, 1))

# --- scband reference (transcript-rebuilt; emitter-appended) ---
"""Pipeline reference for scband-toy-model-64158221467941 (READ-ONLY COPY).

The authoritative reference and input builder live on the scoring server;
editing this copy changes nothing except your own understanding.
"""

import jax, jax.numpy as jnp
import numpy as np

NUM_EMBEDDINGS = 1000000
EMBEDDING_DIM = 64

def setup_inputs(seed: int = 0) -> dict:
    key = jax.random.key(seed)
    k1, k2 = jax.random.split(key)
    x = jax.random.randint(k1, (16384, 26), 0, NUM_EMBEDDINGS, dtype=jnp.int64 if jax.config.jax_enable_x64 else jnp.int32)
    table = jax.random.normal(k2, (NUM_EMBEDDINGS, EMBEDDING_DIM), dtype=jnp.float32)
    return {"x": x, "table": table}

def reference(x, table):
    # nn.Embedding forward: gather rows of the embedding table by index
    return jnp.take(table, x, axis=0)

if __name__ == "__main__":
    import jax
    _d = setup_inputs()
    print(jax.jit(kernel)(*tuple(_d.values())))

</pallas_src>

<mosaic_0001>
#map = affine_map<(d0, d1) -> (0, 0)>
#map1 = affine_map<(d0, d1) -> (0, 0, 0)>
module attributes {stable_mosaic.version = 14 : i64} {
  func.func @k(%arg0: i32, %arg1: i32, %arg2: memref<26x16384xi32, #tpu.memory_space<hbm>>, %arg3: memref<1000000x64xf32, #tpu.memory_space<hbm>>, %arg4: memref<26x64x16384xf32, #tpu.memory_space<hbm>>, %arg5: memref<26x512xi32, #tpu.memory_space<vmem>>, %arg6: memref<2x128x64xf32, #tpu.memory_space<vmem>>, %arg7: memref<2x64x129xf32, #tpu.memory_space<vmem>>, %arg8: memref<!tpu.dma_semaphore, #tpu.memory_space<semaphore_mem>>, %arg9: memref<!tpu.dma_semaphore, #tpu.memory_space<semaphore_mem>>, %arg10: memref<!tpu.dma_semaphore, #tpu.memory_space<semaphore_mem>>, %arg11: memref<!tpu.dma_semaphore, #tpu.memory_space<semaphore_mem>>) attributes {dimension_semantics = [#tpu.dimension_semantics<core_parallel>, #tpu.dimension_semantics<subcore_parallel>], iteration_bounds = array<i64: 2, 16>, scalar_prefetch = 0 : i64, scratch_operands = 7 : i64, tpu.core_type = #tpu.core_type<sc_vector_subcore>, window_params = [{transform_indices = #map}, {transform_indices = #map}, {transform_indices = #map1}]} {
    %mul3A = arith.constant 2 : i32
    %mul3A_0 = arith.muli %arg1, %mul3A : i32
    %add3A = arith.addi %mul3A_0, %arg0 : i32
    %mul3A_1 = arith.constant 512 : i32
    %mul3A_2 = arith.muli %add3A, %mul3A_1 : i32
    "tpu.region"() ({
      %run_scoped3A = tpu.sem_alloc : memref<!tpu.dma_semaphore, #tpu.memory_space<semaphore_mem>>
      %dma_start3A_178 = arith.constant 0 : i32
      %dma_start3A_179 = tpu.memref_slice %arg2[%dma_start3A_178, %mul3A_2] : memref<26x16384xi32, #tpu.memory_space<hbm>> -> memref<26x512xi32, #tpu.memory_space<hbm>>
      %dma_start3A_180 = arith.constant 0 : i32
      %dma_start3A_181 = tpu.memref_slice %arg2[%dma_start3A_180, %mul3A_2] : memref<26x16384xi32, #tpu.memory_space<hbm>> -> memref<26x512xi32, #tpu.memory_space<hbm>>
      tpu.enqueue_dma source(%dma_start3A_181 : memref<26x512xi32, #tpu.memory_space<hbm>>) target(%arg5 : memref<26x512xi32, #tpu.memory_space<vmem>>) target_semaphore(%run_scoped3A : memref<!tpu.dma_semaphore, #tpu.memory_space<semaphore_mem>>)
      %dma_wait3A_182 = arith.constant 0 : i32
      %dma_wait3A_183 = tpu.memref_slice %arg2[%dma_wait3A_182, %mul3A_2] : memref<26x16384xi32, #tpu.memory_space<hbm>> -> memref<26x512xi32, #tpu.memory_space<hbm>>
      %dma_wait3A_184 = arith.constant 0 : i32
      %dma_wait3A_185 = tpu.memref_slice %arg2[%dma_wait3A_184, %mul3A_2] : memref<26x16384xi32, #tpu.memory_space<hbm>> -> memref<26x512xi32, #tpu.memory_space<hbm>>
      tpu.wait_dma2 semaphore(%run_scoped3A : memref<!tpu.dma_semaphore, #tpu.memory_space<semaphore_mem>>) src(%dma_wait3A_185 : memref<26x512xi32, #tpu.memory_space<hbm>>) dst(%arg5 : memref<26x512xi32, #tpu.memory_space<vmem>>)
      tpu.yield
    }) : () -> ()
    %dma_start3A = arith.constant 0 : i32
    %dma_start3A_3 = arith.constant 0 : i32
    %dma_start3A_4 = arith.constant 0 : i32
    %dma_start3A_5 = arith.constant 0 : i32
    %dma_start3A_6 = tpu.memref_slice %arg6[%dma_start3A_3, %dma_start3A_4, %dma_start3A_5] : memref<2x128x64xf32, #tpu.memory_space<vmem>> -> memref<1x128x64xf32, #tpu.memory_space<vmem>>
    %dma_start3A_7 = tpu.memref_squeeze %dma_start3A_6 : memref<1x128x64xf32, #tpu.memory_space<vmem>> -> memref<128x64xf32, #tpu.memory_space<vmem>>
    %dma_start3A_8 = arith.constant 0 : i32
    %dma_start3A_9 = tpu.memref_slice %arg5[%dma_start3A, %dma_start3A_8] : memref<26x512xi32, #tpu.memory_space<vmem>> -> memref<1x128xi32, #tpu.memory_space<vmem>>
    %dma_start3A_10 = tpu.memref_squeeze %dma_start3A_9 : memref<1x128xi32, #tpu.memory_space<vmem>> -> memref<128xi32, #tpu.memory_space<vmem>>
    %dma_start3A_11 = arith.constant 0 : i32
    %dma_start3A_12 = arith.constant 0 : i32
    %dma_start3A_13 = tpu.memref_slice %arg3[%dma_start3A_11, %dma_start3A_12] : memref<1000000x64xf32, #tpu.memory_space<hbm>> -> memref<1000000x64xf32, #tpu.memory_space<hbm>>
    tpu.enqueue_indirect_dma source(%dma_start3A_13 : memref<1000000x64xf32, #tpu.memory_space<hbm>>) target(%dma_start3A_7 : memref<128x64xf32, #tpu.memory_space<vmem>>) offsets(%dma_start3A_10 : memref<128xi32, #tpu.memory_space<vmem>>) semaphore(%arg8 : memref<!tpu.dma_semaphore, #tpu.memory_space<semaphore_mem>>)
    %dma_start3A_14 = arith.constant 0 : i32
    %dma_start3A_15 = arith.constant 1 : i32
    %dma_start3A_16 = arith.constant 0 : i32
    %dma_start3A_17 = arith.constant 0 : i32
    %dma_start3A_18 = tpu.memref_slice %arg6[%dma_start3A_15, %dma_start3A_16, %dma_start3A_17] : memref<2x128x64xf32, #tpu.memory_space<vmem>> -> memref<1x128x64xf32, #tpu.memory_space<vmem>>
    %dma_start3A_19 = tpu.memref_squeeze %dma_start3A_18 : memref<1x128x64xf32, #tpu.memory_space<vmem>> -> memref<128x64xf32, #tpu.memory_space<vmem>>
    %dma_start3A_20 = arith.constant 128 : i32
    %dma_start3A_21 = tpu.memref_slice %arg5[%dma_start3A_14, %dma_start3A_20] : memref<26x512xi32, #tpu.memory_space<vmem>> -> memref<1x128xi32, #tpu.memory_space<vmem>>
    %dma_start3A_22 = tpu.memref_squeeze %dma_start3A_21 : memref<1x128xi32, #tpu.memory_space<vmem>> -> memref<128xi32, #tpu.memory_space<vmem>>
    %dma_start3A_23 = arith.constant 0 : i32
    %dma_start3A_24 = arith.constant 0 : i32
    %dma_start3A_25 = tpu.memref_slice %arg3[%dma_start3A_23, %dma_start3A_24] : memref<1000000x64xf32, #tpu.memory_space<hbm>> -> memref<1000000x64xf32, #tpu.memory_space<hbm>>
    tpu.enqueue_indirect_dma source(%dma_start3A_25 : memref<1000000x64xf32, #tpu.memory_space<hbm>>) target(%dma_start3A_19 : memref<128x64xf32, #tpu.memory_space<vmem>>) offsets(%dma_start3A_22 : memref<128xi32, #tpu.memory_space<vmem>>) semaphore(%arg9 : memref<!tpu.dma_semaphore, #tpu.memory_space<semaphore_mem>>)
    %scan3A = arith.constant 0 : i32
    %scan3A_26 = arith.constant 0 : i32
    %scan3A_27 = arith.constant 51 : i32
    %scan3A_28 = arith.addi %scan3A_26, %scan3A_27 : i32
    %scan3A_29 = arith.constant 1 : i32
    scf.for %scan3A_178 = %scan3A_26 to %scan3A_28 step %scan3A_29  : i32 {
      %mul3A_179 = arith.constant 2 : i32
      %mul3A_180 = arith.muli %scan3A_178, %mul3A_179 : i32
      %add3A_181 = arith.constant 0 : i32
      %add3A_182 = arith.addi %mul3A_180, %add3A_181 : i32
      %dma_wait3A_183 = arith.constant 0 : i32
      %dma_wait3A_184 = arith.constant 0 : i32
      %dma_wait3A_185 = arith.constant 0 : i32
      %dma_wait3A_186 = tpu.memref_slice %arg6[%dma_wait3A_183, %dma_wait3A_184, %dma_wait3A_185] : memref<2x128x64xf32, #tpu.memory_space<vmem>> -> memref<1x128x64xf32, #tpu.memory_space<vmem>>
      %dma_wait3A_187 = tpu.memref_squeeze %dma_wait3A_186 : memref<1x128x64xf32, #tpu.memory_space<vmem>> -> memref<128x64xf32, #tpu.memory_space<vmem>>
      %dma_wait3A_188 = arith.constant 0 : i32
      %dma_wait3A_189 = arith.constant 0 : i32
      %dma_wait3A_190 = tpu.memref_slice %arg3[%dma_wait3A_188, %dma_wait3A_189] : memref<1000000x64xf32, #tpu.memory_space<hbm>> -> memref<128x64xf32, #tpu.memory_space<hbm>>
      %dma_wait3A_191 = arith.constant 0 : i32
      %dma_wait3A_192 = arith.constant 0 : i32
      %dma_wait3A_193 = tpu.memref_slice %arg6[%dma_wait3A_183, %dma_wait3A_191, %dma_wait3A_192] : memref<2x128x64xf32, #tpu.memory_space<vmem>> -> memref<1x128x64xf32, #tpu.memory_space<vmem>>
      %dma_wait3A_194 = tpu.memref_squeeze %dma_wait3A_193 : memref<1x128x64xf32, #tpu.memory_space<vmem>> -> memref<128x64xf32, #tpu.memory_space<vmem>>
      %dma_wait3A_195 = arith.constant 0 : i32
      %dma_wait3A_196 = arith.constant 0 : i32
      %dma_wait3A_197 = tpu.memref_slice %arg3[%dma_wait3A_195, %dma_wait3A_196] : memref<1000000x64xf32, #tpu.memory_space<hbm>> -> memref<128x64xf32, #tpu.memory_space<hbm>>
      tpu.wait_dma2 semaphore(%arg8 : memref<!tpu.dma_semaphore, #tpu.memory_space<semaphore_mem>>) src(%dma_wait3A_197 : memref<128x64xf32, #tpu.memory_space<hbm>>) dst(%dma_wait3A_194 : memref<128x64xf32, #tpu.memory_space<vmem>>)
      %iota3A_198 = tpu.iota {dimensions = array<i32: 0>} : vector<16xi32>
      %add3A_199 = arith.constant 0 : i32
      %add3A_200 = vector.broadcast %add3A_199 : i32 to vector<16xi32>
      %add3A_201 = arith.addi %iota3A_198, %add3A_200 : vector<16xi32>
      %iota3A_202 = tpu.iota {dimensions = array<i32: 0>} : vector<16xi32>
      %add3A_203 = arith.constant 16 : i32
      %add3A_204 = vector.broadcast %add3A_203 : i32 to vector<16xi32>
      %add3A_205 = arith.addi %iota3A_202, %add3A_204 : vector<16xi32>
      %iota3A_206 = tpu.iota {dimensions = array<i32: 0>} : vector<16xi32>
      %add3A_207 = arith.constant 32 : i32
      %add3A_208 = vector.broadcast %add3A_207 : i32 to vector<16xi32>
      %add3A_209 = arith.addi %iota3A_206, %add3A_208 : vector<16xi32>
      %iota3A_210 = tpu.iota {dimensions = array<i32: 0>} : vector<16xi32>
      %add3A_211 = arith.constant 48 : i32
      %add3A_212 = vector.broadcast %add3A_211 : i32 to vector<16xi32>
      %add3A_213 = arith.addi %iota3A_210, %add3A_212 : vector<16xi32>
      %broadcast_in_dim3A_214 = arith.constant 1 : i32
      %broadcast_in_dim3A_215 = vector.broadcast %broadcast_in_dim3A_214 : i32 to vector<16xi32>
      %scan3A_216 = arith.constant 0 : i32
      %scan3A_217 = arith.constant 0 : i32
      %scan3A_218 = arith.constant 16 : i32
      %scan3A_219 = arith.addi %scan3A_217, %scan3A_218 : i32
      %scan3A_220 = arith.constant 1 : i32
      scf.for %scan3A_515 = %scan3A_217 to %scan3A_219 step %scan3A_220  : i32 {
        %mul3A_516 = arith.constant 8 : i32
        %mul3A_517 = arith.muli %scan3A_515, %mul3A_516 : i32
        %add3A_518 = arith.constant 0 : i32
        %add3A_519 = arith.addi %mul3A_517, %add3A_518 : i32
        %mul3A_520 = vector.broadcast %add3A_519 : i32 to vector<16xi32>
        %mul3A_521 = arith.muli %broadcast_in_dim3A_215, %mul3A_520 : vector<16xi32>
        %get3A = arith.constant 0 : i32
        %get3A_522 = arith.index_cast %get3A : i32 to index
        %get3A_523 = arith.index_cast %add3A_519 : i32 to index
        %get3A_524 = arith.constant 0 : index
        %get3A_525 = tpu.vector_load %arg6[%get3A_522, %get3A_523, %get3A_524] {strides = array<i32>} : memref<2x128x64xf32, #tpu.memory_space<vmem>>, vector<16xf32>,
        %scatter3A = arith.constant 0 : i32
        %scatter3A_526 = arith.constant 0 : i32
        %scatter3A_527 = arith.constant 0 : i32
        %scatter3A_528 = tpu.memref_slice %arg7[%scatter3A, %scatter3A_526, %scatter3A_527] : memref<2x64x129xf32, #tpu.memory_space<vmem>> -> memref<1x64x129xf32, #tpu.memory_space<vmem>>
        %scatter3A_529 = tpu.memref_squeeze %scatter3A_528 : memref<1x64x129xf32, #tpu.memory_space<vmem>> -> memref<64x129xf32, #tpu.memory_space<vmem>>
        tpu.vector_store_idx %scatter3A_529[%add3A_201, %mul3A_521], %get3A_525 : memref<64x129xf32, #tpu.memory_space<vmem>>[vector<16xi32>, vector<16xi32>], vector<16xf32>,
        %get3A_530 = arith.constant 0 : i32
        %get3A_531 = arith.index_cast %get3A_530 : i32 to index
        %get3A_532 = arith.index_cast %add3A_519 : i32 to index
        %get3A_533 = arith.constant 16 : index
        %get3A_534 = tpu.vector_load %arg6[%get3A_531, %get3A_532, %get3A_533] {strides = array<i32>} : memref<2x128x64xf32, #tpu.memory_space<vmem>>, vector<16xf32>,
        %scatter3A_535 = arith.constant 0 : i32
        %scatter3A_536 = arith.constant 0 : i32
        %scatter3A_537 = arith.constant 0 : i32
        %scatter3A_538 = tpu.memref_slice %arg7[%scatter3A_535, %scatter3A_536, %scatter3A_537] : memref<2x64x129xf32, #tpu.memory_space<vmem>> -> memref<1x64x129xf32, #tpu.memory_space<vmem>>
        %scatter3A_539 = tpu.memref_squeeze %scatter3A_538 : memref<1x64x129xf32, #tpu.memory_space<vmem>> -> memref<64x129xf32, #tpu.memory_space<vmem>>
        tpu.vector_store_idx %scatter3A_539[%add3A_205, %mul3A_521], %get3A_534 : memref<64x129xf32, #tpu.memory_space<vmem>>[vector<16xi32>, vector<16xi32>], vector<16xf32>,
        %get3A_540 = arith.constant 0 : i32
        %get3A_541 = arith.index_cast %get3A_540 : i32 to index
        %get3A_542 = arith.index_cast %add3A_519 : i32 to index
        %get3A_543 = arith.constant 32 : index
        %get3A_544 = tpu.vector_load %arg6[%get3A_541, %get3A_542, %get3A_543] {strides = array<i32>} : memref<2x128x64xf32, #tpu.memory_space<vmem>>, vector<16xf32>,
        %scatter3A_545 = arith.constant 0 : i32
        %scatter3A_546 = arith.constant 0 : i32
        %scatter3A_547 = arith.constant 0 : i32
        %scatter3A_548 = tpu.memref_slice %arg7[%scatter3A_545, %scatter3A_546, %scatter3A_547] : memref<2x64x129xf32, #tpu.memory_space<vmem>> -> memref<1x64x129xf32, #tpu.memory_space<vmem>>
        %scatter3A_549 = tpu.memref_squeeze %scatter3A_548 : memref<1x64x129xf32, #tpu.memory_space<vmem>> -> memref<64x129xf32, #tpu.memory_space<vmem>>
        tpu.vector_store_idx %scatter3A_549[%add3A_209, %mul3A_521], %get3A_544 : memref<64x129xf32, #tpu.memory_space<vmem>>[vector<16xi32>, vector<16xi32>], vector<16xf32>,
        %get3A_550 = arith.constant 0 : i32
        %get3A_551 = arith.index_cast %get3A_550 : i32 to index
        %get3A_552 = arith.index_cast %add3A_519 : i32 to index
        %get3A_553 = arith.constant 48 : index
        %get3A_554 = tpu.vector_load %arg6[%get3A_551, %get3A_552, %get3A_553] {strides = array<i32>} : memref<2x128x64xf32, #tpu.memory_space<vmem>>, vector<16xf32>,
        %scatter3A_555 = arith.constant 0 : i32
        %scatter3A_556 = arith.constant 0 : i32
        %scatter3A_557 = arith.constant 0 : i32
        %scatter3A_558 = tpu.memref_slice %arg7[%scatter3A_555, %scatter3A_556, %scatter3A_557] : memref<2x64x129xf32, #tpu.memory_space<vmem>> -> memref<1x64x129xf32, #tpu.memory_space<vmem>>
        %scatter3A_559 = tpu.memref_squeeze %scatter3A_558 : memref<1x64x129xf32, #tpu.memory_space<vmem>> -> memref<64x129xf32, #tpu.memory_space<vmem>>
        tpu.vector_store_idx %scatter3A_559[%add3A_213, %mul3A_521], %get3A_554 : memref<64x129xf32, #tpu.memory_space<vmem>>[vector<16xi32>, vector<16xi32>], vector<16xf32>,
        %mul3A_560 = arith.constant 8 : i32
        %mul3A_561 = arith.muli %scan3A_515, %mul3A_560 : i32
        %add3A_562 = arith.constant 1 : i32
        %add3A_563 = arith.addi %mul3A_561, %add3A_562 : i32
        %mul3A_564 = vector.broadcast %add3A_563 : i32 to vector<16xi32>
        %mul3A_565 = arith.muli %broadcast_in_dim3A_215, %mul3A_564 : vector<16xi32>
        %get3A_566 = arith.constant 0 : i32
        %get3A_567 = arith.index_cast %get3A_566 : i32 to index
        %get3A_568 = arith.index_cast %add3A_563 : i32 to index
        %get3A_569 = arith.constant 0 : index
        %get3A_570 = tpu.vector_load %arg6[%get3A_567, %get3A_568, %get3A_569] {strides = array<i32>} : memref<2x128x64xf32, #tpu.memory_space<vmem>>, vector<16xf32>,
        %scatter3A_571 = arith.constant 0 : i32
        %scatter3A_572 = arith.constant 0 : i32
        %scatter3A_573 = arith.constant 0 : i32
        %scatter3A_574 = tpu.memref_slice %arg7[%scatter3A_571, %scatter3A_572, %scatter3A_573] : memref<2x64x129xf32, #tpu.memory_space<vmem>> -> memref<1x64x129xf32, #tpu.memory_space<vmem>>
        %scatter3A_575 = tpu.memref_squeeze %scatter3A_574 : memref<1x64x129xf32, #tpu.memory_space<vmem>> -> memref<64x129xf32, #tpu.memory_space<vmem>>
        tpu.vector_store_idx %scatter3A_575[%add3A_201, %mul3A_565], %get3A_570 : memref<64x129xf32, #tpu.memory_space<vmem>>[vector<16xi32>, vector<16xi32>], vector<16xf32>,
        %get3A_576 = arith.constant 0 : i32
        %get3A_577 = arith.index_cast %get3A_576 : i32 to index
        %get3A_578 = arith.index_cast %add3A_563 : i32 to index
        %get3A_579 = arith.constant 16 : index
        %get3A_580 = tpu.vector_load %arg6[%get3A_577, %get3A_578, %get3A_579] {strides = array<i32>} : memref<2x128x64xf32, #tpu.memory_space<vmem>>, vector<16xf32>,
        %scatter3A_581 = arith.constant 0 : i32
        %scatter3A_582 = arith.constant 0 : i32
        %scatter3A_583 = arith.constant 0 : i32
        %scatter3A_584 = tpu.memref_slice %arg7[%scatter3A_581, %scatter3A_582, %scatter3A_583] : memref<2x64x129xf32, #tpu.memory_space<vmem>> -> memref<1x64x129xf32, #tpu.memory_space<vmem>>
        %scatter3A_585 = tpu.memref_squeeze %scatter3A_584 : memref<1x64x129xf32, #tpu.memory_space<vmem>> -> memref<64x129xf32, #tpu.memory_space<vmem>>
        tpu.vector_store_idx %scatter3A_585[%add3A_205, %mul3A_565], %get3A_580 : memref<64x129xf32, #tpu.memory_space<vmem>>[vector<16xi32>, vector<16xi32>], vector<16xf32>,
        %get3A_586 = arith.constant 0 : i32
        %get3A_587 = arith.index_cast %get3A_586 : i32 to index
        %get3A_588 = arith.index_cast %add3A_563 : i32 to index
        %get3A_589 = arith.constant 32 : index
        %get3A_590 = tpu.vector_load %arg6[%get3A_587, %get3A_588, %get3A_589] {strides = array<i32>} : memref<2x128x64xf32, #tpu.memory_space<vmem>>, vector<16xf32>,
        %scatter3A_591 = arith.constant 0 : i32
        %scatter3A_592 = arith.constant 0 : i32
        %scatter3A_593 = arith.constant 0 : i32
        %scatter3A_594 = tpu.memref_slice %arg7[%scatter3A_591, %scatter3A_592, %scatter3A_593] : memref<2x64x129xf32, #tpu.memory_space<vmem>> -> memref<1x64x129xf32, #tpu.memory_space<vmem>>
        %scatter3A_595 = tpu.memref_squeeze %scatter3A_594 : memref<1x64x129xf32, #tpu.memory_space<vmem>> -> memref<64x129xf32, #tpu.memory_space<vmem>>
        tpu.vector_store_idx %scatter3A_595[%add3A_209, %mul3A_565], %get3A_590 : memref<64x129xf32, #tpu.memory_space<vmem>>[vector<16xi32>, vector<16xi32>], vector<16xf32>,
        %get3A_596 = arith.constant 0 : i32
        %get3A_597 = arith.index_cast %get3A_596 : i32 to index
        %get3A_598 = arith.index_cast %add3A_563 : i32 to index
        %get3A_599 = arith.constant 48 : index
        %get3A_600 = tpu.vector_load %arg6[%get3A_597, %get3A_598, %get3A_599] {strides = array<i32>} : memref<2x128x64xf32, #tpu.memory_space<vmem>>, vector<16xf32>,
        %scatter3A_601 = arith.constant 0 : i32
        %scatter3A_602 = arith.constant 0 : i32
        %scatter3A_603 = arith.constant 0 : i32
        %scatter3A_604 = tpu.memref_slice %arg7[%scatter3A_601, %scatter3A_602, %scatter3A_603] : memref<2x64x129xf32, #tpu.memory_space<vmem>> -> memref<1x64x129xf32, #tpu.memory_space<vmem>>
        %scatter3A_605 = tpu.memref_squeeze %scatter3A_604 : memref<1x64x129xf32, #tpu.memory_space<vmem>> -> memref<64x129xf32, #tpu.memory_space<vmem>>
        tpu.vector_store_idx %scatter3A_605[%add3A_213, %mul3A_565], %get3A_600 : memref<64x129xf32, #tpu.memory_space<vmem>>[vector<16xi32>, vector<16xi32>], vector<16xf32>,
        %mul3A_606 = arith.constant 8 : i32
        %mul3A_607 = arith.muli %scan3A_515, %mul3A_606 : i32
        %add3A_608 = arith.constant 2 : i32
        %add3A_609 = arith.addi %mul3A_607, %add3A_608 : i32
        %mul3A_610 = vector.broadcast %add3A_609 : i32 to vector<16xi32>
        %mul3A_611 = arith.muli %broadcast_in_dim3A_215, %mul3A_610 : vector<16xi32>
        %get3A_612 = arith.constant 0 : i32
        %get3A_613 = arith.index_cast %get3A_612 : i32 to index
        %get3A_614 = arith.index_cast %add3A_609 : i32 to index
        %get3A_615 = arith.constant 0 : index
        %get3A_616 = tpu.vector_load %arg6[%get3A_613, %get3A_614, %get3A_615] {strides = array<i32>} : memref<2x128x64xf32, #tpu.memory_space<vmem>>, vector<16xf32>,
        %scatter3A_617 = arith.constant 0 : i32
        %scatter3A_618 = arith.constant 0 : i32
        %scatter3A_619 = arith.constant 0 : i32
        %scatter3A_620 = tpu.memref_slice %arg7[%scatter3A_617, %scatter3A_618, %scatter3A_619] : memref<2x64x129xf32, #tpu.memory_space<vmem>> -> memref<1x64x129xf32, #tpu.memory_space<vmem>>
        %scatter3A_621 = tpu.memref_squeeze %scatter3A_620 : memref<1x64x129xf32, #tpu.memory_space<vmem>> -> memref<64x129xf32, #tpu.memory_space<vmem>>
        tpu.vector_store_idx %scatter3A_621[%add3A_201, %mul3A_611], %get3A_616 : memref<64x129xf32, #tpu.memory_space<vmem>>[vector<16xi32>, vector<16xi32>], vector<16xf32>,
        %get3A_622 = arith.constant 0 : i32
        %get3A_623 = arith.index_cast %get3A_622 : i32 to index
        %get3A_624 = arith.index_cast %add3A_609 : i32 to index
        %get3A_625 = arith.constant 16 : index
        %get3A_626 = tpu.vector_load %arg6[%get3A_623, %get3A_624, %get3A_625] {strides = array<i32>} : memref<2x128x64xf32, #tpu.memory_space<vmem>>, vector<16xf32>,
        %scatter3A_627 = arith.constant 0 : i32
        %scatter3A_628 = arith.constant 0 : i32
        %scatter3A_629 = arith.constant 0 : i32
        %scatter3A_630 = tpu.memref_slice %arg7[%scatter3A_627, %scatter3A_628, %scatter3A_629] : memref<2x64x129xf32, #tpu.memory_space<vmem>> -> memref<1x64x129xf32, #tpu.memory_space<vmem>>
        %scatter3A_631 = tpu.memref_squeeze %scatter3A_630 : memref<1x64x129xf32, #tpu.memory_space<vmem>> -> memref<64x129xf32, #tpu.memory_space<vmem>>
        tpu.vector_store_idx %scatter3A_631[%add3A_205, %mul3A_611], %get3A_626 : memref<64x129xf32, #tpu.memory_space<vmem>>[vector<16xi32>, vector<16xi32>], vector<16xf32>,
        %get3A_632 = arith.constant 0 : i32
        %get3A_633 = arith.index_cast %get3A_632 : i32 to index
        %get3A_634 = arith.index_cast %add3A_609 : i32 to index
        %get3A_635 = arith.constant 32 : index
        %get3A_636 = tpu.vector_load %arg6[%get3A_633, %get3A_634, %get3A_635] {strides = array<i32>} : memref<2x128x64xf32, #tpu.memory_space<vmem>>, vector<16xf32>,
        %scatter3A_637 = arith.constant 0 : i32
        %scatter3A_638 = arith.constant 0 : i32
        %scatter3A_639 = arith.constant 0 : i32
        %scatter3A_640 = tpu.memref_slice %arg7[%scatter3A_637, %scatter3A_638, %scatter3A_639] : memref<2x64x129xf32, #tpu.memory_space<vmem>> -> memref<1x64x129xf32, #tpu.memory_space<vmem>>
        %scatter3A_641 = tpu.memref_squeeze %scatter3A_640 : memref<1x64x129xf32, #tpu.memory_space<vmem>> -> memref<64x129xf32, #tpu.memory_space<vmem>>
        tpu.vector_store_idx %scatter3A_641[%add3A_209, %mul3A_611], %get3A_636 : memref<64x129xf32, #tpu.memory_space<vmem>>[vector<16xi32>, vector<16xi32>], vector<16xf32>,
        %get3A_642 = arith.constant 0 : i32
        %get3A_643 = arith.index_cast %get3A_642 : i32 to index
        %get3A_644 = arith.index_cast %add3A_609 : i32 to index
        %get3A_645 = arith.constant 48 : index
        %get3A_646 = tpu.vector_load %arg6[%get3A_643, %get3A_644, %get3A_645] {strides = array<i32>} : memref<2x128x64xf32, #tpu.memory_space<vmem>>, vector<16xf32>,
        %scatter3A_647 = arith.constant 0 : i32
        %scatter3A_648 = arith.constant 0 : i32
        %scatter3A_649 = arith.constant 0 : i32
        %scatter3A_650 = tpu.memref_slice %arg7[%scatter3A_647, %scatter3A_648, %scatter3A_649] : memref<2x64x129xf32, #tpu.memory_space<vmem>> -> memref<1x64x129xf32, #tpu.memory_space<vmem>>
        %scatter3A_651 = tpu.memref_squeeze %scatter3A_650 : memref<1x64x129xf32, #tpu.memory_space<vmem>> -> memref<64x129xf32, #tpu.memory_space<vmem>>
        tpu.vector_store_idx %scatter3A_651[%add3A_213, %mul3A_611], %get3A_646 : memref<64x129xf32, #tpu.memory_space<vmem>>[vector<16xi32>, vector<16xi32>], vector<16xf32>,
        %mul3A_652 = arith.constant 8 : i32
        %mul3A_653 = arith.muli %scan3A_515, %mul3A_652 : i32
        %add3A_654 = arith.constant 3 : i32
        %add3A_655 = arith.addi %mul3A_653, %add3A_654 : i32
        %mul3A_656 = vector.broadcast %add3A_655 : i32 to vector<16xi32>
        %mul3A_657 = arith.muli %broadcast_in_dim3A_215, %mul3A_656 : vector<16xi32>
        %get3A_658 = arith.constant 0 : i32
        %get3A_659 = arith.index_cast %get3A_658 : i32 to index
        %get3A_660 = arith.index_cast %add3A_655 : i32 to index
        %get3A_661 = arith.constant 0 : index
        %get3A_662 = tpu.vector_load %arg6[%get3A_659, %get3A_660, %get3A_661] {strides = array<i32>} : memref<2x128x64xf32, #tpu.memory_space<vmem>>, vector<16xf32>,
        %scatter3A_663 = arith.constant 0 : i32
        %scatter3A_664 = arith.constant 0 : i32
        %scatter3A_665 = arith.constant 0 : i32
        %scatter3A_666 = tpu.memref_slice %arg7[%scatter3A_663, %scatter3A_664, %scatter3A_665] : memref<2x64x129xf32, #tpu.memory_space<vmem>> -> memref<1x64x129xf32, #tpu.memory_space<vmem>>
        %scatter3A_667 = tpu.memref_squeeze %scatter3A_666 : memref<1x64x129xf32, #tpu.memory_space<vmem>> -> memref<64x129xf32, #tpu.memory_space<vmem>>
        tpu.vector_store_idx %scatter3A_667[%add3A_201, %mul3A_657], %get3A_662 : memref<64x129xf32, #tpu.memory_space<vmem>>[vector<16xi32>, vector<16xi32>], vector<16xf32>,
        %get3A_668 = arith.constant 0 : i32
        %get3A_669 = arith.index_cast %get3A_668 : i32 to index
        %get3A_670 = arith.index_cast %add3A_655 : i32 to index
        %get3A_671 = arith.constant 16 : index
        %get3A_672 = tpu.vector_load %arg6[%get3A_669, %get3A_670, %get3A_671] {strides = array<i32>} : memref<2x128x64xf32, #tpu.memory_space<vmem>>, vector<16xf32>,
        %scatter3A_673 = arith.constant 0 : i32
        %scatter3A_674 = arith.constant 0 : i32
        %scatter3A_675 = arith.constant 0 : i32
        %scatter3A_676 = tpu.memref_slice %arg7[%scatter3A_673, %scatter3A_674, %scatter3A_675] : memref<2x64x129xf32, #tpu.memory_space<vmem>> -> memref<1x64x129xf32, #tpu.memory_space<vmem>>
        %scatter3A_677 = tpu.memref_squeeze %scatter3A_676 : memref<1x64x129xf32, #tpu.memory_space<vmem>> -> memref<64x129xf32, #tpu.memory_space<vmem>>
        tpu.vector_store_idx %scatter3A_677[%add3A_205, %mul3A_657], %get3A_672 : memref<64x129xf32, #tpu.memory_space<vmem>>[vector<16xi32>, vector<16xi32>], vector<16xf32>,
        %get3A_678 = arith.constant 0 : i32
        %get3A_679 = arith.index_cast %get3A_678 : i32 to index
        %get3A_680 = arith.index_cast %add3A_655 : i32 to index
        %get3A_681 = arith.constant 32 : index
        %get3A_682 = tpu.vector_load %arg6[%get3A_679, %get3A_680, %get3A_681] {strides = array<i32>} : memref<2x128x64xf32, #tpu.memory_space<vmem>>, vector<16xf32>,
        %scatter3A_683 = arith.constant 0 : i32
        %scatter3A_684 = arith.constant 0 : i32
        %scatter3A_685 = arith.constant 0 : i32
        %scatter3A_686 = tpu.memref_slice %arg7[%scatter3A_683, %scatter3A_684, %scatter3A_685] : memref<2x64x129xf32, #tpu.memory_space<vmem>> -> memref<1x64x129xf32, #tpu.memory_space<vmem>>
        %scatter3A_687 = tpu.memref_squeeze %scatter3A_686 : memref<1x64x129xf32, #tpu.memory_space<vmem>> -> memref<64x129xf32, #tpu.memory_space<vmem>>
        tpu.vector_store_idx %scatter3A_687[%add3A_209, %mul3A_657], %get3A_682 : memref<64x129xf32, #tpu.memory_space<vmem>>[vector<16xi32>, vector<16xi32>], vector<16xf32>,
        %get3A_688 = arith.constant 0 : i32
        %get3A_689 = arith.index_cast %get3A_688 : i32 to index
        %get3A_690 = arith.index_cast %add3A_655 : i32 to index
        %get3A_691 = arith.constant 48 : index
        %get3A_692 = tpu.vector_load %arg6[%get3A_689, %get3A_690, %get3A_691] {strides = array<i32>} : memref<2x128x64xf32, #tpu.memory_space<vmem>>, vector<16xf32>,
        %scatter3A_693 = arith.constant 0 : i32
        %scatter3A_694 = arith.constant 0 : i32
        %scatter3A_695 = arith.constant 0 : i32
        %scatter3A_696 = tpu.memref_slice %arg7[%scatter3A_693, %scatter3A_694, %scatter3A_695] : memref<2x64x129xf32, #tpu.memory_space<vmem>> -> memref<1x64x129xf32, #tpu.memory_space<vmem>>
        %scatter3A_697 = tpu.memref_squeeze %scatter3A_696 : memref<1x64x129xf32, #tpu.memory_space<vmem>> -> memref<64x129xf32, #tpu.memory_space<vmem>>
        tpu.vector_store_idx %scatter3A_697[%add3A_213, %mul3A_657], %get3A_692 : memref<64x129xf32, #tpu.memory_space<vmem>>[vector<16xi32>, vector<16xi32>], vector<16xf32>,
        %mul3A_698 = arith.constant 8 : i32
        %mul3A_699 = arith.muli %scan3A_515, %mul3A_698 : i32
        %add3A_700 = arith.constant 4 : i32
        %add3A_701 = arith.addi %mul3A_699, %add3A_700 : i32
        %mul3A_702 = vector.broadcast %add3A_701 : i32 to vector<16xi32>
        %mul3A_703 = arith.muli %broadcast_in_dim3A_215, %mul3A_702 : vector<16xi32>
        %get3A_704 = arith.constant 0 : i32
        %get3A_705 = arith.index_cast %get3A_704 : i32 to index
        %get3A_706 = arith.index_cast %add3A_701 : i32 to index
        %get3A_707 = arith.constant 0 : index
        %get3A_708 = tpu.vector_load %arg6[%get3A_705, %get3A_706, %get3A_707] {strides = array<i32>} : memref<2x128x64xf32, #tpu.memory_space<vmem>>, vector<16xf32>,
        %scatter3A_709 = arith.constant 0 : i32
        %scatter3A_710 = arith.constant 0 : i32
        %scatter3A_711 = arith.constant 0 : i32
        %scatter3A_712 = tpu.memref_slice %arg7[%scatter3A_709, %scatter3A_710, %scatter3A_711] : memref<2x64x129xf32, #tpu.memory_space<vmem>> -> memref<1x64x129xf32, #tpu.memory_space<vmem>>
        %scatter3A_713 = tpu.memref_squeeze %scatter3A_712 : memref<1x64x129xf32, #tpu.memory_space<vmem>> -> memref<64x129xf32, #tpu.memory_space<vmem>>
        tpu.vector_store_idx %scatter3A_713[%add3A_201, %mul3A_703], %get3A_708 : memref<64x129xf32, #tpu.memory_space<vmem>>[vector<16xi32>, vector<16xi32>], vector<16xf32>,
        %get3A_714 = arith.constant 0 : i32
        %get3A_715 = arith.index_cast %get3A_714 : i32 to index
        %get3A_716 = arith.index_cast %add3A_701 : i32 to index
        %get3A_717 = arith.constant 16 : index
        %get3A_718 = tpu.vector_load %arg6[%get3A_715, %get3A_716, %get3A_717] {strides = array<i32>} : memref<2x128x64xf32, #tpu.memory_space<vmem>>, vector<16xf32>,
        %scatter3A_719 = arith.constant 0 : i32
        %scatter3A_720 = arith.constant 0 : i32
        %scatter3A_721 = arith.constant 0 : i32
        %scatter3A_722 = tpu.memref_slice %arg7[%scatter3A_719, %scatter3A_720, %scatter3A_721] : memref<2x64x129xf32, #tpu.memory_space<vmem>> -> memref<1x64x129xf32, #tpu.memory_space<vmem>>
        %scatter3A_723 = tpu.memref_squeeze %scatter3A_722 : memref<1x64x129xf32, #tpu.memory_space<vmem>> -> memref<64x129xf32, #tpu.memory_space<vmem>>
        tpu.vector_store_idx %scatter3A_723[%add3A_205, %mul3A_703], %get3A_718 : memref<64x129xf32, #tpu.memory_space<vmem>>[vector<16xi32>, vector<16xi32>], vector<16xf32>,
        %get3A_724 = arith.constant 0 : i32
        %get3A_725 = arith.index_cast %get3A_724 : i32 to index
        %get3A_726 = arith.index_cast %add3A_701 : i32 to index
        %get3A_727 = arith.constant 32 : index
        %get3A_728 = tpu.vector_load %arg6[%get3A_725, %get3A_726, %get3A_727] {strides = array<i32>} : memref<2x128x64xf32, #tpu.memory_space<vmem>>, vector<16xf32>,
        %scatter3A_729 = arith.constant 0 : i32
        %scatter3A_730 = arith.constant 0 : i32
        %scatter3A_731 = arith.constant 0 : i32
        %scatter3A_732 = tpu.memref_slice %arg7[%scatter3A_729, %scatter3A_730, %scatter3A_731] : memref<2x64x129xf32, #tpu.memory_space<vmem>> -> memref<1x64x129xf32, #tpu.memory_space<vmem>>
        %scatter3A_733 = tpu.memref_squeeze %scatter3A_732 : memref<1x64x129xf32, #tpu.memory_space<vmem>> -> memref<64x129xf32, #tpu.memory_space<vmem>>
        tpu.vector_store_idx %scatter3A_733[%add3A_209, %mul3A_703], %get3A_728 : memref<64x129xf32, #tpu.memory_space<vmem>>[vector<16xi32>, vector<16xi32>], vector<16xf32>,
        %get3A_734 = arith.constant 0 : i32
        %get3A_735 = arith.index_cast %get3A_734 : i32 to index
        %get3A_736 = arith.index_cast %add3A_701 : i32 to index
        %get3A_737 = arith.constant 48 : index
        %get3A_738 = tpu.vector_load %arg6[%get3A_735, %get3A_736, %get3A_737] {strides = array<i32>} : memref<2x128x64xf32, #tpu.memory_space<vmem>>, vector<16xf32>,
        %scatter3A_739 = arith.constant 0 : i32
        %scatter3A_740 = arith.constant 0 : i32
        %scatter3A_741 = arith.constant 0 : i32
        %scatter3A_742 = tpu.memref_slice %arg7[%scatter3A_739, %scatter3A_740, %scatter3A_741] : memref<2x64x129xf32, #tpu.memory_space<vmem>> -> memref<1x64x129xf32, #tpu.memory_space<vmem>>
        %scatter3A_743 = tpu.memref_squeeze %scatter3A_742 : memref<1x64x129xf32, #tpu.memory_space<vmem>> -> memref<64x129xf32, #tpu.memory_space<vmem>>
        tpu.vector_store_idx %scatter3A_743[%add3A_213, %mul3A_703], %get3A_738 : memref<64x129xf32, #tpu.memory_space<vmem>>[vector<16xi32>, vector<16xi32>], vector<16xf32>,
        %mul3A_744 = arith.constant 8 : i32
        %mul3A_745 = arith.muli %scan3A_515, %mul3A_744 : i32
        %add3A_746 = arith.constant 5 : i32
        %add3A_747 = arith.addi %mul3A_745, %add3A_746 : i32
        %mul3A_748 = vector.broadcast %add3A_747 : i32 to vector<16xi32>
        %mul3A_749 = arith.muli %broadcast_in_dim3A_215, %mul3A_748 : vector<16xi32>
        %get3A_750 = arith.constant 0 : i32
        %get3A_751 = arith.index_cast %get3A_750 : i32 to index
        %get3A_752 = arith.index_cast %add3A_747 : i32 to index
        %get3A_753 = arith.constant 0 : index
        %get3A_754 = tpu.vector_load %arg6[%get3A_751, %get3A_752, %get3A_753] {strides = array<i32>} : memref<2x128x64xf32, #tpu.memory_space<vmem>>, vector<16xf32>,
        %scatter3A_755 = arith.constant 0 : i32
        %scatter3A_756 = arith.constant 0 : i32
        %scatter3A_757 = arith.constant 0 : i32
        %scatter3A_758 = tpu.memref_slice %arg7[%scatter3A_755, %scatter3A_756, %scatter3A_757] : memref<2x64x129xf32, #tpu.memory_space<vmem>> -> memref<1x64x129xf32, #tpu.memory_space<vmem>>
        %scatter3A_759 = tpu.memref_squeeze %scatter3A_758 : memref<1x64x129xf32, #tpu.memory_space<vmem>> -> memref<64x129xf32, #tpu.memory_space<vmem>>
        tpu.vector_store_idx %scatter3A_759[%add3A_201, %mul3A_749], %get3A_754 : memref<64x129xf32, #tpu.memory_space<vmem>>[vector<16xi32>, vector<16xi32>], vector<16xf32>,
        %get3A_760 = arith.constant 0 : i32
        %get3A_761 = arith.index_cast %get3A_760 : i32 to index
        %get3A_762 = arith.index_cast %add3A_747 : i32 to index
        %get3A_763 = arith.constant 16 : index
        %get3A_764 = tpu.vector_load %arg6[%get3A_761, %get3A_762, %get3A_763] {strides = array<i32>} : memref<2x128x64xf32, #tpu.memory_space<vmem>>, vector<16xf32>,
        %scatter3A_765 = arith.constant 0 : i32
        %scatter3A_766 = arith.constant 0 : i32
        %scatter3A_767 = arith.constant 0 : i32
        %scatter3A_768 = tpu.memref_slice %arg7[%scatter3A_765, %scatter3A_766, %scatter3A_767] : memref<2x64x129xf32, #tpu.memory_space<vmem>> -> memref<1x64x129xf32, #tpu.memory_space<vmem>>
        %scatter3A_769 = tpu.memref_squeeze %scatter3A_768 : memref<1x64x129xf32, #tpu.memory_space<vmem>> -> memref<64x129xf32, #tpu.memory_space<vmem>>
        tpu.vector_store_idx %scatter3A_769[%add3A_205, %mul3A_749], %get3A_764 : memref<64x129xf32, #tpu.memory_space<vmem>>[vector<16xi32>, vector<16xi32>], vector<16xf32>,
        %get3A_770 = arith.constant 0 : i32
        %get3A_771 = arith.index_cast %get3A_770 : i32 to index
        %get3A_772 = arith.index_cast %add3A_747 : i32 to index
        %get3A_773 = arith.constant 32 : index
        %get3A_774 = tpu.vector_load %arg6[%get3A_771, %get3A_772, %get3A_773] {strides = array<i32>} : memref<2x128x64xf32, #tpu.memory_space<vmem>>, vector<16xf32>,
        %scatter3A_775 = arith.constant 0 : i32
        %scatter3A_776 = arith.constant 0 : i32
        %scatter3A_777 = arith.constant 0 : i32
        %scatter3A_778 = tpu.memref_slice %arg7[%scatter3A_775, %scatter3A_776, %scatter3A_777] : memref<2x64x129xf32, #tpu.memory_space<vmem>> -> memref<1x64x129xf32, #tpu.memory_space<vmem>>
        %scatter3A_779 = tpu.memref_squeeze %scatter3A_778 : memref<1x64x129xf32, #tpu.memory_space<vmem>> -> memref<64x129xf32, #tpu.memory_space<vmem>>
        tpu.vector_store_idx %scatter3A_779[%add3A_209, %mul3A_749], %get3A_774 : memref<64x129xf32, #tpu.memory_space<vmem>>[vector<16xi32>, vector<16xi32>], vector<16xf32>,
        %get3A_780 = arith.constant 0 : i32
        %get3A_781 = arith.index_cast %get3A_780 : i32 to index
        %get3A_782 = arith.index_cast %add3A_747 : i32 to index
        %get3A_783 = arith.constant 48 : index
        %get3A_784 = tpu.vector_load %arg6[%get3A_781, %get3A_782, %get3A_783] {strides = array<i32>} : memref<2x128x64xf32, #tpu.memory_space<vmem>>, vector<16xf32>,
        %scatter3A_785 = arith.constant 0 : i32
        %scatter3A_786 = arith.constant 0 : i32
        %scatter3A_787 = arith.constant 0 : i32
        %scatter3A_788 = tpu.memref_slice %arg7[%scatter3A_785, %scatter3A_786, %scatter3A_787] : memref<2x64x129xf32, #tpu.memory_space<vmem>> -> memref<1x64x129xf32, #tpu.memory_space<vmem>>
        %scatter3A_789 = tpu.memref_squeeze %scatter3A_788 : memref<1x64x129xf32, #tpu.memory_space<vmem>> -> memref<64x129xf32, #tpu.memory_space<vmem>>
        tpu.vector_store_idx %scatter3A_789[%add3A_213, %mul3A_749], %get3A_784 : memref<64x129xf32, #tpu.memory_space<vmem>>[vector<16xi32>, vector<16xi32>], vector<16xf32>,
        %mul3A_790 = arith.constant 8 : i32
        %mul3A_791 = arith.muli %scan3A_515, %mul3A_790 : i32
        %add3A_792 = arith.constant 6 : i32
        %add3A_793 = arith.addi %mul3A_791, %add3A_792 : i32
        %mul3A_794 = vector.broadcast %add3A_793 : i32 to vector<16xi32>
        %mul3A_795 = arith.muli %broadcast_in_dim3A_215, %mul3A_794 : vector<16xi32>
        %get3A_796 = arith.constant 0 : i32
        %get3A_797 = arith.index_cast %get3A_796 : i32 to index
        %get3A_798 = arith.index_cast %add3A_793 : i32 to index
        %get3A_799 = arith.constant 0 : index
        %get3A_800 = tpu.vector_load %arg6[%get3A_797, %get3A_798, %get3A_799] {strides = array<i32>} : memref<2x128x64xf32, #tpu.memory_space<vmem>>, vector<16xf32>,
        %scatter3A_801 = arith.constant 0 : i32
        %scatter3A_802 = arith.constant 0 : i32
        %scatter3A_803 = arith.constant 0 : i32
        %scatter3A_804 = tpu.memref_slice %arg7[%scatter3A_801, %scatter3A_802, %scatter3A_803] : memref<2x64x129xf32, #tpu.memory_space<vmem>> -> memref<1x64x129xf32, #tpu.memory_space<vmem>>
        %scatter3A_805 = tpu.memref_squeeze %scatter3A_804 : memref<1x64x129xf32, #tpu.memory_space<vmem>> -> memref<64x129xf32, #tpu.memory_space<vmem>>
        tpu.vector_store_idx %scatter3A_805[%add3A_201, %mul3A_795], %get3A_800 : memref<64x129xf32, #tpu.memory_space<vmem>>[vector<16xi32>, vector<16xi32>], vector<16xf32>,
        %get3A_806 = arith.constant 0 : i32
        %get3A_807 = arith.index_cast %get3A_806 : i32 to index
        %get3A_808 = arith.index_cast %add3A_793 : i32 to index
        %get3A_809 = arith.constant 16 : index
        %get3A_810 = tpu.vector_load %arg6[%get3A_807, %get3A_808, %get3A_809] {strides = array<i32>} : memref<2x128x64xf32, #tpu.memory_space<vmem>>, vector<16xf32>,
        %scatter3A_811 = arith.constant 0 : i32
        %scatter3A_812 = arith.constant 0 : i32
        %scatter3A_813 = arith.constant 0 : i32
        %scatter3A_814 = tpu.memref_slice %arg7[%scatter3A_811, %scatter3A_812, %scatter3A_813] : memref<2x64x129xf32, #tpu.memory_space<vmem>> -> memref<1x64x129xf32, #tpu.memory_space<vmem>>
        %scatter3A_815 = tpu.memref_squeeze %scatter3A_814 : memref<1x64x129xf32, #tpu.memory_space<vmem>> -> memref<64x129xf32, #tpu.memory_space<vmem>>
        tpu.vector_store_idx %scatter3A_815[%add3A_205, %mul3A_795], %get3A_810 : memref<64x129xf32, #tpu.memory_space<vmem>>[vector<16xi32>, vector<16xi32>], vector<16xf32>,
        %get3A_816 = arith.constant 0 : i32
        %get3A_817 = arith.index_cast %get3A_816 : i32 to index
        %get3A_818 = arith.index_cast %add3A_793 : i32 to index
        %get3A_819 = arith.constant 32 : index
        %get3A_820 = tpu.vector_load %arg6[%get3A_817, %get3A_818, %get3A_819] {strides = array<i32>} : memref<2x128x64xf32, #tpu.memory_space<vmem>>, vector<16xf32>,
        %scatter3A_821 = arith.constant 0 : i32
        %scatter3A_822 = arith.constant 0 : i32
        %scatter3A_823 = arith.constant 0 : i32
        %scatter3A_824 = tpu.memref_slice %arg7[%scatter3A_821, %scatter3A_822, %scatter3A_823] : memref<2x64x129xf32, #tpu.memory_space<vmem>> -> memref<1x64x129xf32, #tpu.memory_space<vmem>>
        %scatter3A_825 = tpu.memref_squeeze %scatter3A_824 : memref<1x64x129xf32, #tpu.memory_space<vmem>> -> memref<64x129xf32, #tpu.memory_space<vmem>>
        tpu.vector_store_idx %scatter3A_825[%add3A_209, %mul3A_795], %get3A_820 : memref<64x129xf32, #tpu.memory_space<vmem>>[vector<16xi32>, vector<16xi32>], vector<16xf32>,
        %get3A_826 = arith.constant 0 : i32
        %get3A_827 = arith.index_cast %get3A_826 : i32 to index
        %get3A_828 = arith.index_cast %add3A_793 : i32 to index
        %get3A_829 = arith.constant 48 : index
        %get3A_830 = tpu.vector_load %arg6[%get3A_827, %get3A_828, %get3A_829] {strides = array<i32>} : memref<2x128x64xf32, #tpu.memory_space<vmem>>, vector<16xf32>,
        %scatter3A_831 = arith.constant 0 : i32
        %scatter3A_832 = arith.constant 0 : i32
        %scatter3A_833 = arith.constant 0 : i32
        %scatter3A_834 = tpu.memref_slice %arg7[%scatter3A_831, %scatter3A_832, %scatter3A_833] : memref<2x64x129xf32, #tpu.memory_space<vmem>> -> memref<1x64x129xf32, #tpu.memory_space<vmem>>
        %scatter3A_835 = tpu.memref_squeeze %scatter3A_834 : memref<1x64x129xf32, #tpu.memory_space<vmem>> -> memref<64x129xf32, #tpu.memory_space<vmem>>
        tpu.vector_store_idx %scatter3A_835[%add3A_213, %mul3A_795], %get3A_830 : memref<64x129xf32, #tpu.memory_space<vmem>>[vector<16xi32>, vector<16xi32>], vector<16xf32>,
        %mul3A_836 = arith.constant 8 : i32
        %mul3A_837 = arith.muli %scan3A_515, %mul3A_836 : i32
        %add3A_838 = arith.constant 7 : i32
        %add3A_839 = arith.addi %mul3A_837, %add3A_838 : i32
        %mul3A_840 = vector.broadcast %add3A_839 : i32 to vector<16xi32>
        %mul3A_841 = arith.muli %broadcast_in_dim3A_215, %mul3A_840 : vector<16xi32>
        %get3A_842 = arith.constant 0 : i32
        %get3A_843 = arith.index_cast %get3A_842 : i32 to index
        %get3A_844 = arith.index_cast %add3A_839 : i32 to index
        %get3A_845 = arith.constant 0 : index
        %get3A_846 = tpu.vector_load %arg6[%get3A_843, %get3A_844, %get3A_845] {strides = array<i32>} : memref<2x128x64xf32, #tpu.memory_space<vmem>>, vector<16xf32>,
        %scatter3A_847 = arith.constant 0 : i32
        %scatter3A_848 = arith.constant 0 : i32
        %scatter3A_849 = arith.constant 0 : i32
        %scatter3A_850 = tpu.memref_slice %arg7[%scatter3A_847, %scatter3A_848, %scatter3A_849] : memref<2x64x129xf32, #tpu.memory_space<vmem>> -> memref<1x64x129xf32, #tpu.memory_space<vmem>>
        %scatter3A_851 = tpu.memref_squeeze %scatter3A_850 : memref<1x64x129xf32, #tpu.memory_space<vmem>> -> memref<64x129xf32, #tpu.memory_space<vmem>>
        tpu.vector_store_idx %scatter3A_851[%add3A_201, %mul3A_841], %get3A_846 : memref<64x129xf32, #tpu.memory_space<vmem>>[vector<16xi32>, vector<16xi32>], vector<16xf32>,
        %get3A_852 = arith.constant 0 : i32
        %get3A_853 = arith.index_cast %get3A_852 : i32 to index
        %get3A_854 = arith.index_cast %add3A_839 : i32 to index
        %get3A_855 = arith.constant 16 : index
        %get3A_856 = tpu.vector_load %arg6[%get3A_853, %get3A_854, %get3A_855] {strides = array<i32>} : memref<2x128x64xf32, #tpu.memory_space<vmem>>, vector<16xf32>,
        %scatter3A_857 = arith.constant 0 : i32
        %scatter3A_858 = arith.constant 0 : i32
        %scatter3A_859 = arith.constant 0 : i32
        %scatter3A_860 = tpu.memref_slice %arg7[%scatter3A_857, %scatter3A_858, %scatter3A_859] : memref<2x64x129xf32, #tpu.memory_space<vmem>> -> memref<1x64x129xf32, #tpu.memory_space<vmem>>
        %scatter3A_861 = tpu.memref_squeeze %scatter3A_860 : memref<1x64x129xf32, #tpu.memory_space<vmem>> -> memref<64x129xf32, #tpu.memory_space<vmem>>
        tpu.vector_store_idx %scatter3A_861[%add3A_205, %mul3A_841], %get3A_856 : memref<64x129xf32, #tpu.memory_space<vmem>>[vector<16xi32>, vector<16xi32>], vector<16xf32>,
        %get3A_862 = arith.constant 0 : i32
        %get3A_863 = arith.index_cast %get3A_862 : i32 to index
        %get3A_864 = arith.index_cast %add3A_839 : i32 to index
        %get3A_865 = arith.constant 32 : index
        %get3A_866 = tpu.vector_load %arg6[%get3A_863, %get3A_864, %get3A_865] {strides = array<i32>} : memref<2x128x64xf32, #tpu.memory_space<vmem>>, vector<16xf32>,
        %scatter3A_867 = arith.constant 0 : i32
        %scatter3A_868 = arith.constant 0 : i32
        %scatter3A_869 = arith.constant 0 : i32
        %scatter3A_870 = tpu.memref_slice %arg7[%scatter3A_867, %scatter3A_868, %scatter3A_869] : memref<2x64x129xf32, #tpu.memory_space<vmem>> -> memref<1x64x129xf32, #tpu.memory_space<vmem>>
        %scatter3A_871 = tpu.memref_squeeze %scatter3A_870 : memref<1x64x129xf32, #tpu.memory_space<vmem>> -> memref<64x129xf32, #tpu.memory_space<vmem>>
        tpu.vector_store_idx %scatter3A_871[%add3A_209, %mul3A_841], %get3A_866 : memref<64x129xf32, #tpu.memory_space<vmem>>[vector<16xi32>, vector<16xi32>], vector<16xf32>,
        %get3A_872 = arith.constant 0 : i32
        %get3A_873 = arith.index_cast %get3A_872 : i32 to index
        %get3A_874 = arith.index_cast %add3A_839 : i32 to index
        %get3A_875 = arith.constant 48 : index
        %get3A_876 = tpu.vector_load %arg6[%get3A_873, %get3A_874, %get3A_875] {strides = array<i32>} : memref<2x128x64xf32, #tpu.memory_space<vmem>>, vector<16xf32>,
        %scatter3A_877 = arith.constant 0 : i32
        %scatter3A_878 = arith.constant 0 : i32
        %scatter3A_879 = arith.constant 0 : i32
        %scatter3A_880 = tpu.memref_slice %arg7[%scatter3A_877, %scatter3A_878, %scatter3A_879] : memref<2x64x129xf32, #tpu.memory_space<vmem>> -> memref<1x64x129xf32, #tpu.memory_space<vmem>>
        %scatter3A_881 = tpu.memref_squeeze %scatter3A_880 : memref<1x64x129xf32, #tpu.memory_space<vmem>> -> memref<64x129xf32, #tpu.memory_space<vmem>>
        tpu.vector_store_idx %scatter3A_881[%add3A_213, %mul3A_841], %get3A_876 : memref<64x129xf32, #tpu.memory_space<vmem>>[vector<16xi32>, vector<16xi32>], vector<16xf32>,
      }
      %scan3A_221 = arith.constant 16 : i32
      %add3A_222 = arith.constant 2 : i32
      %add3A_223 = arith.addi %add3A_182, %add3A_222 : i32
      %jit3A = arith.constant 4 : i32
      %div3A = arith.divsi %add3A_223, %jit3A : i32
      %sign3A = arith.constant 0 : i32
      %sign3A_224 = arith.cmpi sgt, %add3A_223, %sign3A : i32
      %sign3A_225 = arith.extui %sign3A_224 : i1 to i32
      %sign3A_226 = arith.constant 0 : i32
      %sign3A_227 = arith.cmpi slt, %add3A_223, %sign3A_226 : i32
      %sign3A_228 = arith.extui %sign3A_227 : i1 to i32
      %sign3A_229 = arith.subi %sign3A_225, %sign3A_228 : i32
      %sign3A_230 = arith.constant 0 : i32
      %sign3A_231 = arith.cmpi sgt, %jit3A, %sign3A_230 : i32
      %sign3A_232 = arith.extui %sign3A_231 : i1 to i32
      %sign3A_233 = arith.constant 0 : i32
      %sign3A_234 = arith.cmpi slt, %jit3A, %sign3A_233 : i32
      %sign3A_235 = arith.extui %sign3A_234 : i1 to i32
      %sign3A_236 = arith.subi %sign3A_232, %sign3A_235 : i32
      %ne3A = arith.cmpi ne, %sign3A_229, %sign3A_236 : i32
      %rem3A = arith.remsi %add3A_223, %jit3A : i32
      %ne3A_237 = arith.constant 0 : i32
      %ne3A_238 = arith.cmpi ne, %rem3A, %ne3A_237 : i32
      %and3A = arith.andi %ne3A, %ne3A_238 : i1
      %sub3A = arith.constant 1 : i32
      %sub3A_239 = arith.subi %div3A, %sub3A : i32
      %select_n3A = arith.select %and3A, %sub3A_239, %div3A : i32
      %jit3A_240 = arith.constant 4 : i32
      %eq3A = arith.constant 0 : i32
      %eq3A_241 = arith.cmpi eq, %jit3A_240, %eq3A : i32
      %jit3A_242 = arith.constant 1 : i32
      %select_n3A_243 = arith.select %eq3A_241, %jit3A_242, %jit3A_240 : i32
      %rem3A_244 = arith.remsi %add3A_223, %select_n3A_243 : i32
      %ne3A_245 = arith.constant 0 : i32
      %ne3A_246 = arith.cmpi ne, %rem3A_244, %ne3A_245 : i32
      %lt3A = arith.constant 0 : i32
      %lt3A_247 = arith.cmpi slt, %rem3A_244, %lt3A : i32
      %lt3A_248 = arith.constant 0 : i32
      %lt3A_249 = arith.cmpi slt, %select_n3A_243, %lt3A_248 : i32
      %ne3A_250 = arith.xori %lt3A_247, %lt3A_249 : i1
      %and3A_251 = arith.andi %ne3A_250, %ne3A_246 : i1
      %add3A_252 = arith.addi %rem3A_244, %select_n3A_243 : i32
      %select_n3A_253 = arith.select %and3A_251, %add3A_252, %rem3A_244 : i32
      %mul3A_254 = arith.constant 128 : i32
      %mul3A_255 = arith.muli %select_n3A_253, %mul3A_254 : i32
      %dma_start3A_256 = arith.constant 0 : i32
      %dma_start3A_257 = arith.constant 0 : i32
      %dma_start3A_258 = arith.constant 0 : i32
      %dma_start3A_259 = tpu.memref_slice %arg6[%dma_start3A_256, %dma_start3A_257, %dma_start3A_258] : memref<2x128x64xf32, #tpu.memory_space<vmem>> -> memref<1x128x64xf32, #tpu.memory_space<vmem>>
      %dma_start3A_260 = tpu.memref_squeeze %dma_start3A_259 : memref<1x128x64xf32, #tpu.memory_space<vmem>> -> memref<128x64xf32, #tpu.memory_space<vmem>>
      %dma_start3A_261 = tpu.memref_slice %arg5[%select_n3A, %mul3A_255] : memref<26x512xi32, #tpu.memory_space<vmem>> -> memref<1x128xi32, #tpu.memory_space<vmem>>
      %dma_start3A_262 = tpu.memref_squeeze %dma_start3A_261 : memref<1x128xi32, #tpu.memory_space<vmem>> -> memref<128xi32, #tpu.memory_space<vmem>>
      %dma_start3A_263 = arith.constant 0 : i32
      %dma_start3A_264 = arith.constant 0 : i32
      %dma_start3A_265 = tpu.memref_slice %arg3[%dma_start3A_263, %dma_start3A_264] : memref<1000000x64xf32, #tpu.memory_space<hbm>> -> memref<1000000x64xf32, #tpu.memory_space<hbm>>
      tpu.enqueue_indirect_dma source(%dma_start3A_265 : memref<1000000x64xf32, #tpu.memory_space<hbm>>) target(%dma_start3A_260 : memref<128x64xf32, #tpu.memory_space<vmem>>) offsets(%dma_start3A_262 : memref<128xi32, #tpu.memory_space<vmem>>) semaphore(%arg8 : memref<!tpu.dma_semaphore, #tpu.memory_space<semaphore_mem>>)
      %jit3A_266 = arith.constant 4 : i32
      %div3A_267 = arith.divsi %add3A_182, %jit3A_266 : i32
      %sign3A_268 = arith.constant 0 : i32
      %sign3A_269 = arith.cmpi sgt, %add3A_182, %sign3A_268 : i32
      %sign3A_270 = arith.extui %sign3A_269 : i1 to i32
      %sign3A_271 = arith.constant 0 : i32
      %sign3A_272 = arith.cmpi slt, %add3A_182, %sign3A_271 : i32
      %sign3A_273 = arith.extui %sign3A_272 : i1 to i32
      %sign3A_274 = arith.subi %sign3A_270, %sign3A_273 : i32
      %sign3A_275 = arith.constant 0 : i32
      %sign3A_276 = arith.cmpi sgt, %jit3A_266, %sign3A_275 : i32
      %sign3A_277 = arith.extui %sign3A_276 : i1 to i32
      %sign3A_278 = arith.constant 0 : i32
      %sign3A_279 = arith.cmpi slt, %jit3A_266, %sign3A_278 : i32
      %sign3A_280 = arith.extui %sign3A_279 : i1 to i32
      %sign3A_281 = arith.subi %sign3A_277, %sign3A_280 : i32
      %ne3A_282 = arith.cmpi ne, %sign3A_274, %sign3A_281 : i32
      %rem3A_283 = arith.remsi %add3A_182, %jit3A_266 : i32
      %ne3A_284 = arith.constant 0 : i32
      %ne3A_285 = arith.cmpi ne, %rem3A_283, %ne3A_284 : i32
      %and3A_286 = arith.andi %ne3A_282, %ne3A_285 : i1
      %sub3A_287 = arith.constant 1 : i32
      %sub3A_288 = arith.subi %div3A_267, %sub3A_287 : i32
      %select_n3A_289 = arith.select %and3A_286, %sub3A_288, %div3A_267 : i32
      %jit3A_290 = arith.constant 4 : i32
      %eq3A_291 = arith.constant 0 : i32
      %eq3A_292 = arith.cmpi eq, %jit3A_290, %eq3A_291 : i32
      %jit3A_293 = arith.constant 1 : i32
      %select_n3A_294 = arith.select %eq3A_292, %jit3A_293, %jit3A_290 : i32
      %rem3A_295 = arith.remsi %add3A_182, %select_n3A_294 : i32
      %ne3A_296 = arith.constant 0 : i32
      %ne3A_297 = arith.cmpi ne, %rem3A_295, %ne3A_296 : i32
      %lt3A_298 = arith.constant 0 : i32
      %lt3A_299 = arith.cmpi slt, %rem3A_295, %lt3A_298 : i32
      %lt3A_300 = arith.constant 0 : i32
      %lt3A_301 = arith.cmpi slt, %select_n3A_294, %lt3A_300 : i32
      %ne3A_302 = arith.xori %lt3A_299, %lt3A_301 : i1
      %and3A_303 = arith.andi %ne3A_302, %ne3A_297 : i1
      %add3A_304 = arith.addi %rem3A_295, %select_n3A_294 : i32
      %select_n3A_305 = arith.select %and3A_303, %add3A_304, %rem3A_295 : i32
      %mul3A_306 = arith.constant 128 : i32
      %mul3A_307 = arith.muli %select_n3A_305, %mul3A_306 : i32
      %add3A_308 = arith.addi %mul3A_2, %mul3A_307 : i32
      %dma_start3A_309 = arith.constant 0 : i32
      %dma_start3A_310 = arith.constant 0 : i32
      %dma_start3A_311 = arith.constant 0 : i32
      %dma_start3A_312 = tpu.memref_slice %arg7[%dma_start3A_309, %dma_start3A_310, %dma_start3A_311] : memref<2x64x129xf32, #tpu.memory_space<vmem>> -> memref<1x64x128xf32, #tpu.memory_space<vmem>>
      %dma_start3A_313 = tpu.memref_squeeze %dma_start3A_312 : memref<1x64x128xf32, #tpu.memory_space<vmem>> -> memref<64x128xf32, #tpu.memory_space<vmem>>
      %dma_start3A_314 = arith.constant 0 : i32
      %dma_start3A_315 = tpu.memref_slice %arg4[%select_n3A_289, %dma_start3A_314, %add3A_308] : memref<26x64x16384xf32, #tpu.memory_space<hbm>> -> memref<1x64x128xf32, #tpu.memory_space<hbm>>
      %dma_start3A_316 = tpu.memref_squeeze %dma_start3A_315 : memref<1x64x128xf32, #tpu.memory_space<hbm>> -> memref<64x128xf32, #tpu.memory_space<hbm>>
      %dma_start3A_317 = arith.constant 0 : i32
      %dma_start3A_318 = tpu.memref_slice %arg4[%select_n3A_289, %dma_start3A_317, %add3A_308] : memref<26x64x16384xf32, #tpu.memory_space<hbm>> -> memref<1x64x128xf32, #tpu.memory_space<hbm>>
      %dma_start3A_319 = tpu.memref_squeeze %dma_start3A_318 : memref<1x64x128xf32, #tpu.memory_space<hbm>> -> memref<64x128xf32, #tpu.memory_space<hbm>>
      %dma_start3A_320 = arith.constant 0 : i32
      %dma_start3A_321 = arith.constant 0 : i32
      %dma_start3A_322 = tpu.memref_slice %arg7[%dma_start3A_309, %dma_start3A_320, %dma_start3A_321] : memref<2x64x129xf32, #tpu.memory_space<vmem>> -> memref<1x64x128xf32, #tpu.memory_space<vmem>>
      %dma_start3A_323 = tpu.memref_squeeze %dma_start3A_322 : memref<1x64x128xf32, #tpu.memory_space<vmem>> -> memref<64x128xf32, #tpu.memory_space<vmem>>
      tpu.enqueue_dma source(%dma_start3A_323 : memref<64x128xf32, #tpu.memory_space<vmem>>) target(%dma_start3A_319 : memref<64x128xf32, #tpu.memory_space<hbm>>) target_semaphore(%arg10 : memref<!tpu.dma_semaphore, #tpu.memory_space<semaphore_mem>>)
      %dma_wait3A_324 = arith.constant 0 : i32
      %dma_wait3A_325 = arith.constant 0 : i32
      %dma_wait3A_326 = arith.constant 0 : i32
      %dma_wait3A_327 = arith.constant 0 : i32
      %dma_wait3A_328 = tpu.memref_slice %arg7[%dma_wait3A_324, %dma_wait3A_326, %dma_wait3A_327] : memref<2x64x129xf32, #tpu.memory_space<vmem>> -> memref<1x64x128xf32, #tpu.memory_space<vmem>>
      %dma_wait3A_329 = tpu.memref_squeeze %dma_wait3A_328 : memref<1x64x128xf32, #tpu.memory_space<vmem>> -> memref<64x128xf32, #tpu.memory_space<vmem>>
      %dma_wait3A_330 = arith.constant 0 : i32
      %dma_wait3A_331 = arith.constant 0 : i32
      %dma_wait3A_332 = tpu.memref_slice %arg4[%dma_wait3A_325, %dma_wait3A_330, %dma_wait3A_331] : memref<26x64x16384xf32, #tpu.memory_space<hbm>> -> memref<1x64x128xf32, #tpu.memory_space<hbm>>
      %dma_wait3A_333 = tpu.memref_squeeze %dma_wait3A_332 : memref<1x64x128xf32, #tpu.memory_space<hbm>> -> memref<64x128xf32, #tpu.memory_space<hbm>>
      %dma_wait3A_334 = arith.constant 0 : i32
      %dma_wait3A_335 = arith.constant 0 : i32
      %dma_wait3A_336 = tpu.memref_slice %arg4[%dma_wait3A_325, %dma_wait3A_334, %dma_wait3A_335] : memref<26x64x16384xf32, #tpu.memory_space<hbm>> -> memref<1x64x128xf32, #tpu.memory_space<hbm>>
      %dma_wait3A_337 = tpu.memref_squeeze %dma_wait3A_336 : memref<1x64x128xf32, #tpu.memory_space<hbm>> -> memref<64x128xf32, #tpu.memory_space<hbm>>
      %dma_wait3A_338 = arith.constant 0 : i32
      %dma_wait3A_339 = arith.constant 0 : i32
      %dma_wait3A_340 = tpu.memref_slice %arg7[%dma_wait3A_324, %dma_wait3A_338, %dma_wait3A_339] : memref<2x64x129xf32, #tpu.memory_space<vmem>> -> memref<1x64x128xf32, #tpu.memory_space<vmem>>
      %dma_wait3A_341 = tpu.memref_squeeze %dma_wait3A_340 : memref<1x64x128xf32, #tpu.memory_space<vmem>> -> memref<64x128xf32, #tpu.memory_space<vmem>>
      tpu.wait_dma2 semaphore(%arg10 : memref<!tpu.dma_semaphore, #tpu.memory_space<semaphore_mem>>) src(%dma_wait3A_341 : memref<64x128xf32, #tpu.memory_space<vmem>>) dst(%dma_wait3A_337 : memref<64x128xf32, #tpu.memory_space<hbm>>)
      %mul3A_342 = arith.constant 2 : i32
      %mul3A_343 = arith.muli %scan3A_178, %mul3A_342 : i32
      %add3A_344 = arith.constant 1 : i32
      %add3A_345 = arith.addi %mul3A_343, %add3A_344 : i32
      %dma_wait3A_346 = arith.constant 1 : i32
      %dma_wait3A_347 = arith.constant 0 : i32
      %dma_wait3A_348 = arith.constant 0 : i32
      %dma_wait3A_349 = tpu.memref_slice %arg6[%dma_wait3A_346, %dma_wait3A_347, %dma_wait3A_348] : memref<2x128x64xf32, #tpu.memory_space<vmem>> -> memref<1x128x64xf32, #tpu.memory_space<vmem>>
      %dma_wait3A_350 = tpu.memref_squeeze %dma_wait3A_349 : memref<1x128x64xf32, #tpu.memory_space<vmem>> -> memref<128x64xf32, #tpu.memory_space<vmem>>
      %dma_wait3A_351 = arith.constant 0 : i32
      %dma_wait3A_352 = arith.constant 0 : i32
      %dma_wait3A_353 = tpu.memref_slice %arg3[%dma_wait3A_351, %dma_wait3A_352] : memref<1000000x64xf32, #tpu.memory_space<hbm>> -> memref<128x64xf32, #tpu.memory_space<hbm>>
      %dma_wait3A_354 = arith.constant 0 : i32
      %dma_wait3A_355 = arith.constant 0 : i32
      %dma_wait3A_356 = tpu.memref_slice %arg6[%dma_wait3A_346, %dma_wait3A_354, %dma_wait3A_355] : memref<2x128x64xf32, #tpu.memory_space<vmem>> -> memref<1x128x64xf32, #tpu.memory_space<vmem>>
      %dma_wait3A_357 = tpu.memref_squeeze %dma_wait3A_356 : memref<1x128x64xf32, #tpu.memory_space<vmem>> -> memref<128x64xf32, #tpu.memory_space<vmem>>
      %dma_wait3A_358 = arith.constant 0 : i32
      %dma_wait3A_359 = arith.constant 0 : i32
      %dma_wait3A_360 = tpu.memref_slice %arg3[%dma_wait3A_358, %dma_wait3A_359] : memref<1000000x64xf32, #tpu.memory_space<hbm>> -> memref<128x64xf32, #tpu.memory_space<hbm>>
      tpu.wait_dma2 semaphore(%arg9 : memref<!tpu.dma_semaphore, #tpu.memory_space<semaphore_mem>>) src(%dma_wait3A_360 : memref<128x64xf32, #tpu.memory_space<hbm>>) dst(%dma_wait3A_357 : memref<128x64xf32, #tpu.memory_space<vmem>>)
      %iota3A_361 = tpu.iota {dimensions = array<i32: 0>} : vector<16xi32>
      %add3A_362 = arith.constant 0 : i32
      %add3A_363 = vector.broadcast %add3A_362 : i32 to vector<16xi32>
      %add3A_364 = arith.addi %iota3A_361, %add3A_363 : vector<16xi32>
      %iota3A_365 = tpu.iota {dimensions = array<i32: 0>} : vector<16xi32>
      %add3A_366 = arith.constant 16 : i32
      %add3A_367 = vector.broadcast %add3A_366 : i32 to vector<16xi32>
      %add3A_368 = arith.addi %iota3A_365, %add3A_367 : vector<16xi32>
      %iota3A_369 = tpu.iota {dimensions = array<i32: 0>} : vector<16xi32>
      %add3A_370 = arith.constant 32 : i32
      %add3A_371 = vector.broadcast %add3A_370 : i32 to vector<16xi32>
      %add3A_372 = arith.addi %iota3A_369, %add3A_371 : vector<16xi32>
      %iota3A_373 = tpu.iota {dimensions = array<i32: 0>} : vector<16xi32>
      %add3A_374 = arith.constant 48 : i32
      %add3A_375 = vector.broadcast %add3A_374 : i32 to vector<16xi32>
      %add3A_376 = arith.addi %iota3A_373, %add3A_375 : vector<16xi32>
      %broadcast_in_dim3A_377 = arith.constant 1 : i32
      %broadcast_in_dim3A_378 = vector.broadcast %broadcast_in_dim3A_377 : i32 to vector<16xi32>
      %scan3A_379 = arith.constant 0 : i32
      %scan3A_380 = arith.constant 0 : i32
      %scan3A_381 = arith.constant 16 : i32
      %scan3A_382 = arith.addi %scan3A_380, %scan3A_381 : i32
      %scan3A_383 = arith.constant 1 : i32
      scf.for %scan3A_515 = %scan3A_380 to %scan3A_382 step %scan3A_383  : i32 {
        %mul3A_516 = arith.constant 8 : i32
        %mul3A_517 = arith.muli %scan3A_515, %mul3A_516 : i32
        %add3A_518 = arith.constant 0 : i32
        %add3A_519 = arith.addi %mul3A_517, %add3A_518 : i32
        %mul3A_520 = vector.broadcast %add3A_519 : i32 to vector<16xi32>
        %mul3A_521 = arith.muli %broadcast_in_dim3A_378, %mul3A_520 : vector<16xi32>
        %get3A = arith.constant 1 : i32
        %get3A_522 = arith.index_cast %get3A : i32 to index
        %get3A_523 = arith.index_cast %add3A_519 : i32 to index
        %get3A_524 = arith.constant 0 : index
        %get3A_525 = tpu.vector_load %arg6[%get3A_522, %get3A_523, %get3A_524] {strides = array<i32>} : memref<2x128x64xf32, #tpu.memory_space<vmem>>, vector<16xf32>,
        %scatter3A = arith.constant 1 : i32
        %scatter3A_526 = arith.constant 0 : i32
        %scatter3A_527 = arith.constant 0 : i32
        %scatter3A_528 = tpu.memref_slice %arg7[%scatter3A, %scatter3A_526, %scatter3A_527] : memref<2x64x129xf32, #tpu.memory_space<vmem>> -> memref<1x64x129xf32, #tpu.memory_space<vmem>>
        %scatter3A_529 = tpu.memref_squeeze %scatter3A_528 : memref<1x64x129xf32, #tpu.memory_space<vmem>> -> memref<64x129xf32, #tpu.memory_space<vmem>>
        tpu.vector_store_idx %scatter3A_529[%add3A_364, %mul3A_521], %get3A_525 : memref<64x129xf32, #tpu.memory_space<vmem>>[vector<16xi32>, vector<16xi32>], vector<16xf32>,
        %get3A_530 = arith.constant 1 : i32
        %get3A_531 = arith.index_cast %get3A_530 : i32 to index
        %get3A_532 = arith.index_cast %add3A_519 : i32 to index
        %get3A_533 = arith.constant 16 : index
        %get3A_534 = tpu.vector_load %arg6[%get3A_531, %get3A_532, %get3A_533] {strides = array<i32>} : memref<2x128x64xf32, #tpu.memory_space<vmem>>, vector<16xf32>,
        %scatter3A_535 = arith.constant 1 : i32
        %scatter3A_536 = arith.constant 0 : i32
        %scatter3A_537 = arith.constant 0 : i32
        %scatter3A_538 = tpu.memref_slice %arg7[%scatter3A_535, %scatter3A_536, %scatter3A_537] : memref<2x64x129xf32, #tpu.memory_space<vmem>> -> memref<1x64x129xf32, #tpu.memory_space<vmem>>
        %scatter3A_539 = tpu.memref_squeeze %scatter3A_538 : memref<1x64x129xf32, #tpu.memory_space<vmem>> -> memref<64x129xf32, #tpu.memory_space<vmem>>
        tpu.vector_store_idx %scatter3A_539[%add3A_368, %mul3A_521], %get3A_534 : memref<64x129xf32, #tpu.memory_space<vmem>>[vector<16xi32>, vector<16xi32>], vector<16xf32>,
        %get3A_540 = arith.constant 1 : i32
        %get3A_541 = arith.index_cast %get3A_540 : i32 to index
        %get3A_542 = arith.index_cast %add3A_519 : i32 to index
        %get3A_543 = arith.constant 32 : index
        %get3A_544 = tpu.vector_load %arg6[%get3A_541, %get3A_542, %get3A_543] {strides = array<i32>} : memref<2x128x64xf32, #tpu.memory_space<vmem>>, vector<16xf32>,
        %scatter3A_545 = arith.constant 1 : i32
        %scatter3A_546 = arith.constant 0 : i32
        %scatter3A_547 = arith.constant 0 : i32
        %scatter3A_548 = tpu.memref_slice %arg7[%scatter3A_545, %scatter3A_546, %scatter3A_547] : memref<2x64x129xf32, #tpu.memory_space<vmem>> -> memref<1x64x129xf32, #tpu.memory_space<vmem>>
        %scatter3A_549 = tpu.memref_squeeze %scatter3A_548 : memref<1x64x129xf32, #tpu.memory_space<vmem>> -> memref<64x129xf32, #tpu.memory_space<vmem>>
        tpu.vector_store_idx %scatter3A_549[%add3A_372, %mul3A_521], %get3A_544 : memref<64x129xf32, #tpu.memory_space<vmem>>[vector<16xi32>, vector<16xi32>], vector<16xf32>,
        %get3A_550 = arith.constant 1 : i32
        %get3A_551 = arith.index_cast %get3A_550 : i32 to index
        %get3A_552 = arith.index_cast %add3A_519 : i32 to index
        %get3A_553 = arith.constant 48 : index
        %get3A_554 = tpu.vector_load %arg6[%get3A_551, %get3A_552, %get3A_553] {strides = array<i32>} : memref<2x128x64xf32, #tpu.memory_space<vmem>>, vector<16xf32>,
        %scatter3A_555 = arith.constant 1 : i32
        %scatter3A_556 = arith.constant 0 : i32
        %scatter3A_557 = arith.constant 0 : i32
        %scatter3A_558 = tpu.memref_slice %arg7[%scatter3A_555, %scatter3A_556, %scatter3A_557] : memref<2x64x129xf32, #tpu.memory_space<vmem>> -> memref<1x64x129xf32, #tpu.memory_space<vmem>>
        %scatter3A_559 = tpu.memref_squeeze %scatter3A_558 : memref<1x64x129xf32, #tpu.memory_space<vmem>> -> memref<64x129xf32, #tpu.memory_space<vmem>>
        tpu.vector_store_idx %scatter3A_559[%add3A_376, %mul3A_521], %get3A_554 : memref<64x129xf32, #tpu.memory_space<vmem>>[vector<16xi32>, vector<16xi32>], vector<16xf32>,
        %mul3A_560 = arith.constant 8 : i32
        %mul3A_561 = arith.muli %scan3A_515, %mul3A_560 : i32
        %add3A_562 = arith.constant 1 : i32
        %add3A_563 = arith.addi %mul3A_561, %add3A_562 : i32
        %mul3A_564 = vector.broadcast %add3A_563 : i32 to vector<16xi32>
        %mul3A_565 = arith.muli %broadcast_in_dim3A_378, %mul3A_564 : vector<16xi32>
        %get3A_566 = arith.constant 1 : i32
        %get3A_567 = arith.index_cast %get3A_566 : i32 to index
        %get3A_568 = arith.index_cast %add3A_563 : i32 to index
        %get3A_569 = arith.constant 0 : index
        %get3A_570 = tpu.vector_load %arg6[%get3A_567, %get3A_568, %get3A_569] {strides = array<i32>} : memref<2x128x64xf32, #tpu.memory_space<vmem>>, vector<16xf32>,
        %scatter3A_571 = arith.constant 1 : i32
        %scatter3A_572 = arith.constant 0 : i32
        %scatter3A_573 = arith.constant 0 : i32
        %scatter3A_574 = tpu.memref_slice %arg7[%scatter3A_571, %scatter3A_572, %scatter3A_573] : memref<2x64x129xf32, #tpu.memory_space<vmem>> -> memref<1x64x129xf32, #tpu.memory_space<vmem>>
        %scatter3A_575 = tpu.memref_squeeze %scatter3A_574 : memref<1x64x129xf32, #tpu.memory_space<vmem>> -> memref<64x129xf32, #tpu.memory_space<vmem>>
        tpu.vector_store_idx %scatter3A_575[%add3A_364, %mul3A_565], %get3A_570 : memref<64x129xf32, #tpu.memory_space<vmem>>[vector<16xi32>, vector<16xi32>], vector<16xf32>,
        %get3A_576 = arith.constant 1 : i32
        %get3A_577 = arith.index_cast %get3A_576 : i32 to index
        %get3A_578 = arith.index_cast %add3A_563 : i32 to index
        %get3A_579 = arith.constant 16 : index
        %get3A_580 = tpu.vector_load %arg6[%get3A_577, %get3A_578, %get3A_579] {strides = array<i32>} : memref<2x128x64xf32, #tpu.memory_space<vmem>>, vector<16xf32>,
        %scatter3A_581 = arith.constant 1 : i32
        %scatter3A_582 = arith.constant 0 : i32
        %scatter3A_583 = arith.constant 0 : i32
        %scatter3A_584 = tpu.memref_slice %arg7[%scatter3A_581, %scatter3A_582, %scatter3A_583] : memref<2x64x129xf32, #tpu.memory_space<vmem>> -> memref<1x64x129xf32, #tpu.memory_space<vmem>>
        %scatter3A_585 = tpu.memref_squeeze %scatter3A_584 : memref<1x64x129xf32, #tpu.memory_space<vmem>> -> memref<64x129xf32, #tpu.memory_space<vmem>>
        tpu.vector_store_idx %scatter3A_585[%add3A_368, %mul3A_565], %get3A_580 : memref<64x129xf32, #tpu.memory_space<vmem>>[vector<16xi32>, vector<16xi32>], vector<16xf32>,
        %get3A_586 = arith.constant 1 : i32
        %get3A_587 = arith.index_cast %get3A_586 : i32 to index
        %get3A_588 = arith.index_cast %add3A_563 : i32 to index
        %get3A_589 = arith.constant 32 : index
        %get3A_590 = tpu.vector_load %arg6[%get3A_587, %get3A_588, %get3A_589] {strides = array<i32>} : memref<2x128x64xf32, #tpu.memory_space<vmem>>, vector<16xf32>,
        %scatter3A_591 = arith.constant 1 : i32
        %scatter3A_592 = arith.constant 0 : i32
        %scatter3A_593 = arith.constant 0 : i32
        %scatter3A_594 = tpu.memref_slice %arg7[%scatter3A_591, %scatter3A_592, %scatter3A_593] : memref<2x64x129xf32, #tpu.memory_space<vmem>> -> memref<1x64x129xf32, #tpu.memory_space<vmem>>
        %scatter3A_595 = tpu.memref_squeeze %scatter3A_594 : memref<1x64x129xf32, #tpu.memory_space<vmem>> -> memref<64x129xf32, #tpu.memory_space<vmem>>
        tpu.vector_store_idx %scatter3A_595[%add3A_372, %mul3A_565], %get3A_590 : memref<64x129xf32, #tpu.memory_space<vmem>>[vector<16xi32>, vector<16xi32>], vector<16xf32>,
        %get3A_596 = arith.constant 1 : i32
        %get3A_597 = arith.index_cast %get3A_596 : i32 to index
        %get3A_598 = arith.index_cast %add3A_563 : i32 to index
        %get3A_599 = arith.constant 48 : index
        %get3A_600 = tpu.vector_load %arg6[%get3A_597, %get3A_598, %get3A_599] {strides = array<i32>} : memref<2x128x64xf32, #tpu.memory_space<vmem>>, vector<16xf32>,
        %scatter3A_601 = arith.constant 1 : i32
        %scatter3A_602 = arith.constant 0 : i32
        %scatter3A_603 = arith.constant 0 : i32
        %scatter3A_604 = tpu.memref_slice %arg7[%scatter3A_601, %scatter3A_602, %scatter3A_603] : memref<2x64x129xf32, #tpu.memory_space<vmem>> -> memref<1x64x129xf32, #tpu.memory_space<vmem>>
        %scatter3A_605 = tpu.memref_squeeze %scatter3A_604 : memref<1x64x129xf32, #tpu.memory_space<vmem>> -> memref<64x129xf32, #tpu.memory_space<vmem>>
        tpu.vector_store_idx %scatter3A_605[%add3A_376, %mul3A_565], %get3A_600 : memref<64x129xf32, #tpu.memory_space<vmem>>[vector<16xi32>, vector<16xi32>], vector<16xf32>,
        %mul3A_606 = arith.constant 8 : i32
        %mul3A_607 = arith.muli %scan3A_515, %mul3A_606 : i32
        %add3A_608 = arith.constant 2 : i32
        %add3A_609 = arith.addi %mul3A_607, %add3A_608 : i32
        %mul3A_610 = vector.broadcast %add3A_609 : i32 to vector<16xi32>
        %mul3A_611 = arith.muli %broadcast_in_dim3A_378, %mul3A_610 : vector<16xi32>
        %get3A_612 = arith.constant 1 : i32
        %get3A_613 = arith.index_cast %get3A_612 : i32 to index
        %get3A_614 = arith.index_cast %add3A_609 : i32 to index
        %get3A_615 = arith.constant 0 : index
        %get3A_616 = tpu.vector_load %arg6[%get3A_613, %get3A_614, %get3A_615] {strides = array<i32>} : memref<2x128x64xf32, #tpu.memory_space<vmem>>, vector<16xf32>,
        %scatter3A_617 = arith.constant 1 : i32
        %scatter3A_618 = arith.constant 0 : i32
        %scatter3A_619 = arith.constant 0 : i32
        %scatter3A_620 = tpu.memref_slice %arg7[%scatter3A_617, %scatter3A_618, %scatter3A_619] : memref<2x64x129xf32, #tpu.memory_space<vmem>> -> memref<1x64x129xf32, #tpu.memory_space<vmem>>
        %scatter3A_621 = tpu.memref_squeeze %scatter3A_620 : memref<1x64x129xf32, #tpu.memory_space<vmem>> -> memref<64x129xf32, #tpu.memory_space<vmem>>
        tpu.vector_store_idx %scatter3A_621[%add3A_364, %mul3A_611], %get3A_616 : memref<64x129xf32, #tpu.memory_space<vmem>>[vector<16xi32>, vector<16xi32>], vector<16xf32>,
        %get3A_622 = arith.constant 1 : i32
        %get3A_623 = arith.index_cast %get3A_622 : i32 to index
        %get3A_624 = arith.index_cast %add3A_609 : i32 to index
        %get3A_625 = arith.constant 16 : index
        %get3A_626 = tpu.vector_load %arg6[%get3A_623, %get3A_624, %get3A_625] {strides = array<i32>} : memref<2x128x64xf32, #tpu.memory_space<vmem>>, vector<16xf32>,
        %scatter3A_627 = arith.constant 1 : i32
        %scatter3A_628 = arith.constant 0 : i32
        %scatter3A_629 = arith.constant 0 : i32
        %scatter3A_630 = tpu.memref_slice %arg7[%scatter3A_627, %scatter3A_628, %scatter3A_629] : memref<2x64x129xf32, #tpu.memory_space<vmem>> -> memref<1x64x129xf32, #tpu.memory_space<vmem>>
        %scatter3A_631 = tpu.memref_squeeze %scatter3A_630 : memref<1x64x129xf32, #tpu.memory_space<vmem>> -> memref<64x129xf32, #tpu.memory_space<vmem>>
        tpu.vector_store_idx %scatter3A_631[%add3A_368, %mul3A_611], %get3A_626 : memref<64x129xf32, #tpu.memory_space<vmem>>[vector<16xi32>, vector<16xi32>], vector<16xf32>,
        %get3A_632 = arith.constant 1 : i32
        %get3A_633 = arith.index_cast %get3A_632 : i32 to index
        %get3A_634 = arith.index_cast %add3A_609 : i32 to index
        %get3A_635 = arith.constant 32 : index
        %get3A_636 = tpu.vector_load %arg6[%get3A_633, %get3A_634, %get3A_635] {strides = array<i32>} : memref<2x128x64xf32, #tpu.memory_space<vmem>>, vector<16xf32>,
        %scatter3A_637 = arith.constant 1 : i32
        %scatter3A_638 = arith.constant 0 : i32
        %scatter3A_639 = arith.constant 0 : i32
        %scatter3A_640 = tpu.memref_slice %arg7[%scatter3A_637, %scatter3A_638, %scatter3A_639] : memref<2x64x129xf32, #tpu.memory_space<vmem>> -> memref<1x64x129xf32, #tpu.memory_space<vmem>>
        %scatter3A_641 = tpu.memref_squeeze %scatter3A_640 : memref<1x64x129xf32, #tpu.memory_space<vmem>> -> memref<64x129xf32, #tpu.memory_space<vmem>>
        tpu.vector_store_idx %scatter3A_641[%add3A_372, %mul3A_611], %get3A_636 : memref<64x129xf32, #tpu.memory_space<vmem>>[vector<16xi32>, vector<16xi32>], vector<16xf32>,
        %get3A_642 = arith.constant 1 : i32
        %get3A_643 = arith.index_cast %get3A_642 : i32 to index
        %get3A_644 = arith.index_cast %add3A_609 : i32 to index
        %get3A_645 = arith.constant 48 : index
        %get3A_646 = tpu.vector_load %arg6[%get3A_643, %get3A_644, %get3A_645] {strides = array<i32>} : memref<2x128x64xf32, #tpu.memory_space<vmem>>, vector<16xf32>,
        %scatter3A_647 = arith.constant 1 : i32
        %scatter3A_648 = arith.constant 0 : i32
        %scatter3A_649 = arith.constant 0 : i32
        %scatter3A_650 = tpu.memref_slice %arg7[%scatter3A_647, %scatter3A_648, %scatter3A_649] : memref<2x64x129xf32, #tpu.memory_space<vmem>> -> memref<1x64x129xf32, #tpu.memory_space<vmem>>
        %scatter3A_651 = tpu.memref_squeeze %scatter3A_650 : memref<1x64x129xf32, #tpu.memory_space<vmem>> -> memref<64x129xf32, #tpu.memory_space<vmem>>
        tpu.vector_store_idx %scatter3A_651[%add3A_376, %mul3A_611], %get3A_646 : memref<64x129xf32, #tpu.memory_space<vmem>>[vector<16xi32>, vector<16xi32>], vector<16xf32>,
        %mul3A_652 = arith.constant 8 : i32
        %mul3A_653 = arith.muli %scan3A_515, %mul3A_652 : i32
        %add3A_654 = arith.constant 3 : i32
        %add3A_655 = arith.addi %mul3A_653, %add3A_654 : i32
        %mul3A_656 = vector.broadcast %add3A_655 : i32 to vector<16xi32>
        %mul3A_657 = arith.muli %broadcast_in_dim3A_378, %mul3A_656 : vector<16xi32>
        %get3A_658 = arith.constant 1 : i32
        %get3A_659 = arith.index_cast %get3A_658 : i32 to index
        %get3A_660 = arith.index_cast %add3A_655 : i32 to index
        %get3A_661 = arith.constant 0 : index
        %get3A_662 = tpu.vector_load %arg6[%get3A_659, %get3A_660, %get3A_661] {strides = array<i32>} : memref<2x128x64xf32, #tpu.memory_space<vmem>>, vector<16xf32>,
        %scatter3A_663 = arith.constant 1 : i32
        %scatter3A_664 = arith.constant 0 : i32
        %scatter3A_665 = arith.constant 0 : i32
        %scatter3A_666 = tpu.memref_slice %arg7[%scatter3A_663, %scatter3A_664, %scatter3A_665] : memref<2x64x129xf32, #tpu.memory_space<vmem>> -> memref<1x64x129xf32, #tpu.memory_space<vmem>>
        %scatter3A_667 = tpu.memref_squeeze %scatter3A_666 : memref<1x64x129xf32, #tpu.memory_space<vmem>> -> memref<64x129xf32, #tpu.memory_space<vmem>>
        tpu.vector_store_idx %scatter3A_667[%add3A_364, %mul3A_657], %get3A_662 : memref<64x129xf32, #tpu.memory_space<vmem>>[vector<16xi32>, vector<16xi32>], vector<16xf32>,
        %get3A_668 = arith.constant 1 : i32
        %get3A_669 = arith.index_cast %get3A_668 : i32 to index
        %get3A_670 = arith.index_cast %add3A_655 : i32 to index
        %get3A_671 = arith.constant 16 : index
        %get3A_672 = tpu.vector_load %arg6[%get3A_669, %get3A_670, %get3A_671] {strides = array<i32>} : memref<2x128x64xf32, #tpu.memory_space<vmem>>, vector<16xf32>,
        %scatter3A_673 = arith.constant 1 : i32
        %scatter3A_674 = arith.constant 0 : i32
        %scatter3A_675 = arith.constant 0 : i32
        %scatter3A_676 = tpu.memref_slice %arg7[%scatter3A_673, %scatter3A_674, %scatter3A_675] : memref<2x64x129xf32, #tpu.memory_space<vmem>> -> memref<1x64x129xf32, #tpu.memory_space<vmem>>
        %scatter3A_677 = tpu.memref_squeeze %scatter3A_676 : memref<1x64x129xf32, #tpu.memory_space<vmem>> -> memref<64x129xf32, #tpu.memory_space<vmem>>
        tpu.vector_store_idx %scatter3A_677[%add3A_368, %mul3A_657], %get3A_672 : memref<64x129xf32, #tpu.memory_space<vmem>>[vector<16xi32>, vector<16xi32>], vector<16xf32>,
        %get3A_678 = arith.constant 1 : i32
        %get3A_679 = arith.index_cast %get3A_678 : i32 to index
        %get3A_680 = arith.index_cast %add3A_655 : i32 to index
        %get3A_681 = arith.constant 32 : index
        %get3A_682 = tpu.vector_load %arg6[%get3A_679, %get3A_680, %get3A_681] {strides = array<i32>} : memref<2x128x64xf32, #tpu.memory_space<vmem>>, vector<16xf32>,
        %scatter3A_683 = arith.constant 1 : i32
        %scatter3A_684 = arith.constant 0 : i32
        %scatter3A_685 = arith.constant 0 : i32
        %scatter3A_686 = tpu.memref_slice %arg7[%scatter3A_683, %scatter3A_684, %scatter3A_685] : memref<2x64x129xf32, #tpu.memory_space<vmem>> -> memref<1x64x129xf32, #tpu.memory_space<vmem>>
        %scatter3A_687 = tpu.memref_squeeze %scatter3A_686 : memref<1x64x129xf32, #tpu.memory_space<vmem>> -> memref<64x129xf32, #tpu.memory_space<vmem>>
        tpu.vector_store_idx %scatter3A_687[%add3A_372, %mul3A_657], %get3A_682 : memref<64x129xf32, #tpu.memory_space<vmem>>[vector<16xi32>, vector<16xi32>], vector<16xf32>,
        %get3A_688 = arith.constant 1 : i32
        %get3A_689 = arith.index_cast %get3A_688 : i32 to index
        %get3A_690 = arith.index_cast %add3A_655 : i32 to index
        %get3A_691 = arith.constant 48 : index
        %get3A_692 = tpu.vector_load %arg6[%get3A_689, %get3A_690, %get3A_691] {strides = array<i32>} : memref<2x128x64xf32, #tpu.memory_space<vmem>>, vector<16xf32>,
        %scatter3A_693 = arith.constant 1 : i32
        %scatter3A_694 = arith.constant 0 : i32
        %scatter3A_695 = arith.constant 0 : i32
        %scatter3A_696 = tpu.memref_slice %arg7[%scatter3A_693, %scatter3A_694, %scatter3A_695] : memref<2x64x129xf32, #tpu.memory_space<vmem>> -> memref<1x64x129xf32, #tpu.memory_space<vmem>>
        %scatter3A_697 = tpu.memref_squeeze %scatter3A_696 : memref<1x64x129xf32, #tpu.memory_space<vmem>> -> memref<64x129xf32, #tpu.memory_space<vmem>>
        tpu.vector_store_idx %scatter3A_697[%add3A_376, %mul3A_657], %get3A_692 : memref<64x129xf32, #tpu.memory_space<vmem>>[vector<16xi32>, vector<16xi32>], vector<16xf32>,
        %mul3A_698 = arith.constant 8 : i32
        %mul3A_699 = arith.muli %scan3A_515, %mul3A_698 : i32
        %add3A_700 = arith.constant 4 : i32
        %add3A_701 = arith.addi %mul3A_699, %add3A_700 : i32
        %mul3A_702 = vector.broadcast %add3A_701 : i32 to vector<16xi32>
        %mul3A_703 = arith.muli %broadcast_in_dim3A_378, %mul3A_702 : vector<16xi32>
        %get3A_704 = arith.constant 1 : i32
        %get3A_705 = arith.index_cast %get3A_704 : i32 to index
        %get3A_706 = arith.index_cast %add3A_701 : i32 to index
        %get3A_707 = arith.constant 0 : index
        %get3A_708 = tpu.vector_load %arg6[%get3A_705, %get3A_706, %get3A_707] {strides = array<i32>} : memref<2x128x64xf32, #tpu.memory_space<vmem>>, vector<16xf32>,
        %scatter3A_709 = arith.constant 1 : i32
        %scatter3A_710 = arith.constant 0 : i32
        %scatter3A_711 = arith.constant 0 : i32
        %scatter3A_712 = tpu.memref_slice %arg7[%scatter3A_709, %scatter3A_710, %scatter3A_711] : memref<2x64x129xf32, #tpu.memory_space<vmem>> -> memref<1x64x129xf32, #tpu.memory_space<vmem>>
        %scatter3A_713 = tpu.memref_squeeze %scatter3A_712 : memref<1x64x129xf32, #tpu.memory_space<vmem>> -> memref<64x129xf32, #tpu.memory_space<vmem>>
        tpu.vector_store_idx %scatter3A_713[%add3A_364, %mul3A_703], %get3A_708 : memref<64x129xf32, #tpu.memory_space<vmem>>[vector<16xi32>, vector<16xi32>], vector<16xf32>,
        %get3A_714 = arith.constant 1 : i32
        %get3A_715 = arith.index_cast %get3A_714 : i32 to index
        %get3A_716 = arith.index_cast %add3A_701 : i32 to index
        %get3A_717 = arith.constant 16 : index
        %get3A_718 = tpu.vector_load %arg6[%get3A_715, %get3A_716, %get3A_717] {strides = array<i32>} : memref<2x128x64xf32, #tpu.memory_space<vmem>>, vector<16xf32>,
        %scatter3A_719 = arith.constant 1 : i32
        %scatter3A_720 = arith.constant 0 : i32
        %scatter3A_721 = arith.constant 0 : i32
        %scatter3A_722 = tpu.memref_slice %arg7[%scatter3A_719, %scatter3A_720, %scatter3A_721] : memref<2x64x129xf32, #tpu.memory_space<vmem>> -> memref<1x64x129xf32, #tpu.memory_space<vmem>>
        %scatter3A_723 = tpu.memref_squeeze %scatter3A_722 : memref<1x64x129xf32, #tpu.memory_space<vmem>> -> memref<64x129xf32, #tpu.memory_space<vmem>>
        tpu.vector_store_idx %scatter3A_723[%add3A_368, %mul3A_703], %get3A_718 : memref<64x129xf32, #tpu.memory_space<vmem>>[vector<16xi32>, vector<16xi32>], vector<16xf32>,
        %get3A_724 = arith.constant 1 : i32
        %get3A_725 = arith.index_cast %get3A_724 : i32 to index
        %get3A_726 = arith.index_cast %add3A_701 : i32 to index
        %get3A_727 = arith.constant 32 : index
        %get3A_728 = tpu.vector_load %arg6[%get3A_725, %get3A_726, %get3A_727] {strides = array<i32>} : memref<2x128x64xf32, #tpu.memory_space<vmem>>, vector<16xf32>,
        %scatter3A_729 = arith.constant 1 : i32
        %scatter3A_730 = arith.constant 0 : i32
        %scatter3A_731 = arith.constant 0 : i32
        %scatter3A_732 = tpu.memref_slice %arg7[%scatter3A_729, %scatter3A_730, %scatter3A_731] : memref<2x64x129xf32, #tpu.memory_space<vmem>> -> memref<1x64x129xf32, #tpu.memory_space<vmem>>
        %scatter3A_733 = tpu.memref_squeeze %scatter3A_732 : memref<1x64x129xf32, #tpu.memory_space<vmem>> -> memref<64x129xf32, #tpu.memory_space<vmem>>
        tpu.vector_store_idx %scatter3A_733[%add3A_372, %mul3A_703], %get3A_728 : memref<64x129xf32, #tpu.memory_space<vmem>>[vector<16xi32>, vector<16xi32>], vector<16xf32>,
        %get3A_734 = arith.constant 1 : i32
        %get3A_735 = arith.index_cast %get3A_734 : i32 to index
        %get3A_736 = arith.index_cast %add3A_701 : i32 to index
        %get3A_737 = arith.constant 48 : index
        %get3A_738 = tpu.vector_load %arg6[%get3A_735, %get3A_736, %get3A_737] {strides = array<i32>} : memref<2x128x64xf32, #tpu.memory_space<vmem>>, vector<16xf32>,
        %scatter3A_739 = arith.constant 1 : i32
        %scatter3A_740 = arith.constant 0 : i32
        %scatter3A_741 = arith.constant 0 : i32
        %scatter3A_742 = tpu.memref_slice %arg7[%scatter3A_739, %scatter3A_740, %scatter3A_741] : memref<2x64x129xf32, #tpu.memory_space<vmem>> -> memref<1x64x129xf32, #tpu.memory_space<vmem>>
        %scatter3A_743 = tpu.memref_squeeze %scatter3A_742 : memref<1x64x129xf32, #tpu.memory_space<vmem>> -> memref<64x129xf32, #tpu.memory_space<vmem>>
        tpu.vector_store_idx %scatter3A_743[%add3A_376, %mul3A_703], %get3A_738 : memref<64x129xf32, #tpu.memory_space<vmem>>[vector<16xi32>, vector<16xi32>], vector<16xf32>,
        %mul3A_744 = arith.constant 8 : i32
        %mul3A_745 = arith.muli %scan3A_515, %mul3A_744 : i32
        %add3A_746 = arith.constant 5 : i32
        %add3A_747 = arith.addi %mul3A_745, %add3A_746 : i32
        %mul3A_748 = vector.broadcast %add3A_747 : i32 to vector<16xi32>
        %mul3A_749 = arith.muli %broadcast_in_dim3A_378, %mul3A_748 : vector<16xi32>
        %get3A_750 = arith.constant 1 : i32
        %get3A_751 = arith.index_cast %get3A_750 : i32 to index
        %get3A_752 = arith.index_cast %add3A_747 : i32 to index
        %get3A_753 = arith.constant 0 : index
        %get3A_754 = tpu.vector_load %arg6[%get3A_751, %get3A_752, %get3A_753] {strides = array<i32>} : memref<2x128x64xf32, #tpu.memory_space<vmem>>, vector<16xf32>,
        %scatter3A_755 = arith.constant 1 : i32
        %scatter3A_756 = arith.constant 0 : i32
        %scatter3A_757 = arith.constant 0 : i32
        %scatter3A_758 = tpu.memref_slice %arg7[%scatter3A_755, %scatter3A_756, %scatter3A_757] : memref<2x64x129xf32, #tpu.memory_space<vmem>> -> memref<1x64x129xf32, #tpu.memory_space<vmem>>
        %scatter3A_759 = tpu.memref_squeeze %scatter3A_758 : memref<1x64x129xf32, #tpu.memory_space<vmem>> -> memref<64x129xf32, #tpu.memory_space<vmem>>
        tpu.vector_store_idx %scatter3A_759[%add3A_364, %mul3A_749], %get3A_754 : memref<64x129xf32, #tpu.memory_space<vmem>>[vector<16xi32>, vector<16xi32>], vector<16xf32>,
        %get3A_760 = arith.constant 1 : i32
        %get3A_761 = arith.index_cast %get3A_760 : i32 to index
        %get3A_762 = arith.index_cast %add3A_747 : i32 to index
        %get3A_763 = arith.constant 16 : index
        %get3A_764 = tpu.vector_load %arg6[%get3A_761, %get3A_762, %get3A_763] {strides = array<i32>} : memref<2x128x64xf32, #tpu.memory_space<vmem>>, vector<16xf32>,
        %scatter3A_765 = arith.constant 1 : i32
        %scatter3A_766 = arith.constant 0 : i32
        %scatter3A_767 = arith.constant 0 : i32
        %scatter3A_768 = tpu.memref_slice %arg7[%scatter3A_765, %scatter3A_766, %scatter3A_767] : memref<2x64x129xf32, #tpu.memory_space<vmem>> -> memref<1x64x129xf32, #tpu.memory_space<vmem>>
        %scatter3A_769 = tpu.memref_squeeze %scatter3A_768 : memref<1x64x129xf32, #tpu.memory_space<vmem>> -> memref<64x129xf32, #tpu.memory_space<vmem>>
        tpu.vector_store_idx %scatter3A_769[%add3A_368, %mul3A_749], %get3A_764 : memref<64x129xf32, #tpu.memory_space<vmem>>[vector<16xi32>, vector<16xi32>], vector<16xf32>,
        %get3A_770 = arith.constant 1 : i32
        %get3A_771 = arith.index_cast %get3A_770 : i32 to index
        %get3A_772 = arith.index_cast %add3A_747 : i32 to index
        %get3A_773 = arith.constant 32 : index
        %get3A_774 = tpu.vector_load %arg6[%get3A_771, %get3A_772, %get3A_773] {strides = array<i32>} : memref<2x128x64xf32, #tpu.memory_space<vmem>>, vector<16xf32>,
        %scatter3A_775 = arith.constant 1 : i32
        %scatter3A_776 = arith.constant 0 : i32
        %scatter3A_777 = arith.constant 0 : i32
        %scatter3A_778 = tpu.memref_slice %arg7[%scatter3A_775, %scatter3A_776, %scatter3A_777] : memref<2x64x129xf32, #tpu.memory_space<vmem>> -> memref<1x64x129xf32, #tpu.memory_space<vmem>>
        %scatter3A_779 = tpu.memref_squeeze %scatter3A_778 : memref<1x64x129xf32, #tpu.memory_space<vmem>> -> memref<64x129xf32, #tpu.memory_space<vmem>>
        tpu.vector_store_idx %scatter3A_779[%add3A_372, %mul3A_749], %get3A_774 : memref<64x129xf32, #tpu.memory_space<vmem>>[vector<16xi32>, vector<16xi32>], vector<16xf32>,
        %get3A_780 = arith.constant 1 : i32
        %get3A_781 = arith.index_cast %get3A_780 : i32 to index
        %get3A_782 = arith.index_cast %add3A_747 : i32 to index
        %get3A_783 = arith.constant 48 : index
        %get3A_784 = tpu.vector_load %arg6[%get3A_781, %get3A_782, %get3A_783] {strides = array<i32>} : memref<2x128x64xf32, #tpu.memory_space<vmem>>, vector<16xf32>,
        %scatter3A_785 = arith.constant 1 : i32
        %scatter3A_786 = arith.constant 0 : i32
        %scatter3A_787 = arith.constant 0 : i32
        %scatter3A_788 = tpu.memref_slice %arg7[%scatter3A_785, %scatter3A_786, %scatter3A_787] : memref<2x64x129xf32, #tpu.memory_space<vmem>> -> memref<1x64x129xf32, #tpu.memory_space<vmem>>
        %scatter3A_789 = tpu.memref_squeeze %scatter3A_788 : memref<1x64x129xf32, #tpu.memory_space<vmem>> -> memref<64x129xf32, #tpu.memory_space<vmem>>
        tpu.vector_store_idx %scatter3A_789[%add3A_376, %mul3A_749], %get3A_784 : memref<64x129xf32, #tpu.memory_space<vmem>>[vector<16xi32>, vector<16xi32>], vector<16xf32>,
        %mul3A_790 = arith.constant 8 : i32
        %mul3A_791 = arith.muli %scan3A_515, %mul3A_790 : i32
        %add3A_792 = arith.constant 6 : i32
        %add3A_793 = arith.addi %mul3A_791, %add3A_792 : i32
        %mul3A_794 = vector.broadcast %add3A_793 : i32 to vector<16xi32>
        %mul3A_795 = arith.muli %broadcast_in_dim3A_378, %mul3A_794 : vector<16xi32>
        %get3A_796 = arith.constant 1 : i32
        %get3A_797 = arith.index_cast %get3A_796 : i32 to index
        %get3A_798 = arith.index_cast %add3A_793 : i32 to index
        %get3A_799 = arith.constant 0 : index
        %get3A_800 = tpu.vector_load %arg6[%get3A_797, %get3A_798, %get3A_799] {strides = array<i32>} : memref<2x128x64xf32, #tpu.memory_space<vmem>>, vector<16xf32>,
        %scatter3A_801 = arith.constant 1 : i32
        %scatter3A_802 = arith.constant 0 : i32
        %scatter3A_803 = arith.constant 0 : i32
        %scatter3A_804 = tpu.memref_slice %arg7[%scatter3A_801, %scatter3A_802, %scatter3A_803] : memref<2x64x129xf32, #tpu.memory_space<vmem>> -> memref<1x64x129xf32, #tpu.memory_space<vmem>>
        %scatter3A_805 = tpu.memref_squeeze %scatter3A_804 : memref<1x64x129xf32, #tpu.memory_space<vmem>> -> memref<64x129xf32, #tpu.memory_space<vmem>>
        tpu.vector_store_idx %scatter3A_805[%add3A_364, %mul3A_795], %get3A_800 : memref<64x129xf32, #tpu.memory_space<vmem>>[vector<16xi32>, vector<16xi32>], vector<16xf32>,
        %get3A_806 = arith.constant 1 : i32
        %get3A_807 = arith.index_cast %get3A_806 : i32 to index
        %get3A_808 = arith.index_cast %add3A_793 : i32 to index
        %get3A_809 = arith.constant 16 : index
        %get3A_810 = tpu.vector_load %arg6[%get3A_807, %get3A_808, %get3A_809] {strides = array<i32>} : memref<2x128x64xf32, #tpu.memory_space<vmem>>, vector<16xf32>,
        %scatter3A_811 = arith.constant 1 : i32
        %scatter3A_812 = arith.constant 0 : i32
        %scatter3A_813 = arith.constant 0 : i32
        %scatter3A_814 = tpu.memref_slice %arg7[%scatter3A_811, %scatter3A_812, %scatter3A_813] : memref<2x64x129xf32, #tpu.memory_space<vmem>> -> memref<1x64x129xf32, #tpu.memory_space<vmem>>
        %scatter3A_815 = tpu.memref_squeeze %scatter3A_814 : memref<1x64x129xf32, #tpu.memory_space<vmem>> -> memref<64x129xf32, #tpu.memory_space<vmem>>
        tpu.vector_store_idx %scatter3A_815[%add3A_368, %mul3A_795], %get3A_810 : memref<64x129xf32, #tpu.memory_space<vmem>>[vector<16xi32>, vector<16xi32>], vector<16xf32>,
        %get3A_816 = arith.constant 1 : i32
        %get3A_817 = arith.index_cast %get3A_816 : i32 to index
        %get3A_818 = arith.index_cast %add3A_793 : i32 to index
        %get3A_819 = arith.constant 32 : index
        %get3A_820 = tpu.vector_load %arg6[%get3A_817, %get3A_818, %get3A_819] {strides = array<i32>} : memref<2x128x64xf32, #tpu.memory_space<vmem>>, vector<16xf32>,
        %scatter3A_821 = arith.constant 1 : i32
        %scatter3A_822 = arith.constant 0 : i32
        %scatter3A_823 = arith.constant 0 : i32
        %scatter3A_824 = tpu.memref_slice %arg7[%scatter3A_821, %scatter3A_822, %scatter3A_823] : memref<2x64x129xf32, #tpu.memory_space<vmem>> -> memref<1x64x129xf32, #tpu.memory_space<vmem>>
        %scatter3A_825 = tpu.memref_squeeze %scatter3A_824 : memref<1x64x129xf32, #tpu.memory_space<vmem>> -> memref<64x129xf32, #tpu.memory_space<vmem>>
        tpu.vector_store_idx %scatter3A_825[%add3A_372, %mul3A_795], %get3A_820 : memref<64x129xf32, #tpu.memory_space<vmem>>[vector<16xi32>, vector<16xi32>], vector<16xf32>,
        %get3A_826 = arith.constant 1 : i32
        %get3A_827 = arith.index_cast %get3A_826 : i32 to index
        %get3A_828 = arith.index_cast %add3A_793 : i32 to index
        %get3A_829 = arith.constant 48 : index
        %get3A_830 = tpu.vector_load %arg6[%get3A_827, %get3A_828, %get3A_829] {strides = array<i32>} : memref<2x128x64xf32, #tpu.memory_space<vmem>>, vector<16xf32>,
        %scatter3A_831 = arith.constant 1 : i32
        %scatter3A_832 = arith.constant 0 : i32
        %scatter3A_833 = arith.constant 0 : i32
        %scatter3A_834 = tpu.memref_slice %arg7[%scatter3A_831, %scatter3A_832, %scatter3A_833] : memref<2x64x129xf32, #tpu.memory_space<vmem>> -> memref<1x64x129xf32, #tpu.memory_space<vmem>>
        %scatter3A_835 = tpu.memref_squeeze %scatter3A_834 : memref<1x64x129xf32, #tpu.memory_space<vmem>> -> memref<64x129xf32, #tpu.memory_space<vmem>>
        tpu.vector_store_idx %scatter3A_835[%add3A_376, %mul3A_795], %get3A_830 : memref<64x129xf32, #tpu.memory_space<vmem>>[vector<16xi32>, vector<16xi32>], vector<16xf32>,
        %mul3A_836 = arith.constant 8 : i32
        %mul3A_837 = arith.muli %scan3A_515, %mul3A_836 : i32
        %add3A_838 = arith.constant 7 : i32
        %add3A_839 = arith.addi %mul3A_837, %add3A_838 : i32
        %mul3A_840 = vector.broadcast %add3A_839 : i32 to vector<16xi32>
        %mul3A_841 = arith.muli %broadcast_in_dim3A_378, %mul3A_840 : vector<16xi32>
        %get3A_842 = arith.constant 1 : i32
        %get3A_843 = arith.index_cast %get3A_842 : i32 to index
        %get3A_844 = arith.index_cast %add3A_839 : i32 to index
        %get3A_845 = arith.constant 0 : index
        %get3A_846 = tpu.vector_load %arg6[%get3A_843, %get3A_844, %get3A_845] {strides = array<i32>} : memref<2x128x64xf32, #tpu.memory_space<vmem>>, vector<16xf32>,
        %scatter3A_847 = arith.constant 1 : i32
        %scatter3A_848 = arith.constant 0 : i32
        %scatter3A_849 = arith.constant 0 : i32
        %scatter3A_850 = tpu.memref_slice %arg7[%scatter3A_847, %scatter3A_848, %scatter3A_849] : memref<2x64x129xf32, #tpu.memory_space<vmem>> -> memref<1x64x129xf32, #tpu.memory_space<vmem>>
        %scatter3A_851 = tpu.memref_squeeze %scatter3A_850 : memref<1x64x129xf32, #tpu.memory_space<vmem>> -> memref<64x129xf32, #tpu.memory_space<vmem>>
        tpu.vector_store_idx %scatter3A_851[%add3A_364, %mul3A_841], %get3A_846 : memref<64x129xf32, #tpu.memory_space<vmem>>[vector<16xi32>, vector<16xi32>], vector<16xf32>,
        %get3A_852 = arith.constant 1 : i32
        %get3A_853 = arith.index_cast %get3A_852 : i32 to index
        %get3A_854 = arith.index_cast %add3A_839 : i32 to index
        %get3A_855 = arith.constant 16 : index
        %get3A_856 = tpu.vector_load %arg6[%get3A_853, %get3A_854, %get3A_855] {strides = array<i32>} : memref<2x128x64xf32, #tpu.memory_space<vmem>>, vector<16xf32>,
        %scatter3A_857 = arith.constant 1 : i32
        %scatter3A_858 = arith.constant 0 : i32
        %scatter3A_859 = arith.constant 0 : i32
        %scatter3A_860 = tpu.memref_slice %arg7[%scatter3A_857, %scatter3A_858, %scatter3A_859] : memref<2x64x129xf32, #tpu.memory_space<vmem>> -> memref<1x64x129xf32, #tpu.memory_space<vmem>>
        %scatter3A_861 = tpu.memref_squeeze %scatter3A_860 : memref<1x64x129xf32, #tpu.memory_space<vmem>> -> memref<64x129xf32, #tpu.memory_space<vmem>>
        tpu.vector_store_idx %scatter3A_861[%add3A_368, %mul3A_841], %get3A_856 : memref<64x129xf32, #tpu.memory_space<vmem>>[vector<16xi32>, vector<16xi32>], vector<16xf32>,
        %get3A_862 = arith.constant 1 : i32
        %get3A_863 = arith.index_cast %get3A_862 : i32 to index
        %get3A_864 = arith.index_cast %add3A_839 : i32 to index
        %get3A_865 = arith.constant 32 : index
        %get3A_866 = tpu.vector_load %arg6[%get3A_863, %get3A_864, %get3A_865] {strides = array<i32>} : memref<2x128x64xf32, #tpu.memory_space<vmem>>, vector<16xf32>,
        %scatter3A_867 = arith.constant 1 : i32
        %scatter3A_868 = arith.constant 0 : i32
        %scatter3A_869 = arith.constant 0 : i32
        %scatter3A_870 = tpu.memref_slice %arg7[%scatter3A_867, %scatter3A_868, %scatter3A_869] : memref<2x64x129xf32, #tpu.memory_space<vmem>> -> memref<1x64x129xf32, #tpu.memory_space<vmem>>
        %scatter3A_871 = tpu.memref_squeeze %scatter3A_870 : memref<1x64x129xf32, #tpu.memory_space<vmem>> -> memref<64x129xf32, #tpu.memory_space<vmem>>
        tpu.vector_store_idx %scatter3A_871[%add3A_372, %mul3A_841], %get3A_866 : memref<64x129xf32, #tpu.memory_space<vmem>>[vector<16xi32>, vector<16xi32>], vector<16xf32>,
        %get3A_872 = arith.constant 1 : i32
        %get3A_873 = arith.index_cast %get3A_872 : i32 to index
        %get3A_874 = arith.index_cast %add3A_839 : i32 to index
        %get3A_875 = arith.constant 48 : index
        %get3A_876 = tpu.vector_load %arg6[%get3A_873, %get3A_874, %get3A_875] {strides = array<i32>} : memref<2x128x64xf32, #tpu.memory_space<vmem>>, vector<16xf32>,
        %scatter3A_877 = arith.constant 1 : i32
        %scatter3A_878 = arith.constant 0 : i32
        %scatter3A_879 = arith.constant 0 : i32
        %scatter3A_880 = tpu.memref_slice %arg7[%scatter3A_877, %scatter3A_878, %scatter3A_879] : memref<2x64x129xf32, #tpu.memory_space<vmem>> -> memref<1x64x129xf32, #tpu.memory_space<vmem>>
        %scatter3A_881 = tpu.memref_squeeze %scatter3A_880 : memref<1x64x129xf32, #tpu.memory_space<vmem>> -> memref<64x129xf32, #tpu.memory_space<vmem>>
        tpu.vector_store_idx %scatter3A_881[%add3A_376, %mul3A_841], %get3A_876 : memref<64x129xf32, #tpu.memory_space<vmem>>[vector<16xi32>, vector<16xi32>], vector<16xf32>,
      }
      %scan3A_384 = arith.constant 16 : i32
      %add3A_385 = arith.constant 2 : i32
      %add3A_386 = arith.addi %add3A_345, %add3A_385 : i32
      %jit3A_387 = arith.constant 4 : i32
      %div3A_388 = arith.divsi %add3A_386, %jit3A_387 : i32
      %sign3A_389 = arith.constant 0 : i32
      %sign3A_390 = arith.cmpi sgt, %add3A_386, %sign3A_389 : i32
      %sign3A_391 = arith.extui %sign3A_390 : i1 to i32
      %sign3A_392 = arith.constant 0 : i32
      %sign3A_393 = arith.cmpi slt, %add3A_386, %sign3A_392 : i32
      %sign3A_394 = arith.extui %sign3A_393 : i1 to i32
      %sign3A_395 = arith.subi %sign3A_391, %sign3A_394 : i32
      %sign3A_396 = arith.constant 0 : i32
      %sign3A_397 = arith.cmpi sgt, %jit3A_387, %sign3A_396 : i32
      %sign3A_398 = arith.extui %sign3A_397 : i1 to i32
      %sign3A_399 = arith.constant 0 : i32
      %sign3A_400 = arith.cmpi slt, %jit3A_387, %sign3A_399 : i32
      %sign3A_401 = arith.extui %sign3A_400 : i1 to i32
      %sign3A_402 = arith.subi %sign3A_398, %sign3A_401 : i32
      %ne3A_403 = arith.cmpi ne, %sign3A_395, %sign3A_402 : i32
      %rem3A_404 = arith.remsi %add3A_386, %jit3A_387 : i32
      %ne3A_405 = arith.constant 0 : i32
      %ne3A_406 = arith.cmpi ne, %rem3A_404, %ne3A_405 : i32
      %and3A_407 = arith.andi %ne3A_403, %ne3A_406 : i1
      %sub3A_408 = arith.constant 1 : i32
      %sub3A_409 = arith.subi %div3A_388, %sub3A_408 : i32
      %select_n3A_410 = arith.select %and3A_407, %sub3A_409, %div3A_388 : i32
      %jit3A_411 = arith.constant 4 : i32
      %eq3A_412 = arith.constant 0 : i32
      %eq3A_413 = arith.cmpi eq, %jit3A_411, %eq3A_412 : i32
      %jit3A_414 = arith.constant 1 : i32
      %select_n3A_415 = arith.select %eq3A_413, %jit3A_414, %jit3A_411 : i32
      %rem3A_416 = arith.remsi %add3A_386, %select_n3A_415 : i32
      %ne3A_417 = arith.constant 0 : i32
      %ne3A_418 = arith.cmpi ne, %rem3A_416, %ne3A_417 : i32
      %lt3A_419 = arith.constant 0 : i32
      %lt3A_420 = arith.cmpi slt, %rem3A_416, %lt3A_419 : i32
      %lt3A_421 = arith.constant 0 : i32
      %lt3A_422 = arith.cmpi slt, %select_n3A_415, %lt3A_421 : i32
      %ne3A_423 = arith.xori %lt3A_420, %lt3A_422 : i1
      %and3A_424 = arith.andi %ne3A_423, %ne3A_418 : i1
      %add3A_425 = arith.addi %rem3A_416, %select_n3A_415 : i32
      %select_n3A_426 = arith.select %and3A_424, %add3A_425, %rem3A_416 : i32
      %mul3A_427 = arith.constant 128 : i32
      %mul3A_428 = arith.muli %select_n3A_426, %mul3A_427 : i32
      %dma_start3A_429 = arith.constant 1 : i32
      %dma_start3A_430 = arith.constant 0 : i32
      %dma_start3A_431 = arith.constant 0 : i32
      %dma_start3A_432 = tpu.memref_slice %arg6[%dma_start3A_429, %dma_start3A_430, %dma_start3A_431] : memref<2x128x64xf32, #tpu.memory_space<vmem>> -> memref<1x128x64xf32, #tpu.memory_space<vmem>>
      %dma_start3A_433 = tpu.memref_squeeze %dma_start3A_432 : memref<1x128x64xf32, #tpu.memory_space<vmem>> -> memref<128x64xf32, #tpu.memory_space<vmem>>
      %dma_start3A_434 = tpu.memref_slice %arg5[%select_n3A_410, %mul3A_428] : memref<26x512xi32, #tpu.memory_space<vmem>> -> memref<1x128xi32, #tpu.memory_space<vmem>>
      %dma_start3A_435 = tpu.memref_squeeze %dma_start3A_434 : memref<1x128xi32, #tpu.memory_space<vmem>> -> memref<128xi32, #tpu.memory_space<vmem>>
      %dma_start3A_436 = arith.constant 0 : i32
      %dma_start3A_437 = arith.constant 0 : i32
      %dma_start3A_438 = tpu.memref_slice %arg3[%dma_start3A_436, %dma_start3A_437] : memref<1000000x64xf32, #tpu.memory_space<hbm>> -> memref<1000000x64xf32, #tpu.memory_space<hbm>>
      tpu.enqueue_indirect_dma source(%dma_start3A_438 : memref<1000000x64xf32, #tpu.memory_space<hbm>>) target(%dma_start3A_433 : memref<128x64xf32, #tpu.memory_space<vmem>>) offsets(%dma_start3A_435 : memref<128xi32, #tpu.memory_space<vmem>>) semaphore(%arg9 : memref<!tpu.dma_semaphore, #tpu.memory_space<semaphore_mem>>)
      %jit3A_439 = arith.constant 4 : i32
      %div3A_440 = arith.divsi %add3A_345, %jit3A_439 : i32
      %sign3A_441 = arith.constant 0 : i32
      %sign3A_442 = arith.cmpi sgt, %add3A_345, %sign3A_441 : i32
      %sign3A_443 = arith.extui %sign3A_442 : i1 to i32
      %sign3A_444 = arith.constant 0 : i32
      %sign3A_445 = arith.cmpi slt, %add3A_345, %sign3A_444 : i32
      %sign3A_446 = arith.extui %sign3A_445 : i1 to i32
      %sign3A_447 = arith.subi %sign3A_443, %sign3A_446 : i32
      %sign3A_448 = arith.constant 0 : i32
      %sign3A_449 = arith.cmpi sgt, %jit3A_439, %sign3A_448 : i32
      %sign3A_450 = arith.extui %sign3A_449 : i1 to i32
      %sign3A_451 = arith.constant 0 : i32
      %sign3A_452 = arith.cmpi slt, %jit3A_439, %sign3A_451 : i32
      %sign3A_453 = arith.extui %sign3A_452 : i1 to i32
      %sign3A_454 = arith.subi %sign3A_450, %sign3A_453 : i32
      %ne3A_455 = arith.cmpi ne, %sign3A_447, %sign3A_454 : i32
      %rem3A_456 = arith.remsi %add3A_345, %jit3A_439 : i32
      %ne3A_457 = arith.constant 0 : i32
      %ne3A_458 = arith.cmpi ne, %rem3A_456, %ne3A_457 : i32
      %and3A_459 = arith.andi %ne3A_455, %ne3A_458 : i1
      %sub3A_460 = arith.constant 1 : i32
      %sub3A_461 = arith.subi %div3A_440, %sub3A_460 : i32
      %select_n3A_462 = arith.select %and3A_459, %sub3A_461, %div3A_440 : i32
      %jit3A_463 = arith.constant 4 : i32
      %eq3A_464 = arith.constant 0 : i32
      %eq3A_465 = arith.cmpi eq, %jit3A_463, %eq3A_464 : i32
      %jit3A_466 = arith.constant 1 : i32
      %select_n3A_467 = arith.select %eq3A_465, %jit3A_466, %jit3A_463 : i32
      %rem3A_468 = arith.remsi %add3A_345, %select_n3A_467 : i32
      %ne3A_469 = arith.constant 0 : i32
      %ne3A_470 = arith.cmpi ne, %rem3A_468, %ne3A_469 : i32
      %lt3A_471 = arith.constant 0 : i32
      %lt3A_472 = arith.cmpi slt, %rem3A_468, %lt3A_471 : i32
      %lt3A_473 = arith.constant 0 : i32
      %lt3A_474 = arith.cmpi slt, %select_n3A_467, %lt3A_473 : i32
      %ne3A_475 = arith.xori %lt3A_472, %lt3A_474 : i1
      %and3A_476 = arith.andi %ne3A_475, %ne3A_470 : i1
      %add3A_477 = arith.addi %rem3A_468, %select_n3A_467 : i32
      %select_n3A_478 = arith.select %and3A_476, %add3A_477, %rem3A_468 : i32
      %mul3A_479 = arith.constant 128 : i32
      %mul3A_480 = arith.muli %select_n3A_478, %mul3A_479 : i32
      %add3A_481 = arith.addi %mul3A_2, %mul3A_480 : i32
      %dma_start3A_482 = arith.constant 1 : i32
      %dma_start3A_483 = arith.constant 0 : i32
      %dma_start3A_484 = arith.constant 0 : i32
      %dma_start3A_485 = tpu.memref_slice %arg7[%dma_start3A_482, %dma_start3A_483, %dma_start3A_484] : memref<2x64x129xf32, #tpu.memory_space<vmem>> -> memref<1x64x128xf32, #tpu.memory_space<vmem>>
      %dma_start3A_486 = tpu.memref_squeeze %dma_start3A_485 : memref<1x64x128xf32, #tpu.memory_space<vmem>> -> memref<64x128xf32, #tpu.memory_space<vmem>>
      %dma_start3A_487 = arith.constant 0 : i32
      %dma_start3A_488 = tpu.memref_slice %arg4[%select_n3A_462, %dma_start3A_487, %add3A_481] : memref<26x64x16384xf32, #tpu.memory_space<hbm>> -> memref<1x64x128xf32, #tpu.memory_space<hbm>>
      %dma_start3A_489 = tpu.memref_squeeze %dma_start3A_488 : memref<1x64x128xf32, #tpu.memory_space<hbm>> -> memref<64x128xf32, #tpu.memory_space<hbm>>
      %dma_start3A_490 = arith.constant 0 : i32
      %dma_start3A_491 = tpu.memref_slice %arg4[%select_n3A_462, %dma_start3A_490, %add3A_481] : memref<26x64x16384xf32, #tpu.memory_space<hbm>> -> memref<1x64x128xf32, #tpu.memory_space<hbm>>
      %dma_start3A_492 = tpu.memref_squeeze %dma_start3A_491 : memref<1x64x128xf32, #tpu.memory_space<hbm>> -> memref<64x128xf32, #tpu.memory_space<hbm>>
      %dma_start3A_493 = arith.constant 0 : i32
      %dma_start3A_494 = arith.constant 0 : i32
      %dma_start3A_495 = tpu.memref_slice %arg7[%dma_start3A_482, %dma_start3A_493, %dma_start3A_494] : memref<2x64x129xf32, #tpu.memory_space<vmem>> -> memref<1x64x128xf32, #tpu.memory_space<vmem>>
      %dma_start3A_496 = tpu.memref_squeeze %dma_start3A_495 : memref<1x64x128xf32, #tpu.memory_space<vmem>> -> memref<64x128xf32, #tpu.memory_space<vmem>>
      tpu.enqueue_dma source(%dma_start3A_496 : memref<64x128xf32, #tpu.memory_space<vmem>>) target(%dma_start3A_492 : memref<64x128xf32, #tpu.memory_space<hbm>>) target_semaphore(%arg11 : memref<!tpu.dma_semaphore, #tpu.memory_space<semaphore_mem>>)
      %dma_wait3A_497 = arith.constant 1 : i32
      %dma_wait3A_498 = arith.constant 0 : i32
      %dma_wait3A_499 = arith.constant 0 : i32
      %dma_wait3A_500 = arith.constant 0 : i32
      %dma_wait3A_501 = tpu.memref_slice %arg7[%dma_wait3A_497, %dma_wait3A_499, %dma_wait3A_500] : memref<2x64x129xf32, #tpu.memory_space<vmem>> -> memref<1x64x128xf32, #tpu.memory_space<vmem>>
      %dma_wait3A_502 = tpu.memref_squeeze %dma_wait3A_501 : memref<1x64x128xf32, #tpu.memory_space<vmem>> -> memref<64x128xf32, #tpu.memory_space<vmem>>
      %dma_wait3A_503 = arith.constant 0 : i32
      %dma_wait3A_504 = arith.constant 0 : i32
      %dma_wait3A_505 = tpu.memref_slice %arg4[%dma_wait3A_498, %dma_wait3A_503, %dma_wait3A_504] : memref<26x64x16384xf32, #tpu.memory_space<hbm>> -> memref<1x64x128xf32, #tpu.memory_space<hbm>>
      %dma_wait3A_506 = tpu.memref_squeeze %dma_wait3A_505 : memref<1x64x128xf32, #tpu.memory_space<hbm>> -> memref<64x128xf32, #tpu.memory_space<hbm>>
      %dma_wait3A_507 = arith.constant 0 : i32
      %dma_wait3A_508 = arith.constant 0 : i32
      %dma_wait3A_509 = tpu.memref_slice %arg4[%dma_wait3A_498, %dma_wait3A_507, %dma_wait3A_508] : memref<26x64x16384xf32, #tpu.memory_space<hbm>> -> memref<1x64x128xf32, #tpu.memory_space<hbm>>
      %dma_wait3A_510 = tpu.memref_squeeze %dma_wait3A_509 : memref<1x64x128xf32, #tpu.memory_space<hbm>> -> memref<64x128xf32, #tpu.memory_space<hbm>>
      %dma_wait3A_511 = arith.constant 0 : i32
      %dma_wait3A_512 = arith.constant 0 : i32
      %dma_wait3A_513 = tpu.memref_slice %arg7[%dma_wait3A_497, %dma_wait3A_511, %dma_wait3A_512] : memref<2x64x129xf32, #tpu.memory_space<vmem>> -> memref<1x64x128xf32, #tpu.memory_space<vmem>>
      %dma_wait3A_514 = tpu.memref_squeeze %dma_wait3A_513 : memref<1x64x128xf32, #tpu.memory_space<vmem>> -> memref<64x128xf32, #tpu.memory_space<vmem>>
      tpu.wait_dma2 semaphore(%arg11 : memref<!tpu.dma_semaphore, #tpu.memory_space<semaphore_mem>>) src(%dma_wait3A_514 : memref<64x128xf32, #tpu.memory_space<vmem>>) dst(%dma_wait3A_510 : memref<64x128xf32, #tpu.memory_space<hbm>>)
    }
    %scan3A_30 = arith.constant 51 : i32
    %dma_wait3A = arith.constant 0 : i32
    %dma_wait3A_31 = arith.constant 0 : i32
    %dma_wait3A_32 = arith.constant 0 : i32
    %dma_wait3A_33 = tpu.memref_slice %arg6[%dma_wait3A, %dma_wait3A_31, %dma_wait3A_32] : memref<2x128x64xf32, #tpu.memory_space<vmem>> -> memref<1x128x64xf32, #tpu.memory_space<vmem>>
    %dma_wait3A_34 = tpu.memref_squeeze %dma_wait3A_33 : memref<1x128x64xf32, #tpu.memory_space<vmem>> -> memref<128x64xf32, #tpu.memory_space<vmem>>
    %dma_wait3A_35 = arith.constant 0 : i32
    %dma_wait3A_36 = arith.constant 0 : i32
    %dma_wait3A_37 = tpu.memref_slice %arg3[%dma_wait3A_35, %dma_wait3A_36] : memref<1000000x64xf32, #tpu.memory_space<hbm>> -> memref<128x64xf32, #tpu.memory_space<hbm>>
    %dma_wait3A_38 = arith.constant 0 : i32
    %dma_wait3A_39 = arith.constant 0 : i32
    %dma_wait3A_40 = tpu.memref_slice %arg6[%dma_wait3A, %dma_wait3A_38, %dma_wait3A_39] : memref<2x128x64xf32, #tpu.memory_space<vmem>> -> memref<1x128x64xf32, #tpu.memory_space<vmem>>
    %dma_wait3A_41 = tpu.memref_squeeze %dma_wait3A_40 : memref<1x128x64xf32, #tpu.memory_space<vmem>> -> memref<128x64xf32, #tpu.memory_space<vmem>>
    %dma_wait3A_42 = arith.constant 0 : i32
    %dma_wait3A_43 = arith.constant 0 : i32
    %dma_wait3A_44 = tpu.memref_slice %arg3[%dma_wait3A_42, %dma_wait3A_43] : memref<1000000x64xf32, #tpu.memory_space<hbm>> -> memref<128x64xf32, #tpu.memory_space<hbm>>
    tpu.wait_dma2 semaphore(%arg8 : memref<!tpu.dma_semaphore, #tpu.memory_space<semaphore_mem>>) src(%dma_wait3A_44 : memref<128x64xf32, #tpu.memory_space<hbm>>) dst(%dma_wait3A_41 : memref<128x64xf32, #tpu.memory_space<vmem>>)
    %iota3A = tpu.iota {dimensions = array<i32: 0>} : vector<16xi32>
    %add3A_45 = arith.constant 0 : i32
    %add3A_46 = vector.broadcast %add3A_45 : i32 to vector<16xi32>
    %add3A_47 = arith.addi %iota3A, %add3A_46 : vector<16xi32>
    %iota3A_48 = tpu.iota {dimensions = array<i32: 0>} : vector<16xi32>
    %add3A_49 = arith.constant 16 : i32
    %add3A_50 = vector.broadcast %add3A_49 : i32 to vector<16xi32>
    %add3A_51 = arith.addi %iota3A_48, %add3A_50 : vector<16xi32>
    %iota3A_52 = tpu.iota {dimensions = array<i32: 0>} : vector<16xi32>
    %add3A_53 = arith.constant 32 : i32
    %add3A_54 = vector.broadcast %add3A_53 : i32 to vector<16xi32>
    %add3A_55 = arith.addi %iota3A_52, %add3A_54 : vector<16xi32>
    %iota3A_56 = tpu.iota {dimensions = array<i32: 0>} : vector<16xi32>
    %add3A_57 = arith.constant 48 : i32
    %add3A_58 = vector.broadcast %add3A_57 : i32 to vector<16xi32>
    %add3A_59 = arith.addi %iota3A_56, %add3A_58 : vector<16xi32>
    %broadcast_in_dim3A = arith.constant 1 : i32
    %broadcast_in_dim3A_60 = vector.broadcast %broadcast_in_dim3A : i32 to vector<16xi32>
    %scan3A_61 = arith.constant 0 : i32
    %scan3A_62 = arith.constant 0 : i32
    %scan3A_63 = arith.constant 16 : i32
    %scan3A_64 = arith.addi %scan3A_62, %scan3A_63 : i32
    %scan3A_65 = arith.constant 1 : i32
    scf.for %scan3A_178 = %scan3A_62 to %scan3A_64 step %scan3A_65  : i32 {
      %mul3A_179 = arith.constant 8 : i32
      %mul3A_180 = arith.muli %scan3A_178, %mul3A_179 : i32
      %add3A_181 = arith.constant 0 : i32
      %add3A_182 = arith.addi %mul3A_180, %add3A_181 : i32
      %mul3A_183 = vector.broadcast %add3A_182 : i32 to vector<16xi32>
      %mul3A_184 = arith.muli %broadcast_in_dim3A_60, %mul3A_183 : vector<16xi32>
      %get3A = arith.constant 0 : i32
      %get3A_185 = arith.index_cast %get3A : i32 to index
      %get3A_186 = arith.index_cast %add3A_182 : i32 to index
      %get3A_187 = arith.constant 0 : index
      %get3A_188 = tpu.vector_load %arg6[%get3A_185, %get3A_186, %get3A_187] {strides = array<i32>} : memref<2x128x64xf32, #tpu.memory_space<vmem>>, vector<16xf32>,
      %scatter3A = arith.constant 0 : i32
      %scatter3A_189 = arith.constant 0 : i32
      %scatter3A_190 = arith.constant 0 : i32
      %scatter3A_191 = tpu.memref_slice %arg7[%scatter3A, %scatter3A_189, %scatter3A_190] : memref<2x64x129xf32, #tpu.memory_space<vmem>> -> memref<1x64x129xf32, #tpu.memory_space<vmem>>
      %scatter3A_192 = tpu.memref_squeeze %scatter3A_191 : memref<1x64x129xf32, #tpu.memory_space<vmem>> -> memref<64x129xf32, #tpu.memory_space<vmem>>
      tpu.vector_store_idx %scatter3A_192[%add3A_47, %mul3A_184], %get3A_188 : memref<64x129xf32, #tpu.memory_space<vmem>>[vector<16xi32>, vector<16xi32>], vector<16xf32>,
      %get3A_193 = arith.constant 0 : i32
      %get3A_194 = arith.index_cast %get3A_193 : i32 to index
      %get3A_195 = arith.index_cast %add3A_182 : i32 to index
      %get3A_196 = arith.constant 16 : index
      %get3A_197 = tpu.vector_load %arg6[%get3A_194, %get3A_195, %get3A_196] {strides = array<i32>} : memref<2x128x64xf32, #tpu.memory_space<vmem>>, vector<16xf32>,
      %scatter3A_198 = arith.constant 0 : i32
      %scatter3A_199 = arith.constant 0 : i32
      %scatter3A_200 = arith.constant 0 : i32
      %scatter3A_201 = tpu.memref_slice %arg7[%scatter3A_198, %scatter3A_199, %scatter3A_200] : memref<2x64x129xf32, #tpu.memory_space<vmem>> -> memref<1x64x129xf32, #tpu.memory_space<vmem>>
      %scatter3A_202 = tpu.memref_squeeze %scatter3A_201 : memref<1x64x129xf32, #tpu.memory_space<vmem>> -> memref<64x129xf32, #tpu.memory_space<vmem>>
      tpu.vector_store_idx %scatter3A_202[%add3A_51, %mul3A_184], %get3A_197 : memref<64x129xf32, #tpu.memory_space<vmem>>[vector<16xi32>, vector<16xi32>], vector<16xf32>,
      %get3A_203 = arith.constant 0 : i32
      %get3A_204 = arith.index_cast %get3A_203 : i32 to index
      %get3A_205 = arith.index_cast %add3A_182 : i32 to index
      %get3A_206 = arith.constant 32 : index
      %get3A_207 = tpu.vector_load %arg6[%get3A_204, %get3A_205, %get3A_206] {strides = array<i32>} : memref<2x128x64xf32, #tpu.memory_space<vmem>>, vector<16xf32>,
      %scatter3A_208 = arith.constant 0 : i32
      %scatter3A_209 = arith.constant 0 : i32
      %scatter3A_210 = arith.constant 0 : i32
      %scatter3A_211 = tpu.memref_slice %arg7[%scatter3A_208, %scatter3A_209, %scatter3A_210] : memref<2x64x129xf32, #tpu.memory_space<vmem>> -> memref<1x64x129xf32, #tpu.memory_space<vmem>>
      %scatter3A_212 = tpu.memref_squeeze %scatter3A_211 : memref<1x64x129xf32, #tpu.memory_space<vmem>> -> memref<64x129xf32, #tpu.memory_space<vmem>>
      tpu.vector_store_idx %scatter3A_212[%add3A_55, %mul3A_184], %get3A_207 : memref<64x129xf32, #tpu.memory_space<vmem>>[vector<16xi32>, vector<16xi32>], vector<16xf32>,
      %get3A_213 = arith.constant 0 : i32
      %get3A_214 = arith.index_cast %get3A_213 : i32 to index
      %get3A_215 = arith.index_cast %add3A_182 : i32 to index
      %get3A_216 = arith.constant 48 : index
      %get3A_217 = tpu.vector_load %arg6[%get3A_214, %get3A_215, %get3A_216] {strides = array<i32>} : memref<2x128x64xf32, #tpu.memory_space<vmem>>, vector<16xf32>,
      %scatter3A_218 = arith.constant 0 : i32
      %scatter3A_219 = arith.constant 0 : i32
      %scatter3A_220 = arith.constant 0 : i32
      %scatter3A_221 = tpu.memref_slice %arg7[%scatter3A_218, %scatter3A_219, %scatter3A_220] : memref<2x64x129xf32, #tpu.memory_space<vmem>> -> memref<1x64x129xf32, #tpu.memory_space<vmem>>
      %scatter3A_222 = tpu.memref_squeeze %scatter3A_221 : memref<1x64x129xf32, #tpu.memory_space<vmem>> -> memref<64x129xf32, #tpu.memory_space<vmem>>
      tpu.vector_store_idx %scatter3A_222[%add3A_59, %mul3A_184], %get3A_217 : memref<64x129xf32, #tpu.memory_space<vmem>>[vector<16xi32>, vector<16xi32>], vector<16xf32>,
      %mul3A_223 = arith.constant 8 : i32
      %mul3A_224 = arith.muli %scan3A_178, %mul3A_223 : i32
      %add3A_225 = arith.constant 1 : i32
      %add3A_226 = arith.addi %mul3A_224, %add3A_225 : i32
      %mul3A_227 = vector.broadcast %add3A_226 : i32 to vector<16xi32>
      %mul3A_228 = arith.muli %broadcast_in_dim3A_60, %mul3A_227 : vector<16xi32>
      %get3A_229 = arith.constant 0 : i32
      %get3A_230 = arith.index_cast %get3A_229 : i32 to index
      %get3A_231 = arith.index_cast %add3A_226 : i32 to index
      %get3A_232 = arith.constant 0 : index
      %get3A_233 = tpu.vector_load %arg6[%get3A_230, %get3A_231, %get3A_232] {strides = array<i32>} : memref<2x128x64xf32, #tpu.memory_space<vmem>>, vector<16xf32>,
      %scatter3A_234 = arith.constant 0 : i32
      %scatter3A_235 = arith.constant 0 : i32
      %scatter3A_236 = arith.constant 0 : i32
      %scatter3A_237 = tpu.memref_slice %arg7[%scatter3A_234, %scatter3A_235, %scatter3A_236] : memref<2x64x129xf32, #tpu.memory_space<vmem>> -> memref<1x64x129xf32, #tpu.memory_space<vmem>>
      %scatter3A_238 = tpu.memref_squeeze %scatter3A_237 : memref<1x64x129xf32, #tpu.memory_space<vmem>> -> memref<64x129xf32, #tpu.memory_space<vmem>>
      tpu.vector_store_idx %scatter3A_238[%add3A_47, %mul3A_228], %get3A_233 : memref<64x129xf32, #tpu.memory_space<vmem>>[vector<16xi32>, vector<16xi32>], vector<16xf32>,
      %get3A_239 = arith.constant 0 : i32
      %get3A_240 = arith.index_cast %get3A_239 : i32 to index
      %get3A_241 = arith.index_cast %add3A_226 : i32 to index
      %get3A_242 = arith.constant 16 : index
      %get3A_243 = tpu.vector_load %arg6[%get3A_240, %get3A_241, %get3A_242] {strides = array<i32>} : memref<2x128x64xf32, #tpu.memory_space<vmem>>, vector<16xf32>,
      %scatter3A_244 = arith.constant 0 : i32
      %scatter3A_245 = arith.constant 0 : i32
      %scatter3A_246 = arith.constant 0 : i32
      %scatter3A_247 = tpu.memref_slice %arg7[%scatter3A_244, %scatter3A_245, %scatter3A_246] : memref<2x64x129xf32, #tpu.memory_space<vmem>> -> memref<1x64x129xf32, #tpu.memory_space<vmem>>
      %scatter3A_248 = tpu.memref_squeeze %scatter3A_247 : memref<1x64x129xf32, #tpu.memory_space<vmem>> -> memref<64x129xf32, #tpu.memory_space<vmem>>
      tpu.vector_store_idx %scatter3A_248[%add3A_51, %mul3A_228], %get3A_243 : memref<64x129xf32, #tpu.memory_space<vmem>>[vector<16xi32>, vector<16xi32>], vector<16xf32>,
      %get3A_249 = arith.constant 0 : i32
      %get3A_250 = arith.index_cast %get3A_249 : i32 to index
      %get3A_251 = arith.index_cast %add3A_226 : i32 to index
      %get3A_252 = arith.constant 32 : index
      %get3A_253 = tpu.vector_load %arg6[%get3A_250, %get3A_251, %get3A_252] {strides = array<i32>} : memref<2x128x64xf32, #tpu.memory_space<vmem>>, vector<16xf32>,
      %scatter3A_254 = arith.constant 0 : i32
      %scatter3A_255 = arith.constant 0 : i32
      %scatter3A_256 = arith.constant 0 : i32
      %scatter3A_257 = tpu.memref_slice %arg7[%scatter3A_254, %scatter3A_255, %scatter3A_256] : memref<2x64x129xf32, #tpu.memory_space<vmem>> -> memref<1x64x129xf32, #tpu.memory_space<vmem>>
      %scatter3A_258 = tpu.memref_squeeze %scatter3A_257 : memref<1x64x129xf32, #tpu.memory_space<vmem>> -> memref<64x129xf32, #tpu.memory_space<vmem>>
      tpu.vector_store_idx %scatter3A_258[%add3A_55, %mul3A_228], %get3A_253 : memref<64x129xf32, #tpu.memory_space<vmem>>[vector<16xi32>, vector<16xi32>], vector<16xf32>,
      %get3A_259 = arith.constant 0 : i32
      %get3A_260 = arith.index_cast %get3A_259 : i32 to index
      %get3A_261 = arith.index_cast %add3A_226 : i32 to index
      %get3A_262 = arith.constant 48 : index
      %get3A_263 = tpu.vector_load %arg6[%get3A_260, %get3A_261, %get3A_262] {strides = array<i32>} : memref<2x128x64xf32, #tpu.memory_space<vmem>>, vector<16xf32>,
      %scatter3A_264 = arith.constant 0 : i32
      %scatter3A_265 = arith.constant 0 : i32
      %scatter3A_266 = arith.constant 0 : i32
      %scatter3A_267 = tpu.memref_slice %arg7[%scatter3A_264, %scatter3A_265, %scatter3A_266] : memref<2x64x129xf32, #tpu.memory_space<vmem>> -> memref<1x64x129xf32, #tpu.memory_space<vmem>>
      %scatter3A_268 = tpu.memref_squeeze %scatter3A_267 : memref<1x64x129xf32, #tpu.memory_space<vmem>> -> memref<64x129xf32, #tpu.memory_space<vmem>>
      tpu.vector_store_idx %scatter3A_268[%add3A_59, %mul3A_228], %get3A_263 : memref<64x129xf32, #tpu.memory_space<vmem>>[vector<16xi32>, vector<16xi32>], vector<16xf32>,
      %mul3A_269 = arith.constant 8 : i32
      %mul3A_270 = arith.muli %scan3A_178, %mul3A_269 : i32
      %add3A_271 = arith.constant 2 : i32
      %add3A_272 = arith.addi %mul3A_270, %add3A_271 : i32
      %mul3A_273 = vector.broadcast %add3A_272 : i32 to vector<16xi32>
      %mul3A_274 = arith.muli %broadcast_in_dim3A_60, %mul3A_273 : vector<16xi32>
      %get3A_275 = arith.constant 0 : i32
      %get3A_276 = arith.index_cast %get3A_275 : i32 to index
      %get3A_277 = arith.index_cast %add3A_272 : i32 to index
      %get3A_278 = arith.constant 0 : index
      %get3A_279 = tpu.vector_load %arg6[%get3A_276, %get3A_277, %get3A_278] {strides = array<i32>} : memref<2x128x64xf32, #tpu.memory_space<vmem>>, vector<16xf32>,
      %scatter3A_280 = arith.constant 0 : i32
      %scatter3A_281 = arith.constant 0 : i32
      %scatter3A_282 = arith.constant 0 : i32
      %scatter3A_283 = tpu.memref_slice %arg7[%scatter3A_280, %scatter3A_281, %scatter3A_282] : memref<2x64x129xf32, #tpu.memory_space<vmem>> -> memref<1x64x129xf32, #tpu.memory_space<vmem>>
      %scatter3A_284 = tpu.memref_squeeze %scatter3A_283 : memref<1x64x129xf32, #tpu.memory_space<vmem>> -> memref<64x129xf32, #tpu.memory_space<vmem>>
      tpu.vector_store_idx %scatter3A_284[%add3A_47, %mul3A_274], %get3A_279 : memref<64x129xf32, #tpu.memory_space<vmem>>[vector<16xi32>, vector<16xi32>], vector<16xf32>,
      %get3A_285 = arith.constant 0 : i32
      %get3A_286 = arith.index_cast %get3A_285 : i32 to index
      %get3A_287 = arith.index_cast %add3A_272 : i32 to index
      %get3A_288 = arith.constant 16 : index
      %get3A_289 = tpu.vector_load %arg6[%get3A_286, %get3A_287, %get3A_288] {strides = array<i32>} : memref<2x128x64xf32, #tpu.memory_space<vmem>>, vector<16xf32>,
      %scatter3A_290 = arith.constant 0 : i32
      %scatter3A_291 = arith.constant 0 : i32
      %scatter3A_292 = arith.constant 0 : i32
      %scatter3A_293 = tpu.memref_slice %arg7[%scatter3A_290, %scatter3A_291, %scatter3A_292] : memref<2x64x129xf32, #tpu.memory_space<vmem>> -> memref<1x64x129xf32, #tpu.memory_space<vmem>>
      %scatter3A_294 = tpu.memref_squeeze %scatter3A_293 : memref<1x64x129xf32, #tpu.memory_space<vmem>> -> memref<64x129xf32, #tpu.memory_space<vmem>>
      tpu.vector_store_idx %scatter3A_294[%add3A_51, %mul3A_274], %get3A_289 : memref<64x129xf32, #tpu.memory_space<vmem>>[vector<16xi32>, vector<16xi32>], vector<16xf32>,
      %get3A_295 = arith.constant 0 : i32
      %get3A_296 = arith.index_cast %get3A_295 : i32 to index
      %get3A_297 = arith.index_cast %add3A_272 : i32 to index
      %get3A_298 = arith.constant 32 : index
      %get3A_299 = tpu.vector_load %arg6[%get3A_296, %get3A_297, %get3A_298] {strides = array<i32>} : memref<2x128x64xf32, #tpu.memory_space<vmem>>, vector<16xf32>,
      %scatter3A_300 = arith.constant 0 : i32
      %scatter3A_301 = arith.constant 0 : i32
      %scatter3A_302 = arith.constant 0 : i32
      %scatter3A_303 = tpu.memref_slice %arg7[%scatter3A_300, %scatter3A_301, %scatter3A_302] : memref<2x64x129xf32, #tpu.memory_space<vmem>> -> memref<1x64x129xf32, #tpu.memory_space<vmem>>
      %scatter3A_304 = tpu.memref_squeeze %scatter3A_303 : memref<1x64x129xf32, #tpu.memory_space<vmem>> -> memref<64x129xf32, #tpu.memory_space<vmem>>
      tpu.vector_store_idx %scatter3A_304[%add3A_55, %mul3A_274], %get3A_299 : memref<64x129xf32, #tpu.memory_space<vmem>>[vector<16xi32>, vector<16xi32>], vector<16xf32>,
      %get3A_305 = arith.constant 0 : i32
      %get3A_306 = arith.index_cast %get3A_305 : i32 to index
      %get3A_307 = arith.index_cast %add3A_272 : i32 to index
      %get3A_308 = arith.constant 48 : index
      %get3A_309 = tpu.vector_load %arg6[%get3A_306, %get3A_307, %get3A_308] {strides = array<i32>} : memref<2x128x64xf32, #tpu.memory_space<vmem>>, vector<16xf32>,
      %scatter3A_310 = arith.constant 0 : i32
      %scatter3A_311 = arith.constant 0 : i32
      %scatter3A_312 = arith.constant 0 : i32
      %scatter3A_313 = tpu.memref_slice %arg7[%scatter3A_310, %scatter3A_311, %scatter3A_312] : memref<2x64x129xf32, #tpu.memory_space<vmem>> -> memref<1x64x129xf32, #tpu.memory_space<vmem>>
      %scatter3A_314 = tpu.memref_squeeze %scatter3A_313 : memref<1x64x129xf32, #tpu.memory_space<vmem>> -> memref<64x129xf32, #tpu.memory_space<vmem>>
      tpu.vector_store_idx %scatter3A_314[%add3A_59, %mul3A_274], %get3A_309 : memref<64x129xf32, #tpu.memory_space<vmem>>[vector<16xi32>, vector<16xi32>], vector<16xf32>,
      %mul3A_315 = arith.constant 8 : i32
      %mul3A_316 = arith.muli %scan3A_178, %mul3A_315 : i32
      %add3A_317 = arith.constant 3 : i32
      %add3A_318 = arith.addi %mul3A_316, %add3A_317 : i32
      %mul3A_319 = vector.broadcast %add3A_318 : i32 to vector<16xi32>
      %mul3A_320 = arith.muli %broadcast_in_dim3A_60, %mul3A_319 : vector<16xi32>
      %get3A_321 = arith.constant 0 : i32
      %get3A_322 = arith.index_cast %get3A_321 : i32 to index
      %get3A_323 = arith.index_cast %add3A_318 : i32 to index
      %get3A_324 = arith.constant 0 : index
      %get3A_325 = tpu.vector_load %arg6[%get3A_322, %get3A_323, %get3A_324] {strides = array<i32>} : memref<2x128x64xf32, #tpu.memory_space<vmem>>, vector<16xf32>,
      %scatter3A_326 = arith.constant 0 : i32
      %scatter3A_327 = arith.constant 0 : i32
      %scatter3A_328 = arith.constant 0 : i32
      %scatter3A_329 = tpu.memref_slice %arg7[%scatter3A_326, %scatter3A_327, %scatter3A_328] : memref<2x64x129xf32, #tpu.memory_space<vmem>> -> memref<1x64x129xf32, #tpu.memory_space<vmem>>
      %scatter3A_330 = tpu.memref_squeeze %scatter3A_329 : memref<1x64x129xf32, #tpu.memory_space<vmem>> -> memref<64x129xf32, #tpu.memory_space<vmem>>
      tpu.vector_store_idx %scatter3A_330[%add3A_47, %mul3A_320], %get3A_325 : memref<64x129xf32, #tpu.memory_space<vmem>>[vector<16xi32>, vector<16xi32>], vector<16xf32>,
      %get3A_331 = arith.constant 0 : i32
      %get3A_332 = arith.index_cast %get3A_331 : i32 to index
      %get3A_333 = arith.index_cast %add3A_318 : i32 to index
      %get3A_334 = arith.constant 16 : index
      %get3A_335 = tpu.vector_load %arg6[%get3A_332, %get3A_333, %get3A_334] {strides = array<i32>} : memref<2x128x64xf32, #tpu.memory_space<vmem>>, vector<16xf32>,
      %scatter3A_336 = arith.constant 0 : i32
      %scatter3A_337 = arith.constant 0 : i32
      %scatter3A_338 = arith.constant 0 : i32
      %scatter3A_339 = tpu.memref_slice %arg7[%scatter3A_336, %scatter3A_337, %scatter3A_338] : memref<2x64x129xf32, #tpu.memory_space<vmem>> -> memref<1x64x129xf32, #tpu.memory_space<vmem>>
      %scatter3A_340 = tpu.memref_squeeze %scatter3A_339 : memref<1x64x129xf32, #tpu.memory_space<vmem>> -> memref<64x129xf32, #tpu.memory_space<vmem>>
      tpu.vector_store_idx %scatter3A_340[%add3A_51, %mul3A_320], %get3A_335 : memref<64x129xf32, #tpu.memory_space<vmem>>[vector<16xi32>, vector<16xi32>], vector<16xf32>,
      %get3A_341 = arith.constant 0 : i32
      %get3A_342 = arith.index_cast %get3A_341 : i32 to index
      %get3A_343 = arith.index_cast %add3A_318 : i32 to index
      %get3A_344 = arith.constant 32 : index
      %get3A_345 = tpu.vector_load %arg6[%get3A_342, %get3A_343, %get3A_344] {strides = array<i32>} : memref<2x128x64xf32, #tpu.memory_space<vmem>>, vector<16xf32>,
      %scatter3A_346 = arith.constant 0 : i32
      %scatter3A_347 = arith.constant 0 : i32
      %scatter3A_348 = arith.constant 0 : i32
      %scatter3A_349 = tpu.memref_slice %arg7[%scatter3A_346, %scatter3A_347, %scatter3A_348] : memref<2x64x129xf32, #tpu.memory_space<vmem>> -> memref<1x64x129xf32, #tpu.memory_space<vmem>>
      %scatter3A_350 = tpu.memref_squeeze %scatter3A_349 : memref<1x64x129xf32, #tpu.memory_space<vmem>> -> memref<64x129xf32, #tpu.memory_space<vmem>>
      tpu.vector_store_idx %scatter3A_350[%add3A_55, %mul3A_320], %get3A_345 : memref<64x129xf32, #tpu.memory_space<vmem>>[vector<16xi32>, vector<16xi32>], vector<16xf32>,
      %get3A_351 = arith.constant 0 : i32
      %get3A_352 = arith.index_cast %get3A_351 : i32 to index
      %get3A_353 = arith.index_cast %add3A_318 : i32 to index
      %get3A_354 = arith.constant 48 : index
      %get3A_355 = tpu.vector_load %arg6[%get3A_352, %get3A_353, %get3A_354] {strides = array<i32>} : memref<2x128x64xf32, #tpu.memory_space<vmem>>, vector<16xf32>,
      %scatter3A_356 = arith.constant 0 : i32
      %scatter3A_357 = arith.constant 0 : i32
      %scatter3A_358 = arith.constant 0 : i32
      %scatter3A_359 = tpu.memref_slice %arg7[%scatter3A_356, %scatter3A_357, %scatter3A_358] : memref<2x64x129xf32, #tpu.memory_space<vmem>> -> memref<1x64x129xf32, #tpu.memory_space<vmem>>
      %scatter3A_360 = tpu.memref_squeeze %scatter3A_359 : memref<1x64x129xf32, #tpu.memory_space<vmem>> -> memref<64x129xf32, #tpu.memory_space<vmem>>
      tpu.vector_store_idx %scatter3A_360[%add3A_59, %mul3A_320], %get3A_355 : memref<64x129xf32, #tpu.memory_space<vmem>>[vector<16xi32>, vector<16xi32>], vector<16xf32>,
      %mul3A_361 = arith.constant 8 : i32
      %mul3A_362 = arith.muli %scan3A_178, %mul3A_361 : i32
      %add3A_363 = arith.constant 4 : i32
      %add3A_364 = arith.addi %mul3A_362, %add3A_363 : i32
      %mul3A_365 = vector.broadcast %add3A_364 : i32 to vector<16xi32>
      %mul3A_366 = arith.muli %broadcast_in_dim3A_60, %mul3A_365 : vector<16xi32>
      %get3A_367 = arith.constant 0 : i32
      %get3A_368 = arith.index_cast %get3A_367 : i32 to index
      %get3A_369 = arith.index_cast %add3A_364 : i32 to index
      %get3A_370 = arith.constant 0 : index
      %get3A_371 = tpu.vector_load %arg6[%get3A_368, %get3A_369, %get3A_370] {strides = array<i32>} : memref<2x128x64xf32, #tpu.memory_space<vmem>>, vector<16xf32>,
      %scatter3A_372 = arith.constant 0 : i32
      %scatter3A_373 = arith.constant 0 : i32
      %scatter3A_374 = arith.constant 0 : i32
      %scatter3A_375 = tpu.memref_slice %arg7[%scatter3A_372, %scatter3A_373, %scatter3A_374] : memref<2x64x129xf32, #tpu.memory_space<vmem>> -> memref<1x64x129xf32, #tpu.memory_space<vmem>>
      %scatter3A_376 = tpu.memref_squeeze %scatter3A_375 : memref<1x64x129xf32, #tpu.memory_space<vmem>> -> memref<64x129xf32, #tpu.memory_space<vmem>>
      tpu.vector_store_idx %scatter3A_376[%add3A_47, %mul3A_366], %get3A_371 : memref<64x129xf32, #tpu.memory_space<vmem>>[vector<16xi32>, vector<16xi32>], vector<16xf32>,
      %get3A_377 = arith.constant 0 : i32
      %get3A_378 = arith.index_cast %get3A_377 : i32 to index
      %get3A_379 = arith.index_cast %add3A_364 : i32 to index
      %get3A_380 = arith.constant 16 : index
      %get3A_381 = tpu.vector_load %arg6[%get3A_378, %get3A_379, %get3A_380] {strides = array<i32>} : memref<2x128x64xf32, #tpu.memory_space<vmem>>, vector<16xf32>,
      %scatter3A_382 = arith.constant 0 : i32
      %scatter3A_383 = arith.constant 0 : i32
      %scatter3A_384 = arith.constant 0 : i32
      %scatter3A_385 = tpu.memref_slice %arg7[%scatter3A_382, %scatter3A_383, %scatter3A_384] : memref<2x64x129xf32, #tpu.memory_space<vmem>> -> memref<1x64x129xf32, #tpu.memory_space<vmem>>
      %scatter3A_386 = tpu.memref_squeeze %scatter3A_385 : memref<1x64x129xf32, #tpu.memory_space<vmem>> -> memref<64x129xf32, #tpu.memory_space<vmem>>
      tpu.vector_store_idx %scatter3A_386[%add3A_51, %mul3A_366], %get3A_381 : memref<64x129xf32, #tpu.memory_space<vmem>>[vector<16xi32>, vector<16xi32>], vector<16xf32>,
      %get3A_387 = arith.constant 0 : i32
      %get3A_388 = arith.index_cast %get3A_387 : i32 to index
      %get3A_389 = arith.index_cast %add3A_364 : i32 to index
      %get3A_390 = arith.constant 32 : index
      %get3A_391 = tpu.vector_load %arg6[%get3A_388, %get3A_389, %get3A_390] {strides = array<i32>} : memref<2x128x64xf32, #tpu.memory_space<vmem>>, vector<16xf32>,
      %scatter3A_392 = arith.constant 0 : i32
      %scatter3A_393 = arith.constant 0 : i32
      %scatter3A_394 = arith.constant 0 : i32
      %scatter3A_395 = tpu.memref_slice %arg7[%scatter3A_392, %scatter3A_393, %scatter3A_394] : memref<2x64x129xf32, #tpu.memory_space<vmem>> -> memref<1x64x129xf32, #tpu.memory_space<vmem>>
      %scatter3A_396 = tpu.memref_squeeze %scatter3A_395 : memref<1x64x129xf32, #tpu.memory_space<vmem>> -> memref<64x129xf32, #tpu.memory_space<vmem>>
      tpu.vector_store_idx %scatter3A_396[%add3A_55, %mul3A_366], %get3A_391 : memref<64x129xf32, #tpu.memory_space<vmem>>[vector<16xi32>, vector<16xi32>], vector<16xf32>,
      %get3A_397 = arith.constant 0 : i32
      %get3A_398 = arith.index_cast %get3A_397 : i32 to index
      %get3A_399 = arith.index_cast %add3A_364 : i32 to index
      %get3A_400 = arith.constant 48 : index
      %get3A_401 = tpu.vector_load %arg6[%get3A_398, %get3A_399, %get3A_400] {strides = array<i32>} : memref<2x128x64xf32, #tpu.memory_space<vmem>>, vector<16xf32>,
      %scatter3A_402 = arith.constant 0 : i32
      %scatter3A_403 = arith.constant 0 : i32
      %scatter3A_404 = arith.constant 0 : i32
      %scatter3A_405 = tpu.memref_slice %arg7[%scatter3A_402, %scatter3A_403, %scatter3A_404] : memref<2x64x129xf32, #tpu.memory_space<vmem>> -> memref<1x64x129xf32, #tpu.memory_space<vmem>>
      %scatter3A_406 = tpu.memref_squeeze %scatter3A_405 : memref<1x64x129xf32, #tpu.memory_space<vmem>> -> memref<64x129xf32, #tpu.memory_space<vmem>>
      tpu.vector_store_idx %scatter3A_406[%add3A_59, %mul3A_366], %get3A_401 : memref<64x129xf32, #tpu.memory_space<vmem>>[vector<16xi32>, vector<16xi32>], vector<16xf32>,
      %mul3A_407 = arith.constant 8 : i32
      %mul3A_408 = arith.muli %scan3A_178, %mul3A_407 : i32
      %add3A_409 = arith.constant 5 : i32
      %add3A_410 = arith.addi %mul3A_408, %add3A_409 : i32
      %mul3A_411 = vector.broadcast %add3A_410 : i32 to vector<16xi32>
      %mul3A_412 = arith.muli %broadcast_in_dim3A_60, %mul3A_411 : vector<16xi32>
      %get3A_413 = arith.constant 0 : i32
      %get3A_414 = arith.index_cast %get3A_413 : i32 to index
      %get3A_415 = arith.index_cast %add3A_410 : i32 to index
      %get3A_416 = arith.constant 0 : index
      %get3A_417 = tpu.vector_load %arg6[%get3A_414, %get3A_415, %get3A_416] {strides = array<i32>} : memref<2x128x64xf32, #tpu.memory_space<vmem>>, vector<16xf32>,
      %scatter3A_418 = arith.constant 0 : i32
      %scatter3A_419 = arith.constant 0 : i32
      %scatter3A_420 = arith.constant 0 : i32
      %scatter3A_421 = tpu.memref_slice %arg7[%scatter3A_418, %scatter3A_419, %scatter3A_420] : memref<2x64x129xf32, #tpu.memory_space<vmem>> -> memref<1x64x129xf32, #tpu.memory_space<vmem>>
      %scatter3A_422 = tpu.memref_squeeze %scatter3A_421 : memref<1x64x129xf32, #tpu.memory_space<vmem>> -> memref<64x129xf32, #tpu.memory_space<vmem>>
      tpu.vector_store_idx %scatter3A_422[%add3A_47, %mul3A_412], %get3A_417 : memref<64x129xf32, #tpu.memory_space<vmem>>[vector<16xi32>, vector<16xi32>], vector<16xf32>,
      %get3A_423 = arith.constant 0 : i32
      %get3A_424 = arith.index_cast %get3A_423 : i32 to index
      %get3A_425 = arith.index_cast %add3A_410 : i32 to index
      %get3A_426 = arith.constant 16 : index
      %get3A_427 = tpu.vector_load %arg6[%get3A_424, %get3A_425, %get3A_426] {strides = array<i32>} : memref<2x128x64xf32, #tpu.memory_space<vmem>>, vector<16xf32>,
      %scatter3A_428 = arith.constant 0 : i32
      %scatter3A_429 = arith.constant 0 : i32
      %scatter3A_430 = arith.constant 0 : i32
      %scatter3A_431 = tpu.memref_slice %arg7[%scatter3A_428, %scatter3A_429, %scatter3A_430] : memref<2x64x129xf32, #tpu.memory_space<vmem>> -> memref<1x64x129xf32, #tpu.memory_space<vmem>>
      %scatter3A_432 = tpu.memref_squeeze %scatter3A_431 : memref<1x64x129xf32, #tpu.memory_space<vmem>> -> memref<64x129xf32, #tpu.memory_space<vmem>>
      tpu.vector_store_idx %scatter3A_432[%add3A_51, %mul3A_412], %get3A_427 : memref<64x129xf32, #tpu.memory_space<vmem>>[vector<16xi32>, vector<16xi32>], vector<16xf32>,
      %get3A_433 = arith.constant 0 : i32
      %get3A_434 = arith.index_cast %get3A_433 : i32 to index
      %get3A_435 = arith.index_cast %add3A_410 : i32 to index
      %get3A_436 = arith.constant 32 : index
      %get3A_437 = tpu.vector_load %arg6[%get3A_434, %get3A_435, %get3A_436] {strides = array<i32>} : memref<2x128x64xf32, #tpu.memory_space<vmem>>, vector<16xf32>,
      %scatter3A_438 = arith.constant 0 : i32
      %scatter3A_439 = arith.constant 0 : i32
      %scatter3A_440 = arith.constant 0 : i32
      %scatter3A_441 = tpu.memref_slice %arg7[%scatter3A_438, %scatter3A_439, %scatter3A_440] : memref<2x64x129xf32, #tpu.memory_space<vmem>> -> memref<1x64x129xf32, #tpu.memory_space<vmem>>
      %scatter3A_442 = tpu.memref_squeeze %scatter3A_441 : memref<1x64x129xf32, #tpu.memory_space<vmem>> -> memref<64x129xf32, #tpu.memory_space<vmem>>
      tpu.vector_store_idx %scatter3A_442[%add3A_55, %mul3A_412], %get3A_437 : memref<64x129xf32, #tpu.memory_space<vmem>>[vector<16xi32>, vector<16xi32>], vector<16xf32>,
      %get3A_443 = arith.constant 0 : i32
      %get3A_444 = arith.index_cast %get3A_443 : i32 to index
      %get3A_445 = arith.index_cast %add3A_410 : i32 to index
      %get3A_446 = arith.constant 48 : index
      %get3A_447 = tpu.vector_load %arg6[%get3A_444, %get3A_445, %get3A_446] {strides = array<i32>} : memref<2x128x64xf32, #tpu.memory_space<vmem>>, vector<16xf32>,
      %scatter3A_448 = arith.constant 0 : i32
      %scatter3A_449 = arith.constant 0 : i32
      %scatter3A_450 = arith.constant 0 : i32
      %scatter3A_451 = tpu.memref_slice %arg7[%scatter3A_448, %scatter3A_449, %scatter3A_450] : memref<2x64x129xf32, #tpu.memory_space<vmem>> -> memref<1x64x129xf32, #tpu.memory_space<vmem>>
      %scatter3A_452 = tpu.memref_squeeze %scatter3A_451 : memref<1x64x129xf32, #tpu.memory_space<vmem>> -> memref<64x129xf32, #tpu.memory_space<vmem>>
      tpu.vector_store_idx %scatter3A_452[%add3A_59, %mul3A_412], %get3A_447 : memref<64x129xf32, #tpu.memory_space<vmem>>[vector<16xi32>, vector<16xi32>], vector<16xf32>,
      %mul3A_453 = arith.constant 8 : i32
      %mul3A_454 = arith.muli %scan3A_178, %mul3A_453 : i32
      %add3A_455 = arith.constant 6 : i32
      %add3A_456 = arith.addi %mul3A_454, %add3A_455 : i32
      %mul3A_457 = vector.broadcast %add3A_456 : i32 to vector<16xi32>
      %mul3A_458 = arith.muli %broadcast_in_dim3A_60, %mul3A_457 : vector<16xi32>
      %get3A_459 = arith.constant 0 : i32
      %get3A_460 = arith.index_cast %get3A_459 : i32 to index
      %get3A_461 = arith.index_cast %add3A_456 : i32 to index
      %get3A_462 = arith.constant 0 : index
      %get3A_463 = tpu.vector_load %arg6[%get3A_460, %get3A_461, %get3A_462] {strides = array<i32>} : memref<2x128x64xf32, #tpu.memory_space<vmem>>, vector<16xf32>,
      %scatter3A_464 = arith.constant 0 : i32
      %scatter3A_465 = arith.constant 0 : i32
      %scatter3A_466 = arith.constant 0 : i32
      %scatter3A_467 = tpu.memref_slice %arg7[%scatter3A_464, %scatter3A_465, %scatter3A_466] : memref<2x64x129xf32, #tpu.memory_space<vmem>> -> memref<1x64x129xf32, #tpu.memory_space<vmem>>
      %scatter3A_468 = tpu.memref_squeeze %scatter3A_467 : memref<1x64x129xf32, #tpu.memory_space<vmem>> -> memref<64x129xf32, #tpu.memory_space<vmem>>
      tpu.vector_store_idx %scatter3A_468[%add3A_47, %mul3A_458], %get3A_463 : memref<64x129xf32, #tpu.memory_space<vmem>>[vector<16xi32>, vector<16xi32>], vector<16xf32>,
      %get3A_469 = arith.constant 0 : i32
      %get3A_470 = arith.index_cast %get3A_469 : i32 to index
      %get3A_471 = arith.index_cast %add3A_456 : i32 to index
      %get3A_472 = arith.constant 16 : index
      %get3A_473 = tpu.vector_load %arg6[%get3A_470, %get3A_471, %get3A_472] {strides = array<i32>} : memref<2x128x64xf32, #tpu.memory_space<vmem>>, vector<16xf32>,
      %scatter3A_474 = arith.constant 0 : i32
      %scatter3A_475 = arith.constant 0 : i32
      %scatter3A_476 = arith.constant 0 : i32
      %scatter3A_477 = tpu.memref_slice %arg7[%scatter3A_474, %scatter3A_475, %scatter3A_476] : memref<2x64x129xf32, #tpu.memory_space<vmem>> -> memref<1x64x129xf32, #tpu.memory_space<vmem>>
      %scatter3A_478 = tpu.memref_squeeze %scatter3A_477 : memref<1x64x129xf32, #tpu.memory_space<vmem>> -> memref<64x129xf32, #tpu.memory_space<vmem>>
      tpu.vector_store_idx %scatter3A_478[%add3A_51, %mul3A_458], %get3A_473 : memref<64x129xf32, #tpu.memory_space<vmem>>[vector<16xi32>, vector<16xi32>], vector<16xf32>,
      %get3A_479 = arith.constant 0 : i32
      %get3A_480 = arith.index_cast %get3A_479 : i32 to index
      %get3A_481 = arith.index_cast %add3A_456 : i32 to index
      %get3A_482 = arith.constant 32 : index
      %get3A_483 = tpu.vector_load %arg6[%get3A_480, %get3A_481, %get3A_482] {strides = array<i32>} : memref<2x128x64xf32, #tpu.memory_space<vmem>>, vector<16xf32>,
      %scatter3A_484 = arith.constant 0 : i32
      %scatter3A_485 = arith.constant 0 : i32
      %scatter3A_486 = arith.constant 0 : i32
      %scatter3A_487 = tpu.memref_slice %arg7[%scatter3A_484, %scatter3A_485, %scatter3A_486] : memref<2x64x129xf32, #tpu.memory_space<vmem>> -> memref<1x64x129xf32, #tpu.memory_space<vmem>>
      %scatter3A_488 = tpu.memref_squeeze %scatter3A_487 : memref<1x64x129xf32, #tpu.memory_space<vmem>> -> memref<64x129xf32, #tpu.memory_space<vmem>>
      tpu.vector_store_idx %scatter3A_488[%add3A_55, %mul3A_458], %get3A_483 : memref<64x129xf32, #tpu.memory_space<vmem>>[vector<16xi32>, vector<16xi32>], vector<16xf32>,
      %get3A_489 = arith.constant 0 : i32
      %get3A_490 = arith.index_cast %get3A_489 : i32 to index
      %get3A_491 = arith.index_cast %add3A_456 : i32 to index
      %get3A_492 = arith.constant 48 : index
      %get3A_493 = tpu.vector_load %arg6[%get3A_490, %get3A_491, %get3A_492] {strides = array<i32>} : memref<2x128x64xf32, #tpu.memory_space<vmem>>, vector<16xf32>,
      %scatter3A_494 = arith.constant 0 : i32
      %scatter3A_495 = arith.constant 0 : i32
      %scatter3A_496 = arith.constant 0 : i32
      %scatter3A_497 = tpu.memref_slice %arg7[%scatter3A_494, %scatter3A_495, %scatter3A_496] : memref<2x64x129xf32, #tpu.memory_space<vmem>> -> memref<1x64x129xf32, #tpu.memory_space<vmem>>
      %scatter3A_498 = tpu.memref_squeeze %scatter3A_497 : memref<1x64x129xf32, #tpu.memory_space<vmem>> -> memref<64x129xf32, #tpu.memory_space<vmem>>
      tpu.vector_store_idx %scatter3A_498[%add3A_59, %mul3A_458], %get3A_493 : memref<64x129xf32, #tpu.memory_space<vmem>>[vector<16xi32>, vector<16xi32>], vector<16xf32>,
      %mul3A_499 = arith.constant 8 : i32
      %mul3A_500 = arith.muli %scan3A_178, %mul3A_499 : i32
      %add3A_501 = arith.constant 7 : i32
      %add3A_502 = arith.addi %mul3A_500, %add3A_501 : i32
      %mul3A_503 = vector.broadcast %add3A_502 : i32 to vector<16xi32>
      %mul3A_504 = arith.muli %broadcast_in_dim3A_60, %mul3A_503 : vector<16xi32>
      %get3A_505 = arith.constant 0 : i32
      %get3A_506 = arith.index_cast %get3A_505 : i32 to index
      %get3A_507 = arith.index_cast %add3A_502 : i32 to index
      %get3A_508 = arith.constant 0 : index
      %get3A_509 = tpu.vector_load %arg6[%get3A_506, %get3A_507, %get3A_508] {strides = array<i32>} : memref<2x128x64xf32, #tpu.memory_space<vmem>>, vector<16xf32>,
      %scatter3A_510 = arith.constant 0 : i32
      %scatter3A_511 = arith.constant 0 : i32
      %scatter3A_512 = arith.constant 0 : i32
      %scatter3A_513 = tpu.memref_slice %arg7[%scatter3A_510, %scatter3A_511, %scatter3A_512] : memref<2x64x129xf32, #tpu.memory_space<vmem>> -> memref<1x64x129xf32, #tpu.memory_space<vmem>>
      %scatter3A_514 = tpu.memref_squeeze %scatter3A_513 : memref<1x64x129xf32, #tpu.memory_space<vmem>> -> memref<64x129xf32, #tpu.memory_space<vmem>>
      tpu.vector_store_idx %scatter3A_514[%add3A_47, %mul3A_504], %get3A_509 : memref<64x129xf32, #tpu.memory_space<vmem>>[vector<16xi32>, vector<16xi32>], vector<16xf32>,
      %get3A_515 = arith.constant 0 : i32
      %get3A_516 = arith.index_cast %get3A_515 : i32 to index
      %get3A_517 = arith.index_cast %add3A_502 : i32 to index
      %get3A_518 = arith.constant 16 : index
      %get3A_519 = tpu.vector_load %arg6[%get3A_516, %get3A_517, %get3A_518] {strides = array<i32>} : memref<2x128x64xf32, #tpu.memory_space<vmem>>, vector<16xf32>,
      %scatter3A_520 = arith.constant 0 : i32
      %scatter3A_521 = arith.constant 0 : i32
      %scatter3A_522 = arith.constant 0 : i32
      %scatter3A_523 = tpu.memref_slice %arg7[%scatter3A_520, %scatter3A_521, %scatter3A_522] : memref<2x64x129xf32, #tpu.memory_space<vmem>> -> memref<1x64x129xf32, #tpu.memory_space<vmem>>
      %scatter3A_524 = tpu.memref_squeeze %scatter3A_523 : memref<1x64x129xf32, #tpu.memory_space<vmem>> -> memref<64x129xf32, #tpu.memory_space<vmem>>
      tpu.vector_store_idx %scatter3A_524[%add3A_51, %mul3A_504], %get3A_519 : memref<64x129xf32, #tpu.memory_space<vmem>>[vector<16xi32>, vector<16xi32>], vector<16xf32>,
      %get3A_525 = arith.constant 0 : i32
      %get3A_526 = arith.index_cast %get3A_525 : i32 to index
      %get3A_527 = arith.index_cast %add3A_502 : i32 to index
      %get3A_528 = arith.constant 32 : index
      %get3A_529 = tpu.vector_load %arg6[%get3A_526, %get3A_527, %get3A_528] {strides = array<i32>} : memref<2x128x64xf32, #tpu.memory_space<vmem>>, vector<16xf32>,
      %scatter3A_530 = arith.constant 0 : i32
      %scatter3A_531 = arith.constant 0 : i32
      %scatter3A_532 = arith.constant 0 : i32
      %scatter3A_533 = tpu.memref_slice %arg7[%scatter3A_530, %scatter3A_531, %scatter3A_532] : memref<2x64x129xf32, #tpu.memory_space<vmem>> -> memref<1x64x129xf32, #tpu.memory_space<vmem>>
      %scatter3A_534 = tpu.memref_squeeze %scatter3A_533 : memref<1x64x129xf32, #tpu.memory_space<vmem>> -> memref<64x129xf32, #tpu.memory_space<vmem>>
      tpu.vector_store_idx %scatter3A_534[%add3A_55, %mul3A_504], %get3A_529 : memref<64x129xf32, #tpu.memory_space<vmem>>[vector<16xi32>, vector<16xi32>], vector<16xf32>,
      %get3A_535 = arith.constant 0 : i32
      %get3A_536 = arith.index_cast %get3A_535 : i32 to index
      %get3A_537 = arith.index_cast %add3A_502 : i32 to index
      %get3A_538 = arith.constant 48 : index
      %get3A_539 = tpu.vector_load %arg6[%get3A_536, %get3A_537, %get3A_538] {strides = array<i32>} : memref<2x128x64xf32, #tpu.memory_space<vmem>>, vector<16xf32>,
      %scatter3A_540 = arith.constant 0 : i32
      %scatter3A_541 = arith.constant 0 : i32
      %scatter3A_542 = arith.constant 0 : i32
      %scatter3A_543 = tpu.memref_slice %arg7[%scatter3A_540, %scatter3A_541, %scatter3A_542] : memref<2x64x129xf32, #tpu.memory_space<vmem>> -> memref<1x64x129xf32, #tpu.memory_space<vmem>>
      %scatter3A_544 = tpu.memref_squeeze %scatter3A_543 : memref<1x64x129xf32, #tpu.memory_space<vmem>> -> memref<64x129xf32, #tpu.memory_space<vmem>>
      tpu.vector_store_idx %scatter3A_544[%add3A_59, %mul3A_504], %get3A_539 : memref<64x129xf32, #tpu.memory_space<vmem>>[vector<16xi32>, vector<16xi32>], vector<16xf32>,
    }
    %scan3A_66 = arith.constant 16 : i32
    %add3A_67 = arith.constant 256 : i32
    %add3A_68 = arith.addi %mul3A_2, %add3A_67 : i32
    %dma_start3A_69 = arith.constant 0 : i32
    %dma_start3A_70 = arith.constant 25 : i32
    %dma_start3A_71 = arith.constant 0 : i32
    %dma_start3A_72 = arith.constant 0 : i32
    %dma_start3A_73 = tpu.memref_slice %arg7[%dma_start3A_69, %dma_start3A_71, %dma_start3A_72] : memref<2x64x129xf32, #tpu.memory_space<vmem>> -> memref<1x64x128xf32, #tpu.memory_space<vmem>>
    %dma_start3A_74 = tpu.memref_squeeze %dma_start3A_73 : memref<1x64x128xf32, #tpu.memory_space<vmem>> -> memref<64x128xf32, #tpu.memory_space<vmem>>
    %dma_start3A_75 = arith.constant 0 : i32
    %dma_start3A_76 = tpu.memref_slice %arg4[%dma_start3A_70, %dma_start3A_75, %add3A_68] : memref<26x64x16384xf32, #tpu.memory_space<hbm>> -> memref<1x64x128xf32, #tpu.memory_space<hbm>>
    %dma_start3A_77 = tpu.memref_squeeze %dma_start3A_76 : memref<1x64x128xf32, #tpu.memory_space<hbm>> -> memref<64x128xf32, #tpu.memory_space<hbm>>
    %dma_start3A_78 = arith.constant 0 : i32
    %dma_start3A_79 = tpu.memref_slice %arg4[%dma_start3A_70, %dma_start3A_78, %add3A_68] : memref<26x64x16384xf32, #tpu.memory_space<hbm>> -> memref<1x64x128xf32, #tpu.memory_space<hbm>>
    %dma_start3A_80 = tpu.memref_squeeze %dma_start3A_79 : memref<1x64x128xf32, #tpu.memory_space<hbm>> -> memref<64x128xf32, #tpu.memory_space<hbm>>
    %dma_start3A_81 = arith.constant 0 : i32
    %dma_start3A_82 = arith.constant 0 : i32
    %dma_start3A_83 = tpu.memref_slice %arg7[%dma_start3A_69, %dma_start3A_81, %dma_start3A_82] : memref<2x64x129xf32, #tpu.memory_space<vmem>> -> memref<1x64x128xf32, #tpu.memory_space<vmem>>
    %dma_start3A_84 = tpu.memref_squeeze %dma_start3A_83 : memref<1x64x128xf32, #tpu.memory_space<vmem>> -> memref<64x128xf32, #tpu.memory_space<vmem>>
    tpu.enqueue_dma source(%dma_start3A_84 : memref<64x128xf32, #tpu.memory_space<vmem>>) target(%dma_start3A_80 : memref<64x128xf32, #tpu.memory_space<hbm>>) target_semaphore(%arg10 : memref<!tpu.dma_semaphore, #tpu.memory_space<semaphore_mem>>)
    %dma_wait3A_85 = arith.constant 0 : i32
    %dma_wait3A_86 = arith.constant 0 : i32
    %dma_wait3A_87 = arith.constant 0 : i32
    %dma_wait3A_88 = arith.constant 0 : i32
    %dma_wait3A_89 = tpu.memref_slice %arg7[%dma_wait3A_85, %dma_wait3A_87, %dma_wait3A_88] : memref<2x64x129xf32, #tpu.memory_space<vmem>> -> memref<1x64x128xf32, #tpu.memory_space<vmem>>
    %dma_wait3A_90 = tpu.memref_squeeze %dma_wait3A_89 : memref<1x64x128xf32, #tpu.memory_space<vmem>> -> memref<64x128xf32, #tpu.memory_space<vmem>>
    %dma_wait3A_91 = arith.constant 0 : i32
    %dma_wait3A_92 = arith.constant 0 : i32
    %dma_wait3A_93 = tpu.memref_slice %arg4[%dma_wait3A_86, %dma_wait3A_91, %dma_wait3A_92] : memref<26x64x16384xf32, #tpu.memory_space<hbm>> -> memref<1x64x128xf32, #tpu.memory_space<hbm>>
    %dma_wait3A_94 = tpu.memref_squeeze %dma_wait3A_93 : memref<1x64x128xf32, #tpu.memory_space<hbm>> -> memref<64x128xf32, #tpu.memory_space<hbm>>
    %dma_wait3A_95 = arith.constant 0 : i32
    %dma_wait3A_96 = arith.constant 0 : i32
    %dma_wait3A_97 = tpu.memref_slice %arg4[%dma_wait3A_86, %dma_wait3A_95, %dma_wait3A_96] : memref<26x64x16384xf32, #tpu.memory_space<hbm>> -> memref<1x64x128xf32, #tpu.memory_space<hbm>>
    %dma_wait3A_98 = tpu.memref_squeeze %dma_wait3A_97 : memref<1x64x128xf32, #tpu.memory_space<hbm>> -> memref<64x128xf32, #tpu.memory_space<hbm>>
    %dma_wait3A_99 = arith.constant 0 : i32
    %dma_wait3A_100 = arith.constant 0 : i32
    %dma_wait3A_101 = tpu.memref_slice %arg7[%dma_wait3A_85, %dma_wait3A_99, %dma_wait3A_100] : memref<2x64x129xf32, #tpu.memory_space<vmem>> -> memref<1x64x128xf32, #tpu.memory_space<vmem>>
    %dma_wait3A_102 = tpu.memref_squeeze %dma_wait3A_101 : memref<1x64x128xf32, #tpu.memory_space<vmem>> -> memref<64x128xf32, #tpu.memory_space<vmem>>
    tpu.wait_dma2 semaphore(%arg10 : memref<!tpu.dma_semaphore, #tpu.memory_space<semaphore_mem>>) src(%dma_wait3A_102 : memref<64x128xf32, #tpu.memory_space<vmem>>) dst(%dma_wait3A_98 : memref<64x128xf32, #tpu.memory_space<hbm>>)
    %dma_wait3A_103 = arith.constant 1 : i32
    %dma_wait3A_104 = arith.constant 0 : i32
    %dma_wait3A_105 = arith.constant 0 : i32
    %dma_wait3A_106 = tpu.memref_slice %arg6[%dma_wait3A_103, %dma_wait3A_104, %dma_wait3A_105] : memref<2x128x64xf32, #tpu.memory_space<vmem>> -> memref<1x128x64xf32, #tpu.memory_space<vmem>>
    %dma_wait3A_107 = tpu.memref_squeeze %dma_wait3A_106 : memref<1x128x64xf32, #tpu.memory_space<vmem>> -> memref<128x64xf32, #tpu.memory_space<vmem>>
    %dma_wait3A_108 = arith.constant 0 : i32
    %dma_wait3A_109 = arith.constant 0 : i32
    %dma_wait3A_110 = tpu.memref_slice %arg3[%dma_wait3A_108, %dma_wait3A_109] : memref<1000000x64xf32, #tpu.memory_space<hbm>> -> memref<128x64xf32, #tpu.memory_space<hbm>>
    %dma_wait3A_111 = arith.constant 0 : i32
    %dma_wait3A_112 = arith.constant 0 : i32
    %dma_wait3A_113 = tpu.memref_slice %arg6[%dma_wait3A_103, %dma_wait3A_111, %dma_wait3A_112] : memref<2x128x64xf32, #tpu.memory_space<vmem>> -> memref<1x128x64xf32, #tpu.memory_space<vmem>>
    %dma_wait3A_114 = tpu.memref_squeeze %dma_wait3A_113 : memref<1x128x64xf32, #tpu.memory_space<vmem>> -> memref<128x64xf32, #tpu.memory_space<vmem>>
    %dma_wait3A_115 = arith.constant 0 : i32
    %dma_wait3A_116 = arith.constant 0 : i32
    %dma_wait3A_117 = tpu.memref_slice %arg3[%dma_wait3A_115, %dma_wait3A_116] : memref<1000000x64xf32, #tpu.memory_space<hbm>> -> memref<128x64xf32, #tpu.memory_space<hbm>>
    tpu.wait_dma2 semaphore(%arg9 : memref<!tpu.dma_semaphore, #tpu.memory_space<semaphore_mem>>) src(%dma_wait3A_117 : memref<128x64xf32, #tpu.memory_space<hbm>>) dst(%dma_wait3A_114 : memref<128x64xf32, #tpu.memory_space<vmem>>)
    %iota3A_118 = tpu.iota {dimensions = array<i32: 0>} : vector<16xi32>
    %add3A_119 = arith.constant 0 : i32
    %add3A_120 = vector.broadcast %add3A_119 : i32 to vector<16xi32>
    %add3A_121 = arith.addi %iota3A_118, %add3A_120 : vector<16xi32>
    %iota3A_122 = tpu.iota {dimensions = array<i32: 0>} : vector<16xi32>
    %add3A_123 = arith.constant 16 : i32
    %add3A_124 = vector.broadcast %add3A_123 : i32 to vector<16xi32>
    %add3A_125 = arith.addi %iota3A_122, %add3A_124 : vector<16xi32>
    %iota3A_126 = tpu.iota {dimensions = array<i32: 0>} : vector<16xi32>
    %add3A_127 = arith.constant 32 : i32
    %add3A_128 = vector.broadcast %add3A_127 : i32 to vector<16xi32>
    %add3A_129 = arith.addi %iota3A_126, %add3A_128 : vector<16xi32>
    %iota3A_130 = tpu.iota {dimensions = array<i32: 0>} : vector<16xi32>
    %add3A_131 = arith.constant 48 : i32
    %add3A_132 = vector.broadcast %add3A_131 : i32 to vector<16xi32>
    %add3A_133 = arith.addi %iota3A_130, %add3A_132 : vector<16xi32>
    %broadcast_in_dim3A_134 = arith.constant 1 : i32
    %broadcast_in_dim3A_135 = vector.broadcast %broadcast_in_dim3A_134 : i32 to vector<16xi32>
    %scan3A_136 = arith.constant 0 : i32
    %scan3A_137 = arith.constant 0 : i32
    %scan3A_138 = arith.constant 16 : i32
    %scan3A_139 = arith.addi %scan3A_137, %scan3A_138 : i32
    %scan3A_140 = arith.constant 1 : i32
    scf.for %scan3A_178 = %scan3A_137 to %scan3A_139 step %scan3A_140  : i32 {
      %mul3A_179 = arith.constant 8 : i32
      %mul3A_180 = arith.muli %scan3A_178, %mul3A_179 : i32
      %add3A_181 = arith.constant 0 : i32
      %add3A_182 = arith.addi %mul3A_180, %add3A_181 : i32
      %mul3A_183 = vector.broadcast %add3A_182 : i32 to vector<16xi32>
      %mul3A_184 = arith.muli %broadcast_in_dim3A_135, %mul3A_183 : vector<16xi32>
      %get3A = arith.constant 1 : i32
      %get3A_185 = arith.index_cast %get3A : i32 to index
      %get3A_186 = arith.index_cast %add3A_182 : i32 to index
      %get3A_187 = arith.constant 0 : index
      %get3A_188 = tpu.vector_load %arg6[%get3A_185, %get3A_186, %get3A_187] {strides = array<i32>} : memref<2x128x64xf32, #tpu.memory_space<vmem>>, vector<16xf32>,
      %scatter3A = arith.constant 1 : i32
      %scatter3A_189 = arith.constant 0 : i32
      %scatter3A_190 = arith.constant 0 : i32
      %scatter3A_191 = tpu.memref_slice %arg7[%scatter3A, %scatter3A_189, %scatter3A_190] : memref<2x64x129xf32, #tpu.memory_space<vmem>> -> memref<1x64x129xf32, #tpu.memory_space<vmem>>
      %scatter3A_192 = tpu.memref_squeeze %scatter3A_191 : memref<1x64x129xf32, #tpu.memory_space<vmem>> -> memref<64x129xf32, #tpu.memory_space<vmem>>
      tpu.vector_store_idx %scatter3A_192[%add3A_121, %mul3A_184], %get3A_188 : memref<64x129xf32, #tpu.memory_space<vmem>>[vector<16xi32>, vector<16xi32>], vector<16xf32>,
      %get3A_193 = arith.constant 1 : i32
      %get3A_194 = arith.index_cast %get3A_193 : i32 to index
      %get3A_195 = arith.index_cast %add3A_182 : i32 to index
      %get3A_196 = arith.constant 16 : index
      %get3A_197 = tpu.vector_load %arg6[%get3A_194, %get3A_195, %get3A_196] {strides = array<i32>} : memref<2x128x64xf32, #tpu.memory_space<vmem>>, vector<16xf32>,
      %scatter3A_198 = arith.constant 1 : i32
      %scatter3A_199 = arith.constant 0 : i32
      %scatter3A_200 = arith.constant 0 : i32
      %scatter3A_201 = tpu.memref_slice %arg7[%scatter3A_198, %scatter3A_199, %scatter3A_200] : memref<2x64x129xf32, #tpu.memory_space<vmem>> -> memref<1x64x129xf32, #tpu.memory_space<vmem>>
      %scatter3A_202 = tpu.memref_squeeze %scatter3A_201 : memref<1x64x129xf32, #tpu.memory_space<vmem>> -> memref<64x129xf32, #tpu.memory_space<vmem>>
      tpu.vector_store_idx %scatter3A_202[%add3A_125, %mul3A_184], %get3A_197 : memref<64x129xf32, #tpu.memory_space<vmem>>[vector<16xi32>, vector<16xi32>], vector<16xf32>,
      %get3A_203 = arith.constant 1 : i32
      %get3A_204 = arith.index_cast %get3A_203 : i32 to index
      %get3A_205 = arith.index_cast %add3A_182 : i32 to index
      %get3A_206 = arith.constant 32 : index
      %get3A_207 = tpu.vector_load %arg6[%get3A_204, %get3A_205, %get3A_206] {strides = array<i32>} : memref<2x128x64xf32, #tpu.memory_space<vmem>>, vector<16xf32>,
      %scatter3A_208 = arith.constant 1 : i32
      %scatter3A_209 = arith.constant 0 : i32
      %scatter3A_210 = arith.constant 0 : i32
      %scatter3A_211 = tpu.memref_slice %arg7[%scatter3A_208, %scatter3A_209, %scatter3A_210] : memref<2x64x129xf32, #tpu.memory_space<vmem>> -> memref<1x64x129xf32, #tpu.memory_space<vmem>>
      %scatter3A_212 = tpu.memref_squeeze %scatter3A_211 : memref<1x64x129xf32, #tpu.memory_space<vmem>> -> memref<64x129xf32, #tpu.memory_space<vmem>>
      tpu.vector_store_idx %scatter3A_212[%add3A_129, %mul3A_184], %get3A_207 : memref<64x129xf32, #tpu.memory_space<vmem>>[vector<16xi32>, vector<16xi32>], vector<16xf32>,
      %get3A_213 = arith.constant 1 : i32
      %get3A_214 = arith.index_cast %get3A_213 : i32 to index
      %get3A_215 = arith.index_cast %add3A_182 : i32 to index
      %get3A_216 = arith.constant 48 : index
      %get3A_217 = tpu.vector_load %arg6[%get3A_214, %get3A_215, %get3A_216] {strides = array<i32>} : memref<2x128x64xf32, #tpu.memory_space<vmem>>, vector<16xf32>,
      %scatter3A_218 = arith.constant 1 : i32
      %scatter3A_219 = arith.constant 0 : i32
      %scatter3A_220 = arith.constant 0 : i32
      %scatter3A_221 = tpu.memref_slice %arg7[%scatter3A_218, %scatter3A_219, %scatter3A_220] : memref<2x64x129xf32, #tpu.memory_space<vmem>> -> memref<1x64x129xf32, #tpu.memory_space<vmem>>
      %scatter3A_222 = tpu.memref_squeeze %scatter3A_221 : memref<1x64x129xf32, #tpu.memory_space<vmem>> -> memref<64x129xf32, #tpu.memory_space<vmem>>
      tpu.vector_store_idx %scatter3A_222[%add3A_133, %mul3A_184], %get3A_217 : memref<64x129xf32, #tpu.memory_space<vmem>>[vector<16xi32>, vector<16xi32>], vector<16xf32>,
      %mul3A_223 = arith.constant 8 : i32
      %mul3A_224 = arith.muli %scan3A_178, %mul3A_223 : i32
      %add3A_225 = arith.constant 1 : i32
      %add3A_226 = arith.addi %mul3A_224, %add3A_225 : i32
      %mul3A_227 = vector.broadcast %add3A_226 : i32 to vector<16xi32>
      %mul3A_228 = arith.muli %broadcast_in_dim3A_135, %mul3A_227 : vector<16xi32>
      %get3A_229 = arith.constant 1 : i32
      %get3A_230 = arith.index_cast %get3A_229 : i32 to index
      %get3A_231 = arith.index_cast %add3A_226 : i32 to index
      %get3A_232 = arith.constant 0 : index
      %get3A_233 = tpu.vector_load %arg6[%get3A_230, %get3A_231, %get3A_232] {strides = array<i32>} : memref<2x128x64xf32, #tpu.memory_space<vmem>>, vector<16xf32>,
      %scatter3A_234 = arith.constant 1 : i32
      %scatter3A_235 = arith.constant 0 : i32
      %scatter3A_236 = arith.constant 0 : i32
      %scatter3A_237 = tpu.memref_slice %arg7[%scatter3A_234, %scatter3A_235, %scatter3A_236] : memref<2x64x129xf32, #tpu.memory_space<vmem>> -> memref<1x64x129xf32, #tpu.memory_space<vmem>>
      %scatter3A_238 = tpu.memref_squeeze %scatter3A_237 : memref<1x64x129xf32, #tpu.memory_space<vmem>> -> memref<64x129xf32, #tpu.memory_space<vmem>>
      tpu.vector_store_idx %scatter3A_238[%add3A_121, %mul3A_228], %get3A_233 : memref<64x129xf32, #tpu.memory_space<vmem>>[vector<16xi32>, vector<16xi32>], vector<16xf32>,
      %get3A_239 = arith.constant 1 : i32
      %get3A_240 = arith.index_cast %get3A_239 : i32 to index
      %get3A_241 = arith.index_cast %add3A_226 : i32 to index
      %get3A_242 = arith.constant 16 : index
      %get3A_243 = tpu.vector_load %arg6[%get3A_240, %get3A_241, %get3A_242] {strides = array<i32>} : memref<2x128x64xf32, #tpu.memory_space<vmem>>, vector<16xf32>,
      %scatter3A_244 = arith.constant 1 : i32
      %scatter3A_245 = arith.constant 0 : i32
      %scatter3A_246 = arith.constant 0 : i32
      %scatter3A_247 = tpu.memref_slice %arg7[%scatter3A_244, %scatter3A_245, %scatter3A_246] : memref<2x64x129xf32, #tpu.memory_space<vmem>> -> memref<1x64x129xf32, #tpu.memory_space<vmem>>
      %scatter3A_248 = tpu.memref_squeeze %scatter3A_247 : memref<1x64x129xf32, #tpu.memory_space<vmem>> -> memref<64x129xf32, #tpu.memory_space<vmem>>
      tpu.vector_store_idx %scatter3A_248[%add3A_125, %mul3A_228], %get3A_243 : memref<64x129xf32, #tpu.memory_space<vmem>>[vector<16xi32>, vector<16xi32>], vector<16xf32>,
      %get3A_249 = arith.constant 1 : i32
      %get3A_250 = arith.index_cast %get3A_249 : i32 to index
      %get3A_251 = arith.index_cast %add3A_226 : i32 to index
      %get3A_252 = arith.constant 32 : index
      %get3A_253 = tpu.vector_load %arg6[%get3A_250, %get3A_251, %get3A_252] {strides = array<i32>} : memref<2x128x64xf32, #tpu.memory_space<vmem>>, vector<16xf32>,
      %scatter3A_254 = arith.constant 1 : i32
      %scatter3A_255 = arith.constant 0 : i32
      %scatter3A_256 = arith.constant 0 : i32
      %scatter3A_257 = tpu.memref_slice %arg7[%scatter3A_254, %scatter3A_255, %scatter3A_256] : memref<2x64x129xf32, #tpu.memory_space<vmem>> -> memref<1x64x129xf32, #tpu.memory_space<vmem>>
      %scatter3A_258 = tpu.memref_squeeze %scatter3A_257 : memref<1x64x129xf32, #tpu.memory_space<vmem>> -> memref<64x129xf32, #tpu.memory_space<vmem>>
      tpu.vector_store_idx %scatter3A_258[%add3A_129, %mul3A_228], %get3A_253 : memref<64x129xf32, #tpu.memory_space<vmem>>[vector<16xi32>, vector<16xi32>], vector<16xf32>,
      %get3A_259 = arith.constant 1 : i32
      %get3A_260 = arith.index_cast %get3A_259 : i32 to index
      %get3A_261 = arith.index_cast %add3A_226 : i32 to index
      %get3A_262 = arith.constant 48 : index
      %get3A_263 = tpu.vector_load %arg6[%get3A_260, %get3A_261, %get3A_262] {strides = array<i32>} : memref<2x128x64xf32, #tpu.memory_space<vmem>>, vector<16xf32>,
      %scatter3A_264 = arith.constant 1 : i32
      %scatter3A_265 = arith.constant 0 : i32
      %scatter3A_266 = arith.constant 0 : i32
      %scatter3A_267 = tpu.memref_slice %arg7[%scatter3A_264, %scatter3A_265, %scatter3A_266] : memref<2x64x129xf32, #tpu.memory_space<vmem>> -> memref<1x64x129xf32, #tpu.memory_space<vmem>>
      %scatter3A_268 = tpu.memref_squeeze %scatter3A_267 : memref<1x64x129xf32, #tpu.memory_space<vmem>> -> memref<64x129xf32, #tpu.memory_space<vmem>>
      tpu.vector_store_idx %scatter3A_268[%add3A_133, %mul3A_228], %get3A_263 : memref<64x129xf32, #tpu.memory_space<vmem>>[vector<16xi32>, vector<16xi32>], vector<16xf32>,
      %mul3A_269 = arith.constant 8 : i32
      %mul3A_270 = arith.muli %scan3A_178, %mul3A_269 : i32
      %add3A_271 = arith.constant 2 : i32
      %add3A_272 = arith.addi %mul3A_270, %add3A_271 : i32
      %mul3A_273 = vector.broadcast %add3A_272 : i32 to vector<16xi32>
      %mul3A_274 = arith.muli %broadcast_in_dim3A_135, %mul3A_273 : vector<16xi32>
      %get3A_275 = arith.constant 1 : i32
      %get3A_276 = arith.index_cast %get3A_275 : i32 to index
      %get3A_277 = arith.index_cast %add3A_272 : i32 to index
      %get3A_278 = arith.constant 0 : index
      %get3A_279 = tpu.vector_load %arg6[%get3A_276, %get3A_277, %get3A_278] {strides = array<i32>} : memref<2x128x64xf32, #tpu.memory_space<vmem>>, vector<16xf32>,
      %scatter3A_280 = arith.constant 1 : i32
      %scatter3A_281 = arith.constant 0 : i32
      %scatter3A_282 = arith.constant 0 : i32
      %scatter3A_283 = tpu.memref_slice %arg7[%scatter3A_280, %scatter3A_281, %scatter3A_282] : memref<2x64x129xf32, #tpu.memory_space<vmem>> -> memref<1x64x129xf32, #tpu.memory_space<vmem>>
      %scatter3A_284 = tpu.memref_squeeze %scatter3A_283 : memref<1x64x129xf32, #tpu.memory_space<vmem>> -> memref<64x129xf32, #tpu.memory_space<vmem>>
      tpu.vector_store_idx %scatter3A_284[%add3A_121, %mul3A_274], %get3A_279 : memref<64x129xf32, #tpu.memory_space<vmem>>[vector<16xi32>, vector<16xi32>], vector<16xf32>,
      %get3A_285 = arith.constant 1 : i32
      %get3A_286 = arith.index_cast %get3A_285 : i32 to index
      %get3A_287 = arith.index_cast %add3A_272 : i32 to index
      %get3A_288 = arith.constant 16 : index
      %get3A_289 = tpu.vector_load %arg6[%get3A_286, %get3A_287, %get3A_288] {strides = array<i32>} : memref<2x128x64xf32, #tpu.memory_space<vmem>>, vector<16xf32>,
      %scatter3A_290 = arith.constant 1 : i32
      %scatter3A_291 = arith.constant 0 : i32
      %scatter3A_292 = arith.constant 0 : i32
      %scatter3A_293 = tpu.memref_slice %arg7[%scatter3A_290, %scatter3A_291, %scatter3A_292] : memref<2x64x129xf32, #tpu.memory_space<vmem>> -> memref<1x64x129xf32, #tpu.memory_space<vmem>>
      %scatter3A_294 = tpu.memref_squeeze %scatter3A_293 : memref<1x64x129xf32, #tpu.memory_space<vmem>> -> memref<64x129xf32, #tpu.memory_space<vmem>>
      tpu.vector_store_idx %scatter3A_294[%add3A_125, %mul3A_274], %get3A_289 : memref<64x129xf32, #tpu.memory_space<vmem>>[vector<16xi32>, vector<16xi32>], vector<16xf32>,
      %get3A_295 = arith.constant 1 : i32
      %get3A_296 = arith.index_cast %get3A_295 : i32 to index
      %get3A_297 = arith.index_cast %add3A_272 : i32 to index
      %get3A_298 = arith.constant 32 : index
      %get3A_299 = tpu.vector_load %arg6[%get3A_296, %get3A_297, %get3A_298] {strides = array<i32>} : memref<2x128x64xf32, #tpu.memory_space<vmem>>, vector<16xf32>,
      %scatter3A_300 = arith.constant 1 : i32
      %scatter3A_301 = arith.constant 0 : i32
      %scatter3A_302 = arith.constant 0 : i32
      %scatter3A_303 = tpu.memref_slice %arg7[%scatter3A_300, %scatter3A_301, %scatter3A_302] : memref<2x64x129xf32, #tpu.memory_space<vmem>> -> memref<1x64x129xf32, #tpu.memory_space<vmem>>
      %scatter3A_304 = tpu.memref_squeeze %scatter3A_303 : memref<1x64x129xf32, #tpu.memory_space<vmem>> -> memref<64x129xf32, #tpu.memory_space<vmem>>
      tpu.vector_store_idx %scatter3A_304[%add3A_129, %mul3A_274], %get3A_299 : memref<64x129xf32, #tpu.memory_space<vmem>>[vector<16xi32>, vector<16xi32>], vector<16xf32>,
      %get3A_305 = arith.constant 1 : i32
      %get3A_306 = arith.index_cast %get3A_305 : i32 to index
      %get3A_307 = arith.index_cast %add3A_272 : i32 to index
      %get3A_308 = arith.constant 48 : index
      %get3A_309 = tpu.vector_load %arg6[%get3A_306, %get3A_307, %get3A_308] {strides = array<i32>} : memref<2x128x64xf32, #tpu.memory_space<vmem>>, vector<16xf32>,
      %scatter3A_310 = arith.constant 1 : i32
      %scatter3A_311 = arith.constant 0 : i32
      %scatter3A_312 = arith.constant 0 : i32
      %scatter3A_313 = tpu.memref_slice %arg7[%scatter3A_310, %scatter3A_311, %scatter3A_312] : memref<2x64x129xf32, #tpu.memory_space<vmem>> -> memref<1x64x129xf32, #tpu.memory_space<vmem>>
      %scatter3A_314 = tpu.memref_squeeze %scatter3A_313 : memref<1x64x129xf32, #tpu.memory_space<vmem>> -> memref<64x129xf32, #tpu.memory_space<vmem>>
      tpu.vector_store_idx %scatter3A_314[%add3A_133, %mul3A_274], %get3A_309 : memref<64x129xf32, #tpu.memory_space<vmem>>[vector<16xi32>, vector<16xi32>], vector<16xf32>,
      %mul3A_315 = arith.constant 8 : i32
      %mul3A_316 = arith.muli %scan3A_178, %mul3A_315 : i32
      %add3A_317 = arith.constant 3 : i32
      %add3A_318 = arith.addi %mul3A_316, %add3A_317 : i32
      %mul3A_319 = vector.broadcast %add3A_318 : i32 to vector<16xi32>
      %mul3A_320 = arith.muli %broadcast_in_dim3A_135, %mul3A_319 : vector<16xi32>
      %get3A_321 = arith.constant 1 : i32
      %get3A_322 = arith.index_cast %get3A_321 : i32 to index
      %get3A_323 = arith.index_cast %add3A_318 : i32 to index
      %get3A_324 = arith.constant 0 : index
      %get3A_325 = tpu.vector_load %arg6[%get3A_322, %get3A_323, %get3A_324] {strides = array<i32>} : memref<2x128x64xf32, #tpu.memory_space<vmem>>, vector<16xf32>,
      %scatter3A_326 = arith.constant 1 : i32
      %scatter3A_327 = arith.constant 0 : i32
      %scatter3A_328 = arith.constant 0 : i32
      %scatter3A_329 = tpu.memref_slice %arg7[%scatter3A_326, %scatter3A_327, %scatter3A_328] : memref<2x64x129xf32, #tpu.memory_space<vmem>> -> memref<1x64x129xf32, #tpu.memory_space<vmem>>
      %scatter3A_330 = tpu.memref_squeeze %scatter3A_329 : memref<1x64x129xf32, #tpu.memory_space<vmem>> -> memref<64x129xf32, #tpu.memory_space<vmem>>
      tpu.vector_store_idx %scatter3A_330[%add3A_121, %mul3A_320], %get3A_325 : memref<64x129xf32, #tpu.memory_space<vmem>>[vector<16xi32>, vector<16xi32>], vector<16xf32>,
      %get3A_331 = arith.constant 1 : i32
      %get3A_332 = arith.index_cast %get3A_331 : i32 to index
      %get3A_333 = arith.index_cast %add3A_318 : i32 to index
      %get3A_334 = arith.constant 16 : index
      %get3A_335 = tpu.vector_load %arg6[%get3A_332, %get3A_333, %get3A_334] {strides = array<i32>} : memref<2x128x64xf32, #tpu.memory_space<vmem>>, vector<16xf32>,
      %scatter3A_336 = arith.constant 1 : i32
      %scatter3A_337 = arith.constant 0 : i32
      %scatter3A_338 = arith.constant 0 : i32
      %scatter3A_339 = tpu.memref_slice %arg7[%scatter3A_336, %scatter3A_337, %scatter3A_338] : memref<2x64x129xf32, #tpu.memory_space<vmem>> -> memref<1x64x129xf32, #tpu.memory_space<vmem>>
      %scatter3A_340 = tpu.memref_squeeze %scatter3A_339 : memref<1x64x129xf32, #tpu.memory_space<vmem>> -> memref<64x129xf32, #tpu.memory_space<vmem>>
      tpu.vector_store_idx %scatter3A_340[%add3A_125, %mul3A_320], %get3A_335 : memref<64x129xf32, #tpu.memory_space<vmem>>[vector<16xi32>, vector<16xi32>], vector<16xf32>,
      %get3A_341 = arith.constant 1 : i32
      %get3A_342 = arith.index_cast %get3A_341 : i32 to index
      %get3A_343 = arith.index_cast %add3A_318 : i32 to index
      %get3A_344 = arith.constant 32 : index
      %get3A_345 = tpu.vector_load %arg6[%get3A_342, %get3A_343, %get3A_344] {strides = array<i32>} : memref<2x128x64xf32, #tpu.memory_space<vmem>>, vector<16xf32>,
      %scatter3A_346 = arith.constant 1 : i32
      %scatter3A_347 = arith.constant 0 : i32
      %scatter3A_348 = arith.constant 0 : i32
      %scatter3A_349 = tpu.memref_slice %arg7[%scatter3A_346, %scatter3A_347, %scatter3A_348] : memref<2x64x129xf32, #tpu.memory_space<vmem>> -> memref<1x64x129xf32, #tpu.memory_space<vmem>>
      %scatter3A_350 = tpu.memref_squeeze %scatter3A_349 : memref<1x64x129xf32, #tpu.memory_space<vmem>> -> memref<64x129xf32, #tpu.memory_space<vmem>>
      tpu.vector_store_idx %scatter3A_350[%add3A_129, %mul3A_320], %get3A_345 : memref<64x129xf32, #tpu.memory_space<vmem>>[vector<16xi32>, vector<16xi32>], vector<16xf32>,
      %get3A_351 = arith.constant 1 : i32
      %get3A_352 = arith.index_cast %get3A_351 : i32 to index
      %get3A_353 = arith.index_cast %add3A_318 : i32 to index
      %get3A_354 = arith.constant 48 : index
      %get3A_355 = tpu.vector_load %arg6[%get3A_352, %get3A_353, %get3A_354] {strides = array<i32>} : memref<2x128x64xf32, #tpu.memory_space<vmem>>, vector<16xf32>,
      %scatter3A_356 = arith.constant 1 : i32
      %scatter3A_357 = arith.constant 0 : i32
      %scatter3A_358 = arith.constant 0 : i32
      %scatter3A_359 = tpu.memref_slice %arg7[%scatter3A_356, %scatter3A_357, %scatter3A_358] : memref<2x64x129xf32, #tpu.memory_space<vmem>> -> memref<1x64x129xf32, #tpu.memory_space<vmem>>
      %scatter3A_360 = tpu.memref_squeeze %scatter3A_359 : memref<1x64x129xf32, #tpu.memory_space<vmem>> -> memref<64x129xf32, #tpu.memory_space<vmem>>
      tpu.vector_store_idx %scatter3A_360[%add3A_133, %mul3A_320], %get3A_355 : memref<64x129xf32, #tpu.memory_space<vmem>>[vector<16xi32>, vector<16xi32>], vector<16xf32>,
      %mul3A_361 = arith.constant 8 : i32
      %mul3A_362 = arith.muli %scan3A_178, %mul3A_361 : i32
      %add3A_363 = arith.constant 4 : i32
      %add3A_364 = arith.addi %mul3A_362, %add3A_363 : i32
      %mul3A_365 = vector.broadcast %add3A_364 : i32 to vector<16xi32>
      %mul3A_366 = arith.muli %broadcast_in_dim3A_135, %mul3A_365 : vector<16xi32>
      %get3A_367 = arith.constant 1 : i32
      %get3A_368 = arith.index_cast %get3A_367 : i32 to index
      %get3A_369 = arith.index_cast %add3A_364 : i32 to index
      %get3A_370 = arith.constant 0 : index
      %get3A_371 = tpu.vector_load %arg6[%get3A_368, %get3A_369, %get3A_370] {strides = array<i32>} : memref<2x128x64xf32, #tpu.memory_space<vmem>>, vector<16xf32>,
      %scatter3A_372 = arith.constant 1 : i32
      %scatter3A_373 = arith.constant 0 : i32
      %scatter3A_374 = arith.constant 0 : i32
      %scatter3A_375 = tpu.memref_slice %arg7[%scatter3A_372, %scatter3A_373, %scatter3A_374] : memref<2x64x129xf32, #tpu.memory_space<vmem>> -> memref<1x64x129xf32, #tpu.memory_space<vmem>>
      %scatter3A_376 = tpu.memref_squeeze %scatter3A_375 : memref<1x64x129xf32, #tpu.memory_space<vmem>> -> memref<64x129xf32, #tpu.memory_space<vmem>>
      tpu.vector_store_idx %scatter3A_376[%add3A_121, %mul3A_366], %get3A_371 : memref<64x129xf32, #tpu.memory_space<vmem>>[vector<16xi32>, vector<16xi32>], vector<16xf32>,
      %get3A_377 = arith.constant 1 : i32
      %get3A_378 = arith.index_cast %get3A_377 : i32 to index
      %get3A_379 = arith.index_cast %add3A_364 : i32 to index
      %get3A_380 = arith.constant 16 : index
      %get3A_381 = tpu.vector_load %arg6[%get3A_378, %get3A_379, %get3A_380] {strides = array<i32>} : memref<2x128x64xf32, #tpu.memory_space<vmem>>, vector<16xf32>,
      %scatter3A_382 = arith.constant 1 : i32
      %scatter3A_383 = arith.constant 0 : i32
      %scatter3A_384 = arith.constant 0 : i32
      %scatter3A_385 = tpu.memref_slice %arg7[%scatter3A_382, %scatter3A_383, %scatter3A_384] : memref<2x64x129xf32, #tpu.memory_space<vmem>> -> memref<1x64x129xf32, #tpu.memory_space<vmem>>
      %scatter3A_386 = tpu.memref_squeeze %scatter3A_385 : memref<1x64x129xf32, #tpu.memory_space<vmem>> -> memref<64x129xf32, #tpu.memory_space<vmem>>
      tpu.vector_store_idx %scatter3A_386[%add3A_125, %mul3A_366], %get3A_381 : memref<64x129xf32, #tpu.memory_space<vmem>>[vector<16xi32>, vector<16xi32>], vector<16xf32>,
      %get3A_387 = arith.constant 1 : i32
      %get3A_388 = arith.index_cast %get3A_387 : i32 to index
      %get3A_389 = arith.index_cast %add3A_364 : i32 to index
      %get3A_390 = arith.constant 32 : index
      %get3A_391 = tpu.vector_load %arg6[%get3A_388, %get3A_389, %get3A_390] {strides = array<i32>} : memref<2x128x64xf32, #tpu.memory_space<vmem>>, vector<16xf32>,
      %scatter3A_392 = arith.constant 1 : i32
      %scatter3A_393 = arith.constant 0 : i32
      %scatter3A_394 = arith.constant 0 : i32
      %scatter3A_395 = tpu.memref_slice %arg7[%scatter3A_392, %scatter3A_393, %scatter3A_394] : memref<2x64x129xf32, #tpu.memory_space<vmem>> -> memref<1x64x129xf32, #tpu.memory_space<vmem>>
      %scatter3A_396 = tpu.memref_squeeze %scatter3A_395 : memref<1x64x129xf32, #tpu.memory_space<vmem>> -> memref<64x129xf32, #tpu.memory_space<vmem>>
      tpu.vector_store_idx %scatter3A_396[%add3A_129, %mul3A_366], %get3A_391 : memref<64x129xf32, #tpu.memory_space<vmem>>[vector<16xi32>, vector<16xi32>], vector<16xf32>,
      %get3A_397 = arith.constant 1 : i32
      %get3A_398 = arith.index_cast %get3A_397 : i32 to index
      %get3A_399 = arith.index_cast %add3A_364 : i32 to index
      %get3A_400 = arith.constant 48 : index
      %get3A_401 = tpu.vector_load %arg6[%get3A_398, %get3A_399, %get3A_400] {strides = array<i32>} : memref<2x128x64xf32, #tpu.memory_space<vmem>>, vector<16xf32>,
      %scatter3A_402 = arith.constant 1 : i32
      %scatter3A_403 = arith.constant 0 : i32
      %scatter3A_404 = arith.constant 0 : i32
      %scatter3A_405 = tpu.memref_slice %arg7[%scatter3A_402, %scatter3A_403, %scatter3A_404] : memref<2x64x129xf32, #tpu.memory_space<vmem>> -> memref<1x64x129xf32, #tpu.memory_space<vmem>>
      %scatter3A_406 = tpu.memref_squeeze %scatter3A_405 : memref<1x64x129xf32, #tpu.memory_space<vmem>> -> memref<64x129xf32, #tpu.memory_space<vmem>>
      tpu.vector_store_idx %scatter3A_406[%add3A_133, %mul3A_366], %get3A_401 : memref<64x129xf32, #tpu.memory_space<vmem>>[vector<16xi32>, vector<16xi32>], vector<16xf32>,
      %mul3A_407 = arith.constant 8 : i32
      %mul3A_408 = arith.muli %scan3A_178, %mul3A_407 : i32
      %add3A_409 = arith.constant 5 : i32
      %add3A_410 = arith.addi %mul3A_408, %add3A_409 : i32
      %mul3A_411 = vector.broadcast %add3A_410 : i32 to vector<16xi32>
      %mul3A_412 = arith.muli %broadcast_in_dim3A_135, %mul3A_411 : vector<16xi32>
      %get3A_413 = arith.constant 1 : i32
      %get3A_414 = arith.index_cast %get3A_413 : i32 to index
      %get3A_415 = arith.index_cast %add3A_410 : i32 to index
      %get3A_416 = arith.constant 0 : index
      %get3A_417 = tpu.vector_load %arg6[%get3A_414, %get3A_415, %get3A_416] {strides = array<i32>} : memref<2x128x64xf32, #tpu.memory_space<vmem>>, vector<16xf32>,
      %scatter3A_418 = arith.constant 1 : i32
      %scatter3A_419 = arith.constant 0 : i32
      %scatter3A_420 = arith.constant 0 : i32
      %scatter3A_421 = tpu.memref_slice %arg7[%scatter3A_418, %scatter3A_419, %scatter3A_420] : memref<2x64x129xf32, #tpu.memory_space<vmem>> -> memref<1x64x129xf32, #tpu.memory_space<vmem>>
      %scatter3A_422 = tpu.memref_squeeze %scatter3A_421 : memref<1x64x129xf32, #tpu.memory_space<vmem>> -> memref<64x129xf32, #tpu.memory_space<vmem>>
      tpu.vector_store_idx %scatter3A_422[%add3A_121, %mul3A_412], %get3A_417 : memref<64x129xf32, #tpu.memory_space<vmem>>[vector<16xi32>, vector<16xi32>], vector<16xf32>,
      %get3A_423 = arith.constant 1 : i32
      %get3A_424 = arith.index_cast %get3A_423 : i32 to index
      %get3A_425 = arith.index_cast %add3A_410 : i32 to index
      %get3A_426 = arith.constant 16 : index
      %get3A_427 = tpu.vector_load %arg6[%get3A_424, %get3A_425, %get3A_426] {strides = array<i32>} : memref<2x128x64xf32, #tpu.memory_space<vmem>>, vector<16xf32>,
      %scatter3A_428 = arith.constant 1 : i32
      %scatter3A_429 = arith.constant 0 : i32
      %scatter3A_430 = arith.constant 0 : i32
      %scatter3A_431 = tpu.memref_slice %arg7[%scatter3A_428, %scatter3A_429, %scatter3A_430] : memref<2x64x129xf32, #tpu.memory_space<vmem>> -> memref<1x64x129xf32, #tpu.memory_space<vmem>>
      %scatter3A_432 = tpu.memref_squeeze %scatter3A_431 : memref<1x64x129xf32, #tpu.memory_space<vmem>> -> memref<64x129xf32, #tpu.memory_space<vmem>>
      tpu.vector_store_idx %scatter3A_432[%add3A_125, %mul3A_412], %get3A_427 : memref<64x129xf32, #tpu.memory_space<vmem>>[vector<16xi32>, vector<16xi32>], vector<16xf32>,
      %get3A_433 = arith.constant 1 : i32
      %get3A_434 = arith.index_cast %get3A_433 : i32 to index
      %get3A_435 = arith.index_cast %add3A_410 : i32 to index
      %get3A_436 = arith.constant 32 : index
      %get3A_437 = tpu.vector_load %arg6[%get3A_434, %get3A_435, %get3A_436] {strides = array<i32>} : memref<2x128x64xf32, #tpu.memory_space<vmem>>, vector<16xf32>,
      %scatter3A_438 = arith.constant 1 : i32
      %scatter3A_439 = arith.constant 0 : i32
      %scatter3A_440 = arith.constant 0 : i32
      %scatter3A_441 = tpu.memref_slice %arg7[%scatter3A_438, %scatter3A_439, %scatter3A_440] : memref<2x64x129xf32, #tpu.memory_space<vmem>> -> memref<1x64x129xf32, #tpu.memory_space<vmem>>
      %scatter3A_442 = tpu.memref_squeeze %scatter3A_441 : memref<1x64x129xf32, #tpu.memory_space<vmem>> -> memref<64x129xf32, #tpu.memory_space<vmem>>
      tpu.vector_store_idx %scatter3A_442[%add3A_129, %mul3A_412], %get3A_437 : memref<64x129xf32, #tpu.memory_space<vmem>>[vector<16xi32>, vector<16xi32>], vector<16xf32>,
      %get3A_443 = arith.constant 1 : i32
      %get3A_444 = arith.index_cast %get3A_443 : i32 to index
      %get3A_445 = arith.index_cast %add3A_410 : i32 to index
      %get3A_446 = arith.constant 48 : index
      %get3A_447 = tpu.vector_load %arg6[%get3A_444, %get3A_445, %get3A_446] {strides = array<i32>} : memref<2x128x64xf32, #tpu.memory_space<vmem>>, vector<16xf32>,
      %scatter3A_448 = arith.constant 1 : i32
      %scatter3A_449 = arith.constant 0 : i32
      %scatter3A_450 = arith.constant 0 : i32
      %scatter3A_451 = tpu.memref_slice %arg7[%scatter3A_448, %scatter3A_449, %scatter3A_450] : memref<2x64x129xf32, #tpu.memory_space<vmem>> -> memref<1x64x129xf32, #tpu.memory_space<vmem>>
      %scatter3A_452 = tpu.memref_squeeze %scatter3A_451 : memref<1x64x129xf32, #tpu.memory_space<vmem>> -> memref<64x129xf32, #tpu.memory_space<vmem>>
      tpu.vector_store_idx %scatter3A_452[%add3A_133, %mul3A_412], %get3A_447 : memref<64x129xf32, #tpu.memory_space<vmem>>[vector<16xi32>, vector<16xi32>], vector<16xf32>,
      %mul3A_453 = arith.constant 8 : i32
      %mul3A_454 = arith.muli %scan3A_178, %mul3A_453 : i32
      %add3A_455 = arith.constant 6 : i32
      %add3A_456 = arith.addi %mul3A_454, %add3A_455 : i32
      %mul3A_457 = vector.broadcast %add3A_456 : i32 to vector<16xi32>
      %mul3A_458 = arith.muli %broadcast_in_dim3A_135, %mul3A_457 : vector<16xi32>
      %get3A_459 = arith.constant 1 : i32
      %get3A_460 = arith.index_cast %get3A_459 : i32 to index
      %get3A_461 = arith.index_cast %add3A_456 : i32 to index
      %get3A_462 = arith.constant 0 : index
      %get3A_463 = tpu.vector_load %arg6[%get3A_460, %get3A_461, %get3A_462] {strides = array<i32>} : memref<2x128x64xf32, #tpu.memory_space<vmem>>, vector<16xf32>,
      %scatter3A_464 = arith.constant 1 : i32
      %scatter3A_465 = arith.constant 0 : i32
      %scatter3A_466 = arith.constant 0 : i32
      %scatter3A_467 = tpu.memref_slice %arg7[%scatter3A_464, %scatter3A_465, %scatter3A_466] : memref<2x64x129xf32, #tpu.memory_space<vmem>> -> memref<1x64x129xf32, #tpu.memory_space<vmem>>
      %scatter3A_468 = tpu.memref_squeeze %scatter3A_467 : memref<1x64x129xf32, #tpu.memory_space<vmem>> -> memref<64x129xf32, #tpu.memory_space<vmem>>
      tpu.vector_store_idx %scatter3A_468[%add3A_121, %mul3A_458], %get3A_463 : memref<64x129xf32, #tpu.memory_space<vmem>>[vector<16xi32>, vector<16xi32>], vector<16xf32>,
      %get3A_469 = arith.constant 1 : i32
      %get3A_470 = arith.index_cast %get3A_469 : i32 to index
      %get3A_471 = arith.index_cast %add3A_456 : i32 to index
      %get3A_472 = arith.constant 16 : index
      %get3A_473 = tpu.vector_load %arg6[%get3A_470, %get3A_471, %get3A_472] {strides = array<i32>} : memref<2x128x64xf32, #tpu.memory_space<vmem>>, vector<16xf32>,
      %scatter3A_474 = arith.constant 1 : i32
      %scatter3A_475 = arith.constant 0 : i32
      %scatter3A_476 = arith.constant 0 : i32
      %scatter3A_477 = tpu.memref_slice %arg7[%scatter3A_474, %scatter3A_475, %scatter3A_476] : memref<2x64x129xf32, #tpu.memory_space<vmem>> -> memref<1x64x129xf32, #tpu.memory_space<vmem>>
      %scatter3A_478 = tpu.memref_squeeze %scatter3A_477 : memref<1x64x129xf32, #tpu.memory_space<vmem>> -> memref<64x129xf32, #tpu.memory_space<vmem>>
      tpu.vector_store_idx %scatter3A_478[%add3A_125, %mul3A_458], %get3A_473 : memref<64x129xf32, #tpu.memory_space<vmem>>[vector<16xi32>, vector<16xi32>], vector<16xf32>,
      %get3A_479 = arith.constant 1 : i32
      %get3A_480 = arith.index_cast %get3A_479 : i32 to index
      %get3A_481 = arith.index_cast %add3A_456 : i32 to index
      %get3A_482 = arith.constant 32 : index
      %get3A_483 = tpu.vector_load %arg6[%get3A_480, %get3A_481, %get3A_482] {strides = array<i32>} : memref<2x128x64xf32, #tpu.memory_space<vmem>>, vector<16xf32>,
      %scatter3A_484 = arith.constant 1 : i32
      %scatter3A_485 = arith.constant 0 : i32
      %scatter3A_486 = arith.constant 0 : i32
      %scatter3A_487 = tpu.memref_slice %arg7[%scatter3A_484, %scatter3A_485, %scatter3A_486] : memref<2x64x129xf32, #tpu.memory_space<vmem>> -> memref<1x64x129xf32, #tpu.memory_space<vmem>>
      %scatter3A_488 = tpu.memref_squeeze %scatter3A_487 : memref<1x64x129xf32, #tpu.memory_space<vmem>> -> memref<64x129xf32, #tpu.memory_space<vmem>>
      tpu.vector_store_idx %scatter3A_488[%add3A_129, %mul3A_458], %get3A_483 : memref<64x129xf32, #tpu.memory_space<vmem>>[vector<16xi32>, vector<16xi32>], vector<16xf32>,
      %get3A_489 = arith.constant 1 : i32
      %get3A_490 = arith.index_cast %get3A_489 : i32 to index
      %get3A_491 = arith.index_cast %add3A_456 : i32 to index
      %get3A_492 = arith.constant 48 : index
      %get3A_493 = tpu.vector_load %arg6[%get3A_490, %get3A_491, %get3A_492] {strides = array<i32>} : memref<2x128x64xf32, #tpu.memory_space<vmem>>, vector<16xf32>,
      %scatter3A_494 = arith.constant 1 : i32
      %scatter3A_495 = arith.constant 0 : i32
      %scatter3A_496 = arith.constant 0 : i32
      %scatter3A_497 = tpu.memref_slice %arg7[%scatter3A_494, %scatter3A_495, %scatter3A_496] : memref<2x64x129xf32, #tpu.memory_space<vmem>> -> memref<1x64x129xf32, #tpu.memory_space<vmem>>
      %scatter3A_498 = tpu.memref_squeeze %scatter3A_497 : memref<1x64x129xf32, #tpu.memory_space<vmem>> -> memref<64x129xf32, #tpu.memory_space<vmem>>
      tpu.vector_store_idx %scatter3A_498[%add3A_133, %mul3A_458], %get3A_493 : memref<64x129xf32, #tpu.memory_space<vmem>>[vector<16xi32>, vector<16xi32>], vector<16xf32>,
      %mul3A_499 = arith.constant 8 : i32
      %mul3A_500 = arith.muli %scan3A_178, %mul3A_499 : i32
      %add3A_501 = arith.constant 7 : i32
      %add3A_502 = arith.addi %mul3A_500, %add3A_501 : i32
      %mul3A_503 = vector.broadcast %add3A_502 : i32 to vector<16xi32>
      %mul3A_504 = arith.muli %broadcast_in_dim3A_135, %mul3A_503 : vector<16xi32>
      %get3A_505 = arith.constant 1 : i32
      %get3A_506 = arith.index_cast %get3A_505 : i32 to index
      %get3A_507 = arith.index_cast %add3A_502 : i32 to index
      %get3A_508 = arith.constant 0 : index
      %get3A_509 = tpu.vector_load %arg6[%get3A_506, %get3A_507, %get3A_508] {strides = array<i32>} : memref<2x128x64xf32, #tpu.memory_space<vmem>>, vector<16xf32>,
      %scatter3A_510 = arith.constant 1 : i32
      %scatter3A_511 = arith.constant 0 : i32
      %scatter3A_512 = arith.constant 0 : i32
      %scatter3A_513 = tpu.memref_slice %arg7[%scatter3A_510, %scatter3A_511, %scatter3A_512] : memref<2x64x129xf32, #tpu.memory_space<vmem>> -> memref<1x64x129xf32, #tpu.memory_space<vmem>>
      %scatter3A_514 = tpu.memref_squeeze %scatter3A_513 : memref<1x64x129xf32, #tpu.memory_space<vmem>> -> memref<64x129xf32, #tpu.memory_space<vmem>>
      tpu.vector_store_idx %scatter3A_514[%add3A_121, %mul3A_504], %get3A_509 : memref<64x129xf32, #tpu.memory_space<vmem>>[vector<16xi32>, vector<16xi32>], vector<16xf32>,
      %get3A_515 = arith.constant 1 : i32
      %get3A_516 = arith.index_cast %get3A_515 : i32 to index
      %get3A_517 = arith.index_cast %add3A_502 : i32 to index
      %get3A_518 = arith.constant 16 : index
      %get3A_519 = tpu.vector_load %arg6[%get3A_516, %get3A_517, %get3A_518] {strides = array<i32>} : memref<2x128x64xf32, #tpu.memory_space<vmem>>, vector<16xf32>,
      %scatter3A_520 = arith.constant 1 : i32
      %scatter3A_521 = arith.constant 0 : i32
      %scatter3A_522 = arith.constant 0 : i32
      %scatter3A_523 = tpu.memref_slice %arg7[%scatter3A_520, %scatter3A_521, %scatter3A_522] : memref<2x64x129xf32, #tpu.memory_space<vmem>> -> memref<1x64x129xf32, #tpu.memory_space<vmem>>
      %scatter3A_524 = tpu.memref_squeeze %scatter3A_523 : memref<1x64x129xf32, #tpu.memory_space<vmem>> -> memref<64x129xf32, #tpu.memory_space<vmem>>
      tpu.vector_store_idx %scatter3A_524[%add3A_125, %mul3A_504], %get3A_519 : memref<64x129xf32, #tpu.memory_space<vmem>>[vector<16xi32>, vector<16xi32>], vector<16xf32>,
      %get3A_525 = arith.constant 1 : i32
      %get3A_526 = arith.index_cast %get3A_525 : i32 to index
      %get3A_527 = arith.index_cast %add3A_502 : i32 to index
      %get3A_528 = arith.constant 32 : index
      %get3A_529 = tpu.vector_load %arg6[%get3A_526, %get3A_527, %get3A_528] {strides = array<i32>} : memref<2x128x64xf32, #tpu.memory_space<vmem>>, vector<16xf32>,
      %scatter3A_530 = arith.constant 1 : i32
      %scatter3A_531 = arith.constant 0 : i32
      %scatter3A_532 = arith.constant 0 : i32
      %scatter3A_533 = tpu.memref_slice %arg7[%scatter3A_530, %scatter3A_531, %scatter3A_532] : memref<2x64x129xf32, #tpu.memory_space<vmem>> -> memref<1x64x129xf32, #tpu.memory_space<vmem>>
      %scatter3A_534 = tpu.memref_squeeze %scatter3A_533 : memref<1x64x129xf32, #tpu.memory_space<vmem>> -> memref<64x129xf32, #tpu.memory_space<vmem>>
      tpu.vector_store_idx %scatter3A_534[%add3A_129, %mul3A_504], %get3A_529 : memref<64x129xf32, #tpu.memory_space<vmem>>[vector<16xi32>, vector<16xi32>], vector<16xf32>,
      %get3A_535 = arith.constant 1 : i32
      %get3A_536 = arith.index_cast %get3A_535 : i32 to index
      %get3A_537 = arith.index_cast %add3A_502 : i32 to index
      %get3A_538 = arith.constant 48 : index
      %get3A_539 = tpu.vector_load %arg6[%get3A_536, %get3A_537, %get3A_538] {strides = array<i32>} : memref<2x128x64xf32, #tpu.memory_space<vmem>>, vector<16xf32>,
      %scatter3A_540 = arith.constant 1 : i32
      %scatter3A_541 = arith.constant 0 : i32
      %scatter3A_542 = arith.constant 0 : i32
      %scatter3A_543 = tpu.memref_slice %arg7[%scatter3A_540, %scatter3A_541, %scatter3A_542] : memref<2x64x129xf32, #tpu.memory_space<vmem>> -> memref<1x64x129xf32, #tpu.memory_space<vmem>>
      %scatter3A_544 = tpu.memref_squeeze %scatter3A_543 : memref<1x64x129xf32, #tpu.memory_space<vmem>> -> memref<64x129xf32, #tpu.memory_space<vmem>>
      tpu.vector_store_idx %scatter3A_544[%add3A_133, %mul3A_504], %get3A_539 : memref<64x129xf32, #tpu.memory_space<vmem>>[vector<16xi32>, vector<16xi32>], vector<16xf32>,
    }
    %scan3A_141 = arith.constant 16 : i32
    %add3A_142 = arith.constant 384 : i32
    %add3A_143 = arith.addi %mul3A_2, %add3A_142 : i32
    %dma_start3A_144 = arith.constant 1 : i32
    %dma_start3A_145 = arith.constant 25 : i32
    %dma_start3A_146 = arith.constant 0 : i32
    %dma_start3A_147 = arith.constant 0 : i32
    %dma_start3A_148 = tpu.memref_slice %arg7[%dma_start3A_144, %dma_start3A_146, %dma_start3A_147] : memref<2x64x129xf32, #tpu.memory_space<vmem>> -> memref<1x64x128xf32, #tpu.memory_space<vmem>>
    %dma_start3A_149 = tpu.memref_squeeze %dma_start3A_148 : memref<1x64x128xf32, #tpu.memory_space<vmem>> -> memref<64x128xf32, #tpu.memory_space<vmem>>
    %dma_start3A_150 = arith.constant 0 : i32
    %dma_start3A_151 = tpu.memref_slice %arg4[%dma_start3A_145, %dma_start3A_150, %add3A_143] : memref<26x64x16384xf32, #tpu.memory_space<hbm>> -> memref<1x64x128xf32, #tpu.memory_space<hbm>>
    %dma_start3A_152 = tpu.memref_squeeze %dma_start3A_151 : memref<1x64x128xf32, #tpu.memory_space<hbm>> -> memref<64x128xf32, #tpu.memory_space<hbm>>
    %dma_start3A_153 = arith.constant 0 : i32
    %dma_start3A_154 = tpu.memref_slice %arg4[%dma_start3A_145, %dma_start3A_153, %add3A_143] : memref<26x64x16384xf32, #tpu.memory_space<hbm>> -> memref<1x64x128xf32, #tpu.memory_space<hbm>>
    %dma_start3A_155 = tpu.memref_squeeze %dma_start3A_154 : memref<1x64x128xf32, #tpu.memory_space<hbm>> -> memref<64x128xf32, #tpu.memory_space<hbm>>
    %dma_start3A_156 = arith.constant 0 : i32
    %dma_start3A_157 = arith.constant 0 : i32
    %dma_start3A_158 = tpu.memref_slice %arg7[%dma_start3A_144, %dma_start3A_156, %dma_start3A_157] : memref<2x64x129xf32, #tpu.memory_space<vmem>> -> memref<1x64x128xf32, #tpu.memory_space<vmem>>
    %dma_start3A_159 = tpu.memref_squeeze %dma_start3A_158 : memref<1x64x128xf32, #tpu.memory_space<vmem>> -> memref<64x128xf32, #tpu.memory_space<vmem>>
    tpu.enqueue_dma source(%dma_start3A_159 : memref<64x128xf32, #tpu.memory_space<vmem>>) target(%dma_start3A_155 : memref<64x128xf32, #tpu.memory_space<hbm>>) target_semaphore(%arg11 : memref<!tpu.dma_semaphore, #tpu.memory_space<semaphore_mem>>)
    %dma_wait3A_160 = arith.constant 1 : i32
    %dma_wait3A_161 = arith.constant 0 : i32
    %dma_wait3A_162 = arith.constant 0 : i32
    %dma_wait3A_163 = arith.constant 0 : i32
    %dma_wait3A_164 = tpu.memref_slice %arg7[%dma_wait3A_160, %dma_wait3A_162, %dma_wait3A_163] : memref<2x64x129xf32, #tpu.memory_space<vmem>> -> memref<1x64x128xf32, #tpu.memory_space<vmem>>
    %dma_wait3A_165 = tpu.memref_squeeze %dma_wait3A_164 : memref<1x64x128xf32, #tpu.memory_space<vmem>> -> memref<64x128xf32, #tpu.memory_space<vmem>>
    %dma_wait3A_166 = arith.constant 0 : i32
    %dma_wait3A_167 = arith.constant 0 : i32
    %dma_wait3A_168 = tpu.memref_slice %arg4[%dma_wait3A_161, %dma_wait3A_166, %dma_wait3A_167] : memref<26x64x16384xf32, #tpu.memory_space<hbm>> -> memref<1x64x128xf32, #tpu.memory_space<hbm>>
    %dma_wait3A_169 = tpu.memref_squeeze %dma_wait3A_168 : memref<1x64x128xf32, #tpu.memory_space<hbm>> -> memref<64x128xf32, #tpu.memory_space<hbm>>
    %dma_wait3A_170 = arith.constant 0 : i32
    %dma_wait3A_171 = arith.constant 0 : i32
    %dma_wait3A_172 = tpu.memref_slice %arg4[%dma_wait3A_161, %dma_wait3A_170, %dma_wait3A_171] : memref<26x64x16384xf32, #tpu.memory_space<hbm>> -> memref<1x64x128xf32, #tpu.memory_space<hbm>>
    %dma_wait3A_173 = tpu.memref_squeeze %dma_wait3A_172 : memref<1x64x128xf32, #tpu.memory_space<hbm>> -> memref<64x128xf32, #tpu.memory_space<hbm>>
    %dma_wait3A_174 = arith.constant 0 : i32
    %dma_wait3A_175 = arith.constant 0 : i32
    %dma_wait3A_176 = tpu.memref_slice %arg7[%dma_wait3A_160, %dma_wait3A_174, %dma_wait3A_175] : memref<2x64x129xf32, #tpu.memory_space<vmem>> -> memref<1x64x128xf32, #tpu.memory_space<vmem>>
    %dma_wait3A_177 = tpu.memref_squeeze %dma_wait3A_176 : memref<1x64x128xf32, #tpu.memory_space<vmem>> -> memref<64x128xf32, #tpu.memory_space<vmem>>
    tpu.wait_dma2 semaphore(%arg11 : memref<!tpu.dma_semaphore, #tpu.memory_space<semaphore_mem>>) src(%dma_wait3A_177 : memref<64x128xf32, #tpu.memory_space<vmem>>) dst(%dma_wait3A_173 : memref<64x128xf32, #tpu.memory_space<hbm>>)
    return
  }
}

</mosaic_0001>

<sc_bundles>
// kernel: kernel.3.cloned.1.call-start
scs
__scs_entry_jumppad:
0x0: {  	(pc) =	sbr.rel $0x88, $3  }
0x1: {  	(tag) =	ssettag $0x0;
	lr =	simm.s32 $0x1  }
0x2: {  	[smem:$0x3F9F] =	sst lr;
	_ =	strace $0xD0000000  }
0x3: {  	_ = 	snop  }
0x4: {  	_ = 	snop  }
0x5: {  	_ = 	snop  }
0x6: {  	_ = 	snop  }
0x7: {  	_ = 	snop  }
__scs_overlays_trampoline_lowered:
0x8: {  	[smem:$0x3FAE] =	sst s0  }
0x9: {  	[smem:$0x3FAF] =	sst s1  }
0xa: {  	[smem:$0x3FB0] =	sst s2  }
0xb: {  	[smem:$0x3FB1] =	sst s3  }
0xc: {  	[smem:$0x3FB2] =	sst s4  }
0xd: {  	[smem:$0x3FB3] =	sst s5  }
0xe: {  	[smem:$0x3FB4] =	sst s6  }
0xf: {  	[smem:$0x3FB5] =	sst s7  }
0x10: {  	[smem:$0x3FB6] =	sst s8  }
0x11: {  	[smem:$0x3FB7] =	sst s9;
	s0 =	simm.s32 @!p0 $0x0  }
0x12: {  	s1 =	sld [smem:$0x3F9D];
	s0 =	simm.s32 @p0 $0x1  }
0x13: {  	[smem:$0x3FB8] =	sst s0;
	s0 =	simm.s32 @!p1 $0x0  }
0x14: {  	s2 =	sld [smem:$0x3F9C];
	s0 =	simm.s32 @p1 $0x1  }
0x15: {  	[smem:$0x3FB9] =	sst s0;
	s0 =	simm.s32 @!p2 $0x0  }
0x16: {  	s3 =	sld [smem:$0x3FDB];
	s0 =	simm.s32 @p2 $0x1  }
0x17: {  	s4 =	simm.s32 $0x1BF5;
	[smem:$0x3FBB] =	sst s0  }
0x18: {  	s0 =	sld [smem:$0x3F9E];
	_ =	swait.ge [sflag:s4], $0x0  }
0x19: {  	s7 =	sld [smem:$0x3F9F]  }
0x1a: {  	s8 =	sadd.s32 $0xFFFFE003, lr  }
0x1b: {  	s9 =	sadd.s32 $0xFFFFFEF7, lr;
	s5 =	simm.s32 $0xFFFFFFFF;
	p2 =	slt.u32 s8, $0xFFFFF086  }
0x1c: {  	p1 =	slt.u32 s9, $0xF7A;
	s5 =	simm.s32 @!p2 $0x0  }
0x1d: {  	s5 =	simm.s32 @p1 $0x1;
	p0 =	seq.s32 s7, s2  }
0x1e: {  	s7 =	smul.u32 @!p0 $0xF7A, s2;
	p2 =	seq.s32 @!p0 s5, $0x0  }
0x1f: {  	s9 =	smul.u32 $0xF7A, s1;
	s8 =	simm.s32 @!p0 $0x1BF5;
	p2 =	por !p2, p0  }
0x20: {  	[sflag:s8] =	ssyncset.s32 @!p0 $0xFFFFF086;
	s6 =	sadd.s32 @!p0 s3, s7;
	s7 =	simm.s32 @!p0 $0x108  }
0x21: {  	s3 =	sadd.s32 s3, s9;
	s6 =	sadd.s32 @!p0 $0x88, s6;
	s7 =	simm.s32 @p2 $0x1082  }
0x22: {  	[simem:s7], [sflag:s8] =	dma.local @!p0 [hbm:s6], $0xF7A  }
0x23: {  	s9 =	sor.u32 $0xD0000000, s2;
	s6 =	simm.s32 $0x108;
	_ =	swait.ge @!p0 [sflag:s8], $0x0  }
0x24: {  	s3 =	sadd.s32 $0x88, s3;
	s6 =	simm.s32 @!p1 $0x1082;
	[sflag:s4] =	ssyncset.s32 $0xFFFFF086  }
0x25: {  	[simem:s6], [sflag:s4] =	dma.local [hbm:s3], $0xF7A  }
0x26: {  	[smem:$0x3F9F] =	sst s1;
	(tag) =	ssettag s2;
	_ =	strace s9  }
0x27: {  	s1 =	sld [smem:$0x3FAF]  }
0x28: {  	s2 =	sld [smem:$0x3FB0]  }
0x29: {  	s4 =	sld [smem:$0x3FB2]  }
0x2a: {  	p0 =	seq.s32 s5, $0x0;
	s5 =	sld [smem:$0x3FB3]  }
0x2b: {  	s6 =	sld [smem:$0x3FB4]  }
0x2c: {  	s7 =	sld [smem:$0x3FB5]  }
0x2d: {  	s3 =	simm.s32 $0x108;
	s8 =	sld [smem:$0x3FB6]  }
0x2e: {  	s3 =	simm.s32 @!p0 $0x1082;
	s9 =	sld [smem:$0x3FB7]  }
0x2f: {  	lr =	sadd.s32 s0, s3;
	s0 =	sld [smem:$0x3FAE]  }
0x30: {  	s3 =	sld [smem:$0x3FB1]  }
0x31: {  	[smem:$0x3FBA] =	sst s10  }
0x32: {  	s10 =	sld [smem:$0x3FB8];
	_ =	sdelay $0x3  }
0x33: {  	p0 =	seq.s32 s10, $0x1;
	s10 =	sld [smem:$0x3FBA];
	_ =	sdelay $0x3  }
0x34: {  	[smem:$0x3FBA] =	sst s10  }
0x35: {  	s10 =	sld [smem:$0x3FB9];
	_ =	sdelay $0x3  }
0x36: {  	p1 =	seq.s32 s10, $0x1;
	s10 =	sld [smem:$0x3FBA];
	_ =	sdelay $0x3  }
0x37: {  	[smem:$0x3FBA] =	sst s10  }
0x38: {  	s10 =	sld [smem:$0x3FBB]  }
0x39: {  	_ = 	snop;
	(pc) =	sbr.ind lr, $3  }
0x3a: {  	_ = 	snop  }
0x3b: {  	_ = 	snop  }
0x3c: {  	p2 =	seq.s32 s10, $0x1;
	s10 =	sld [smem:$0x3FBA]  }
0x3d: {  	_ =	shalt  }
0x3e: {  	_ =	shalt  }
0x3f: {  	_ =	shalt  }
0x40: {  	_ =	shalt  }
0x41: {  	_ =	shalt  }
0x42: {  	_ =	shalt  }
0x43: {  	_ =	shalt  }
0x44: {  	_ =	shalt  }
0x45: {  	_ =	shalt  }
0x46: {  	_ =	shalt  }
0x47: {  	_ =	shalt  }
0x48: {  	_ =	shalt  }
0x49: {  	_ =	shalt  }
0x4a: {  	_ =	shalt  }
0x4b: {  	_ =	shalt  }
0x4c: {  	_ =	shalt  }
0x4d: {  	_ =	shalt  }
0x4e: {  	_ =	shalt  }
0x4f: {  	_ =	shalt  }
0x50: {  	_ =	shalt  }
0x51: {  	_ =	shalt  }
0x52: {  	_ =	shalt  }
0x53: {  	_ =	shalt  }
0x54: {  	_ =	shalt  }
0x55: {  	_ =	shalt  }
0x56: {  	_ =	shalt  }
0x57: {  	_ =	shalt  }
0x58: {  	_ =	shalt  }
0x59: {  	_ =	shalt  }
0x5a: {  	_ =	shalt  }
0x5b: {  	_ =	shalt  }
0x5c: {  	_ =	shalt  }
0x5d: {  	_ =	shalt  }
0x5e: {  	_ =	shalt  }
0x5f: {  	_ =	shalt  }
0x60: {  	_ =	shalt  }
0x61: {  	_ =	shalt  }
0x62: {  	_ =	shalt  }
0x63: {  	_ =	shalt  }
0x64: {  	_ =	shalt  }
0x65: {  	_ =	shalt  }
0x66: {  	_ =	shalt  }
0x67: {  	_ =	shalt  }
0x68: {  	_ =	shalt  }
0x69: {  	_ =	shalt  }
0x6a: {  	_ =	shalt  }
0x6b: {  	_ =	shalt  }
0x6c: {  	_ =	shalt  }
0x6d: {  	_ =	shalt  }
0x6e: {  	_ =	shalt  }
0x6f: {  	_ =	shalt  }
0x70: {  	_ =	shalt  }
0x71: {  	_ =	shalt  }
0x72: {  	_ =	shalt  }
0x73: {  	_ =	shalt  }
0x74: {  	_ =	shalt  }
0x75: {  	_ =	shalt  }
0x76: {  	_ =	shalt  }
0x77: {  	_ =	shalt  }
0x78: {  	_ =	shalt  }
0x79: {  	_ =	shalt  }
0x7a: {  	_ =	shalt  }
0x7b: {  	_ =	shalt  }
0x7c: {  	_ =	shalt  }
0x7d: {  	_ =	shalt  }
0x7e: {  	_ =	shalt  }
0x7f: {  	_ =	shalt  }
0x80: {  	_ =	shalt  }
0x81: {  	_ =	shalt  }
0x82: {  	_ =	shalt  }
0x83: {  	_ =	shalt  }
0x84: {  	_ =	shalt  }
0x85: {  	_ =	shalt  }
0x86: {  	_ =	shalt  }
0x87: {  	_ =	shalt  }
.Lfunc_end0:
.L_simem_size_0:
called_computation_lowered:
.L_overlay_start_0:
0x88: {  	s2 =	sld [smem:$0x3FD9]  }
0x89: {  	s3 =	sld [smem:$0x3FFE];
	_ =	sdelay $0x1  }
0x8a: {  	s1 =	srdreg.scid  }
0x8b: {  	s0 =	sand.u32 $0x1, s1  }
0x8c: {  	s17 =	sshll.u32 s0, $0xA;
	s2 =	sadd.s32 s3, s2  }
0x8d: {  	s2 =	sadd.s32 s2, s17  }
0x8e: {  	[smem:$0x3FC6] =	sst s2  }
0x8f: {  	_ = 	snop  }
0x90: {  	s2 =	sld [smem:$0x3FD0];
	(tm) =	ssettm $0x1  }
0x91: {  	s18 =	sld [smem:$0x3FFB];
	_ =	sdelay $0x3  }
0x92: {  	_ =	strace s18  }
0x93: {  	s3 =	sld [smem:$0x3FFC];
	_ =	sdelay $0x3  }
0x94: {  	_ =	strace s3  }
0x95: {  	s3 =	sld [smem:$0x3FFD];
	_ =	sdelay $0x3  }
0x96: {  	_ =	strace s3  }
0x97: {  	_ =	strace $0x8FFFFFFF  }
0x98: {  	s19 =	sld [smem:$0x3FDB];
	_ =	sdelay $0x1  }
0x99: {  	s4 =	simm.s32 $_scs_section_size  }
0x9a: {  	s5 =	simm.s32 $_size__tile_overlayer_lowered;
	s6 =	simm.s32 $_tile_overlayer_lowered  }
0x9b: {  	s22 =	simm.s32 $0x1BFF;
	s21 =	sshll.u32 s6, $0x1;
	s3 =	sadd.s32 s4, s19  }
0x9c: {  	s7 =	simm.s32 $0x0;
	s20 =	sshll.u32 s5, $0x1;
	s5 =	sadd.s32 s21, s3  }
0x9d: {  	[timem:s7], [sflag:s22] =	dma.local [hbm:s5], s20  }
0x9e: {  	_ =	swait.ge [sflag:s22], s20  }
0x9f: {  	s4 =	ssub.s32 $0x0, s20;
	[sflag:s22] =	ssyncset.done $0x0  }
0xa0: {  	[sflag:s22] =	ssyncadd.s32 s4;
	_ =	sdelay $0x1  }
0xa1: {  	s23 =	simm.s32 $0x1B8B  }
0xa2: {  	_ =	swait.ge [sflag:s23], $0x1  }
0xa3: {  	[sflag:s23] =	ssyncset.done $0x0  }
0xa4: {  	s25 =	simm.s32 $0x1B8E;
	s24 =	sld [smem:$0x3FFE];
	[sflag:s23] =	ssyncadd.s32 $0xFFFFFFFF  }
0xa5: {  	s26 =	simm.s32 $execute0_lowered;
	[smem:$0x3FD2] =	sst s25  }
0xa6: {  	s5 =	sshll.u32 s26, $0x1;
	_ =	strace $0x80000046;
	[dreg:$0x1] =	wrdreg $0xFFFFFFFF  }
0xa7: {  	s28 =	simm.s32 $_size_execute0_lowered;
	s3 =	sadd.s32 s3, s5;
	[dreg:$0x0] =	wrdreg $0x0  }
0xa8: {  	s5 =	sshll.u32 s28, $0x1;
	[dreg:$0x2] =	wrdreg s3  }
0xa9: {  	[dreg:$0x3] =	wrdreg s5  }
0xaa: {  	[dreg:$0x4] =	wrdreg $0xC0  }
0xab: {  	_ =	task [dreg:s7], $0x5FFFF  }
0xac: {  	[dreg:$0x1] =	wrdreg $0xFFFFFFFF  }
0xad: {  	[dreg:$0x0] =	wrdreg $0x60  }
0xae: {  	[dreg:$0x2] =	wrdreg s2  }
0xaf: {  	[dreg:$0x3] =	wrdreg s24  }
0xb0: {  	[dreg:$0x4] =	wrdreg $0x9  }
0xb1: {  	_ =	task.clear_ibuf [dreg:s7], $0x5FFFF;
	_ =	strace $0x90000046  }
0xb2: {  	s29 =	simm.s32 $0x9;
	_ =	strace $0x80000048  }
0xb3: {  	_ =	swait.ge [sflag:s29], $0x1  }
0xb4: {  	[sflag:s29] =	ssyncadd.s32 $0xFFFFFFFF  }
0xb5: {  	_ =	strace $0x90000048  }
0xb6: {  	_ =	sfence  }
0xb7: {  	s30 =	sld [smem:$0x0];
	_ =	sdelay $0x2  }
0xb8: {  	s31 =	sshll.u32 s1, $0xD;
	s1 =	sshrl.u32 s1, $0x2  }
0xb9: {  	s3 =	sand.u32 $0x4000, s31;
	s1 =	sadd.s32 s1, s30  }
0xba: {  	s0 =	sor.u32 s3, s0;
	s1 =	sshll.u32 s1, $0x11  }
0xbb: {  	s0 =	sor.u32 s1, s0  }
0xbc: {  	s0 =	sadd.s32 $0x8F2B, s0  }
0xbd: {  	[sflag:s0] =	ssyncadd.remote.s32 $0x1  }
0xbe: {  	_ =	sfence.sel $0xFFFF  }
0xbf: {  	[dreg:$0x0] =	wrdreg $0xFFFFFFFF;
	(pc) =	sbr.abs _section_cstart, $3  }
0xc0: {  	[dreg:$0x1] =	wrdreg $0xFFFFFFFF  }
0xc1: {  	_ =	task.clear_ibuf [dreg:s7], $0x2FFFF;
	_ =	strace $0x9FFFFFFF  }
0xc2: {  	(tm) =	ssettm $0x7FFFFFFF  }
0xc3: {  	_ =	shalt  }
tec
execute0_lowered:
.L_overlay_start_1:
0x0: {  	(tag) =	ssettag $0x1  }
0x1: {  	s6 =	rddreg [dreg:$0x0];
	v0 =	vlaneseq.u32  }
0x2: {  	s7 =	rddreg [dreg:$0x1];
	v0 =	vmul.u32 $0x88, v0  }
0x3: {  	s0 =	rddreg [dreg:$0x2];
	s3 =	srdreg.scid;
	v1 =	vimm.s32 $0x0;
	vm0 =	vcmask $0x300  }
0x4: {  	s2 =	simm.s32 $0x0;
	s1 =	stileid.u32;
	s12 =	simm.s32 $0x4000;
	v1 =	vsel vm0, $0x3, v1;
	v2 =	vadd.s32 $0x880, v0  }
0x5: {  	s13 =	simm.s32 $0x5;
	s14 =	simm.s32 $0x80;
	s15 =	simm.s32 $0x3400;
	v3 =	vadd.s32 $0x1100, v0;
	v4 =	vadd.s32 $0x1980, v0;
	v5 =	vor.u32 $0x1, v0  }
0x6: {  	s16 =	simm.s32 $0x5400;
	s17 =	simm.s32 $0x1;
	s18 =	simm.s32 $0x7400;
	v6 =	vadd.s32 $0x881, v0;
	v7 =	vadd.s32 $0x1101, v0;
	v8 =	vadd.s32 $0x1981, v0  }
0x7: {  	s19 =	simm.s32 $0x3;
	s20 =	simm.s32 $0x2;
	s21 =	simm.s32 $0x9600;
	v9 =	vor.u32 $0x2, v0;
	v10 =	vadd.s32 $0x882, v0;
	v11 =	vadd.s32 $0x1102, v0  }
0x8: {  	s22 =	simm.s32 $0x4;
	s3 =	sand.u32 $0x1, s3;
	[smem:$0x7FF] =	sst s2;
	v12 =	vadd.s32 $0x1982, v0;
	v13 =	vor.u32 $0x3, v0;
	v14 =	vadd.s32 $0x883, v0  }
0x9: {  	s4 =	sshll.u32 s1, $0xA;
	s5 =	sshll.u32 s3, $0x9;
	_ =	strace $0x80000047;
	v15 =	vadd.s32 $0x1103, v0;
	v16 =	vadd.s32 $0x1983, v0;
	v17 =	vor.u32 $0x4, v0  }
0xa: {  	s8 =	ssub.s32 $0x2, s3;
	s3 =	sor.u32 s5, s4;
	s4 =	sadd.s32 $0x600, s7;
	v18 =	vadd.s32 $0x884, v0;
	v19 =	vadd.s32 $0x1104, v0;
	v20 =	vadd.s32 $0x1984, v0  }
0xb: {  	s9 =	sshrl.u32 s8, $0x1;
	s5 =	sadd.s32 $0xF42A00, s7;
	v21 =	vor.u32 $0x5, v0;
	v22 =	vadd.s32 $0x885, v0;
	v23 =	vadd.s32 $0x1105, v0;
	s10 =	sshrl.u32 s3, $0x3  }
0xc: {  	s7 =	sadd.s32 $0x610, s7;
	v24 =	vadd.s32 $0x1985, v0;
	v25 =	vor.u32 $0x6, v0;
	v26 =	vadd.s32 $0x886, v0;
	s11 =	ssub.s32 s8, s9;
	s31 =	sadd.s32 s10, s4  }
0xd: {  	v27 =	vadd.s32 $0x1106, v0;
	v28 =	vadd.s32 $0x1986, v0;
	v30 =	vadd.s32 $0x887, v0;
	s6 =	sadd.s32 s6, s10;
	s10 =	smax.u32 s11, $0x1;
	s11 =	simm.s32 $0x200  }
0xe: {  	s23 =	simm.s32 $0x0;
	v29 =	vor.u32 $0x7, v0;
	v31 =	vadd.s32 $0x1107, v0;
	v32 =	vadd.s32 $0x1987, v0;
	s8 =	sadd.s32 $0x320020, s31;
	s9 =	sadd.s32 $0x320030, s31  }
.LBB2_1:
0xf: {  	[tilespmem:s2], [sflag:$0x5] =	stream.strided.gather [hbm4b:s6+s11], $0x3400, s12, s11, $0x38;
	[tilespmem:$0xB800] =	vst v63  }
0x10: {  	_ =	swait.ge [sflag:s13], $0x3400  }
0x11: {  	[sflag:s13] =	ssyncset.done $0x0  }
0x12: {  	[sflag:s13] =	ssyncadd.s32 $0xFFFFCC00  }
0x13: {  	[tilespmem:s15], [sflag:$0x1] =	stream.indirect.gather [hbm4b:s5+s14], $0x40, s2, s14, $0xb8;
	[tilespmem:$0xB800] =	vst v63  }
0x14: {  	s24 =	simm.s32 $0x0  }
0x15: {  	[tilespmem:s16], [sflag:$0x2] =	stream.indirect.gather [hbm4b:s5+s14], $0x40, s14, s14, $0xb8;
	[tilespmem:$0xB800] =	vst v63  }
.LBB2_2:
0x16: {  	s25 =	simm.s32 $0x0  }
0x17: {  	v33 =	vmov s25  }
0x18: {  	v33 =	vshrl.u32 v33, $0x3  }
0x19: {  	_ =	swait.ge [sflag:s17], $0x2000;
	v33 =	vshll.u32 v33, v1  }
0x1a: {  	[sflag:s17] =	ssyncset.done $0x0;
	v33 =	vbroadcast v33, $0x0  }
0x1b: {  	s25 =	simm.s32 $0x3500;
	[sflag:s17] =	ssyncadd.s32 $0xFFFFE000  }
0x1c: {  	v34 =	vld [tilespmem:s25+$0xFFFFFF00];
	v35 =	vadd.s32 v0, v33;
	_ =	sdelay $0x4  }
0x1d: {  	[tilespmem:v35+s18+$0x0] =	vst.idx.msk $0xffff, v34  }
0x1e: {  	v56 =	vadd.s32 v2, v33;
	v34 =	vld [tilespmem:s25+$0xFFFFFF10];
	_ =	sdelay $0x4  }
0x1f: {  	[tilespmem:v56+s18+$0x0] =	vst.idx.msk $0xffff, v34  }
0x20: {  	v57 =	vadd.s32 v3, v33;
	v34 =	vld [tilespmem:s25+$0xFFFFFF20];
	_ =	sdelay $0x4  }
0x21: {  	[tilespmem:v57+s18+$0x0] =	vst.idx.msk $0xffff, v34  }
0x22: {  	s26 =	simm.s32 $0x1;
	v33 =	vadd.s32 v4, v33;
	v34 =	vld [tilespmem:s25+$0xFFFFFF30]  }
0x23: {  	v58 =	vmov s26  }
0x24: {  	v35 =	vshrl.u32 v58, $0x3  }
0x25: {  	v35 =	vshll.u32 v35, v1  }
0x26: {  	v35 =	vbroadcast v35, $0x0  }
0x27: {  	[tilespmem:v33+s18+$0x0] =	vst.idx.msk $0xffff, v34  }
0x28: {  	v59 =	vadd.s32 v5, v35;
	v33 =	vld [tilespmem:s25+$0xFFFFFF40];
	_ =	sdelay $0x4  }
0x29: {  	[tilespmem:v59+s18+$0x0] =	vst.idx.msk $0xffff, v33  }
0x2a: {  	v60 =	vadd.s32 v6, v35;
	v33 =	vld [tilespmem:s25+$0xFFFFFF50];
	_ =	sdelay $0x4  }
0x2b: {  	[tilespmem:v60+s18+$0x0] =	vst.idx.msk $0xffff, v33  }
0x2c: {  	v61 =	vadd.s32 v7, v35;
	v33 =	vld [tilespmem:s25+$0xFFFFFF60];
	_ =	sdelay $0x4  }
0x2d: {  	[tilespmem:v61+s18+$0x0] =	vst.idx.msk $0xffff, v33  }
0x2e: {  	s30 =	simm.s32 $0x2;
	v62 =	vadd.s32 v8, v35;
	v33 =	vld [tilespmem:s25+$0xFFFFFF70]  }
0x2f: {  	v63 =	vmov s30  }
0x30: {  	v35 =	vshrl.u32 v63, $0x3  }
0x31: {  	v35 =	vshll.u32 v35, v1  }
0x32: {  	v35 =	vbroadcast v35, $0x0  }
0x33: {  	[tilespmem:v62+s18+$0x0] =	vst.idx.msk $0xffff, v33  }
0x34: {  	v36 =	vadd.s32 v9, v35;
	v33 =	vld [tilespmem:s25+$0xFFFFFF80];
	_ =	sdelay $0x4  }
0x35: {  	[tilespmem:v36+s18+$0x0] =	vst.idx.msk $0xffff, v33  }
0x36: {  	v37 =	vadd.s32 v10, v35;
	v33 =	vld [tilespmem:s25+$0xFFFFFF90];
	_ =	sdelay $0x4  }
0x37: {  	[tilespmem:v37+s18+$0x0] =	vst.idx.msk $0xffff, v33  }
0x38: {  	v38 =	vadd.s32 v11, v35;
	v33 =	vld [tilespmem:s25+$0xFFFFFFA0];
	_ =	sdelay $0x4  }
0x39: {  	[tilespmem:v38+s18+$0x0] =	vst.idx.msk $0xffff, v33  }
0x3a: {  	s31 =	simm.s32 $0x3;
	v39 =	vadd.s32 v12, v35;
	v33 =	vld [tilespmem:s25+$0xFFFFFFB0]  }
0x3b: {  	v40 =	vmov s31  }
0x3c: {  	v35 =	vshrl.u32 v40, $0x3  }
0x3d: {  	v35 =	vshll.u32 v35, v1  }
0x3e: {  	v35 =	vbroadcast v35, $0x0  }
0x3f: {  	[tilespmem:v39+s18+$0x0] =	vst.idx.msk $0xffff, v33  }
0x40: {  	v41 =	vadd.s32 v13, v35;
	v33 =	vld [tilespmem:s25+$0xFFFFFFC0];
	_ =	sdelay $0x4  }
0x41: {  	[tilespmem:v41+s18+$0x0] =	vst.idx.msk $0xffff, v33  }
0x42: {  	v42 =	vadd.s32 v14, v35;
	v33 =	vld [tilespmem:s25+$0xFFFFFFD0];
	_ =	sdelay $0x4  }
0x43: {  	[tilespmem:v42+s18+$0x0] =	vst.idx.msk $0xffff, v33  }
0x44: {  	v43 =	vadd.s32 v15, v35;
	v33 =	vld [tilespmem:s25+$0xFFFFFFE0];
	_ =	sdelay $0x4  }
0x45: {  	[tilespmem:v43+s18+$0x0] =	vst.idx.msk $0xffff, v33  }
0x46: {  	s30 =	simm.s32 $0x4;
	v44 =	vadd.s32 v16, v35;
	v33 =	vld [tilespmem:s25+$0xFFFFFFF0]  }
0x47: {  	v45 =	vmov s30  }
0x48: {  	v35 =	vshrl.u32 v45, $0x3  }
0x49: {  	v35 =	vshll.u32 v35, v1  }
0x4a: {  	v35 =	vbroadcast v35, $0x0  }
0x4b: {  	[tilespmem:v44+s18+$0x0] =	vst.idx.msk $0xffff, v33  }
0x4c: {  	v46 =	vadd.s32 v17, v35;
	v33 =	vld [tilespmem:s25+$0x0];
	_ =	sdelay $0x4  }
0x4d: {  	[tilespmem:v46+s18+$0x0] =	vst.idx.msk $0xffff, v33  }
0x4e: {  	v47 =	vadd.s32 v18, v35;
	v33 =	vld [tilespmem:s25+$0x10];
	_ =	sdelay $0x4  }
0x4f: {  	[tilespmem:v47+s18+$0x0] =	vst.idx.msk $0xffff, v33  }
0x50: {  	v48 =	vadd.s32 v19, v35;
	v33 =	vld [tilespmem:s25+$0x20];
	_ =	sdelay $0x4  }
0x51: {  	[tilespmem:v48+s18+$0x0] =	vst.idx.msk $0xffff, v33  }
0x52: {  	s31 =	simm.s32 $0x5;
	v49 =	vadd.s32 v20, v35;
	v33 =	vld [tilespmem:s25+$0x30]  }
0x53: {  	v50 =	vmov s31  }
0x54: {  	v35 =	vshrl.u32 v50, $0x3  }
0x55: {  	v35 =	vshll.u32 v35, v1  }
0x56: {  	v35 =	vbroadcast v35, $0x0  }
0x57: {  	[tilespmem:v49+s18+$0x0] =	vst.idx.msk $0xffff, v33  }
0x58: {  	v51 =	vadd.s32 v21, v35;
	v33 =	vld [tilespmem:s25+$0x40];
	_ =	sdelay $0x4  }
0x59: {  	[tilespmem:v51+s18+$0x0] =	vst.idx.msk $0xffff, v33  }
0x5a: {  	v52 =	vadd.s32 v22, v35;
	v33 =	vld [tilespmem:s25+$0x50];
	_ =	sdelay $0x4  }
0x5b: {  	[tilespmem:v52+s18+$0x0] =	vst.idx.msk $0xffff, v33  }
0x5c: {  	v53 =	vadd.s32 v23, v35;
	v33 =	vld [tilespmem:s25+$0x60];
	_ =	sdelay $0x4  }
0x5d: {  	[tilespmem:v53+s18+$0x0] =	vst.idx.msk $0xffff, v33  }
0x5e: {  	s30 =	simm.s32 $0x6;
	v54 =	vadd.s32 v24, v35;
	v33 =	vld [tilespmem:s25+$0x70]  }
0x5f: {  	v55 =	vmov s30  }
0x60: {  	v35 =	vshrl.u32 v55, $0x3  }
0x61: {  	v35 =	vshll.u32 v35, v1  }
0x62: {  	v35 =	vbroadcast v35, $0x0  }
0x63: {  	[tilespmem:v54+s18+$0x0] =	vst.idx.msk $0xffff, v33  }
0x64: {  	v56 =	vadd.s32 v25, v35;
	v33 =	vld [tilespmem:s25+$0x80];
	_ =	sdelay $0x4  }
0x65: {  	[tilespmem:v56+s18+$0x0] =	vst.idx.msk $0xffff, v33  }
0x66: {  	v57 =	vadd.s32 v26, v35;
	v33 =	vld [tilespmem:s25+$0x90];
	_ =	sdelay $0x4  }
0x67: {  	[tilespmem:v57+s18+$0x0] =	vst.idx.msk $0xffff, v33  }
0x68: {  	v58 =	vadd.s32 v27, v35;
	v33 =	vld [tilespmem:s25+$0xA0];
	_ =	sdelay $0x4  }
0x69: {  	[tilespmem:v58+s18+$0x0] =	vst.idx.msk $0xffff, v33  }
0x6a: {  	s31 =	simm.s32 $0x7;
	v59 =	vadd.s32 v28, v35;
	v33 =	vld [tilespmem:s25+$0xB0]  }
0x6b: {  	v60 =	vmov s31  }
0x6c: {  	v35 =	vshrl.u32 v60, $0x3  }
0x6d: {  	v35 =	vshll.u32 v35, v1  }
0x6e: {  	v35 =	vbroadcast v35, $0x0  }
0x6f: {  	[tilespmem:v59+s18+$0x0] =	vst.idx.msk $0xffff, v33  }
0x70: {  	v61 =	vadd.s32 v29, v35;
	v33 =	vld [tilespmem:s25+$0xC0];
	_ =	sdelay $0x4  }
0x71: {  	[tilespmem:v61+s18+$0x0] =	vst.idx.msk $0xffff, v33  }
0x72: {  	v62 =	vadd.s32 v30, v35;
	v33 =	vld [tilespmem:s25+$0xD0];
	_ =	sdelay $0x4  }
0x73: {  	[tilespmem:v62+s18+$0x0] =	vst.idx.msk $0xffff, v33  }
0x74: {  	v63 =	vadd.s32 v31, v35;
	v33 =	vld [tilespmem:s25+$0xE0];
	_ =	sdelay $0x4  }
0x75: {  	[tilespmem:v63+s18+$0x0] =	vst.idx.msk $0xffff, v33  }
0x76: {  	s29 =	simm.s32 $0x8;
	s28 =	simm.s32 $0x17;
	s26 =	simm.s32 $0xF;
	v34 =	vadd.s32 v32, v35;
	v33 =	vld [tilespmem:s25+$0xF0]  }
.LBB2_3:
0x77: {  	p0 =	sne.s32 s28, $0x7F;
	v35 =	vmov s29  }
0x78: {  	v35 =	vshrl.u32 v35, $0x3  }
0x79: {  	v35 =	vshll.u32 v35, v1  }
0x7a: {  	v35 =	vbroadcast v35, $0x0  }
0x7b: {  	s25 =	sadd.s32 $0x200, s25;
	[tilespmem:v34+s18+$0x0] =	vst.idx.msk $0xffff, v33  }
0x7c: {  	v33 =	vld [tilespmem:s25+$0xFFFFFF00];
	v34 =	vadd.s32 v0, v35;
	_ =	sdelay $0x4  }
0x7d: {  	[tilespmem:v34+s18+$0x0] =	vst.idx.msk $0xffff, v33  }
0x7e: {  	v34 =	vadd.s32 v2, v35;
	v33 =	vld [tilespmem:s25+$0xFFFFFF10];
	_ =	sdelay $0x4  }
0x7f: {  	[tilespmem:v34+s18+$0x0] =	vst.idx.msk $0xffff, v33  }
0x80: {  	v34 =	vadd.s32 v3, v35;
	v33 =	vld [tilespmem:s25+$0xFFFFFF20];
	_ =	sdelay $0x4  }
0x81: {  	[tilespmem:v34+s18+$0x0] =	vst.idx.msk $0xffff, v33  }
0x82: {  	s29 =	sadd.s32 $0xFFFFFFFA, s26;
	v34 =	vadd.s32 v4, v35;
	v33 =	vld [tilespmem:s25+$0xFFFFFF30]  }
0x83: {  	v35 =	vmov s29  }
0x84: {  	v35 =	vshrl.u32 v35, $0x3  }
0x85: {  	v35 =	vshll.u32 v35, v1  }
0x86: {  	v35 =	vbroadcast v35, $0x0  }
0x87: {  	[tilespmem:v34+s18+$0x0] =	vst.idx.msk $0xffff, v33  }
0x88: {  	v34 =	vadd.s32 v5, v35;
	v33 =	vld [tilespmem:s25+$0xFFFFFF40];
	_ =	sdelay $0x4  }
0x89: {  	[tilespmem:v34+s18+$0x0] =	vst.idx.msk $0xffff, v33  }
0x8a: {  	v34 =	vadd.s32 v6, v35;
	v33 =	vld [tilespmem:s25+$0xFFFFFF50];
	_ =	sdelay $0x4  }
0x8b: {  	[tilespmem:v34+s18+$0x0] =	vst.idx.msk $0xffff, v33  }
0x8c: {  	v34 =	vadd.s32 v7, v35;
	v33 =	vld [tilespmem:s25+$0xFFFFFF60];
	_ =	sdelay $0x4  }
0x8d: {  	[tilespmem:v34+s18+$0x0] =	vst.idx.msk $0xffff, v33  }
0x8e: {  	s29 =	sadd.s32 $0xFFFFFFFB, s26;
	v34 =	vadd.s32 v8, v35;
	v33 =	vld [tilespmem:s25+$0xFFFFFF70]  }
0x8f: {  	v35 =	vmov s29  }
0x90: {  	v35 =	vshrl.u32 v35, $0x3  }
0x91: {  	v35 =	vshll.u32 v35, v1  }
0x92: {  	v35 =	vbroadcast v35, $0x0  }
0x93: {  	[tilespmem:v34+s18+$0x0] =	vst.idx.msk $0xffff, v33  }
0x94: {  	v34 =	vadd.s32 v9, v35;
	v33 =	vld [tilespmem:s25+$0xFFFFFF80];
	_ =	sdelay $0x4  }
0x95: {  	[tilespmem:v34+s18+$0x0] =	vst.idx.msk $0xffff, v33  }
0x96: {  	v34 =	vadd.s32 v10, v35;
	v33 =	vld [tilespmem:s25+$0xFFFFFF90];
	_ =	sdelay $0x4  }
0x97: {  	[tilespmem:v34+s18+$0x0] =	vst.idx.msk $0xffff, v33  }
0x98: {  	v34 =	vadd.s32 v11, v35;
	v33 =	vld [tilespmem:s25+$0xFFFFFFA0];
	_ =	sdelay $0x4  }
0x99: {  	[tilespmem:v34+s18+$0x0] =	vst.idx.msk $0xffff, v33  }
0x9a: {  	s29 =	sadd.s32 $0xFFFFFFFC, s26;
	v34 =	vadd.s32 v12, v35;
	v33 =	vld [tilespmem:s25+$0xFFFFFFB0]  }
0x9b: {  	v35 =	vmov s29  }
0x9c: {  	v35 =	vshrl.u32 v35, $0x3  }
0x9d: {  	v35 =	vshll.u32 v35, v1  }
0x9e: {  	v35 =	vbroadcast v35, $0x0  }
0x9f: {  	[tilespmem:v34+s18+$0x0] =	vst.idx.msk $0xffff, v33  }
0xa0: {  	v34 =	vadd.s32 v13, v35;
	v33 =	vld [tilespmem:s25+$0xFFFFFFC0];
	_ =	sdelay $0x4  }
0xa1: {  	[tilespmem:v34+s18+$0x0] =	vst.idx.msk $0xffff, v33  }
0xa2: {  	v34 =	vadd.s32 v14, v35;
	v33 =	vld [tilespmem:s25+$0xFFFFFFD0];
	_ =	sdelay $0x4  }
0xa3: {  	[tilespmem:v34+s18+$0x0] =	vst.idx.msk $0xffff, v33  }
0xa4: {  	v34 =	vadd.s32 v15, v35;
	v33 =	vld [tilespmem:s25+$0xFFFFFFE0];
	_ =	sdelay $0x4  }
0xa5: {  	[tilespmem:v34+s18+$0x0] =	vst.idx.msk $0xffff, v33  }
0xa6: {  	s29 =	sadd.s32 $0xFFFFFFFD, s26;
	v34 =	vadd.s32 v16, v35;
	v33 =	vld [tilespmem:s25+$0xFFFFFFF0]  }
0xa7: {  	v35 =	vmov s29  }
0xa8: {  	v35 =	vshrl.u32 v35, $0x3  }
0xa9: {  	v35 =	vshll.u32 v35, v1  }
0xaa: {  	v35 =	vbroadcast v35, $0x0  }
0xab: {  	[tilespmem:v34+s18+$0x0] =	vst.idx.msk $0xffff, v33  }
0xac: {  	v34 =	vadd.s32 v17, v35;
	v33 =	vld [tilespmem:s25+$0x0];
	_ =	sdelay $0x4  }
0xad: {  	[tilespmem:v34+s18+$0x0] =	vst.idx.msk $0xffff, v33  }
0xae: {  	v34 =	vadd.s32 v18, v35;
	v33 =	vld [tilespmem:s25+$0x10];
	_ =	sdelay $0x4  }
0xaf: {  	[tilespmem:v34+s18+$0x0] =	vst.idx.msk $0xffff, v33  }
0xb0: {  	v34 =	vadd.s32 v19, v35;
	v33 =	vld [tilespmem:s25+$0x20];
	_ =	sdelay $0x4  }
0xb1: {  	[tilespmem:v34+s18+$0x0] =	vst.idx.msk $0xffff, v33  }
0xb2: {  	s29 =	sadd.s32 $0xFFFFFFFE, s26;
	v34 =	vadd.s32 v20, v35;
	v33 =	vld [tilespmem:s25+$0x30]  }
0xb3: {  	v35 =	vmov s29  }
0xb4: {  	v35 =	vshrl.u32 v35, $0x3  }
0xb5: {  	v35 =	vshll.u32 v35, v1  }
0xb6: {  	v35 =	vbroadcast v35, $0x0  }
0xb7: {  	[tilespmem:v34+s18+$0x0] =	vst.idx.msk $0xffff, v33  }
0xb8: {  	v34 =	vadd.s32 v21, v35;
	v33 =	vld [tilespmem:s25+$0x40];
	_ =	sdelay $0x4  }
0xb9: {  	[tilespmem:v34+s18+$0x0] =	vst.idx.msk $0xffff, v33  }
0xba: {  	v34 =	vadd.s32 v22, v35;
	v33 =	vld [tilespmem:s25+$0x50];
	_ =	sdelay $0x4  }
0xbb: {  	[tilespmem:v34+s18+$0x0] =	vst.idx.msk $0xffff, v33  }
0xbc: {  	v34 =	vadd.s32 v23, v35;
	v33 =	vld [tilespmem:s25+$0x60];
	_ =	sdelay $0x4  }
0xbd: {  	[tilespmem:v34+s18+$0x0] =	vst.idx.msk $0xffff, v33  }
0xbe: {  	s29 =	sadd.s32 $0xFFFFFFFF, s26;
	v34 =	vadd.s32 v24, v35;
	v33 =	vld [tilespmem:s25+$0x70]  }
0xbf: {  	v35 =	vmov s29  }
0xc0: {  	v35 =	vshrl.u32 v35, $0x3  }
0xc1: {  	v35 =	vshll.u32 v35, v1  }
0xc2: {  	v35 =	vbroadcast v35, $0x0  }
0xc3: {  	[tilespmem:v34+s18+$0x0] =	vst.idx.msk $0xffff, v33  }
0xc4: {  	v34 =	vadd.s32 v25, v35;
	v33 =	vld [tilespmem:s25+$0x80];
	_ =	sdelay $0x4  }
0xc5: {  	[tilespmem:v34+s18+$0x0] =	vst.idx.msk $0xffff, v33  }
0xc6: {  	v34 =	vadd.s32 v26, v35;
	v33 =	vld [tilespmem:s25+$0x90];
	_ =	sdelay $0x4  }
0xc7: {  	[tilespmem:v34+s18+$0x0] =	vst.idx.msk $0xffff, v33  }
0xc8: {  	v34 =	vadd.s32 v27, v35;
	v33 =	vld [tilespmem:s25+$0xA0];
	_ =	sdelay $0x4  }
0xc9: {  	[tilespmem:v34+s18+$0x0] =	vst.idx.msk $0xffff, v33  }
0xca: {  	v34 =	vadd.s32 v28, v35;
	v33 =	vld [tilespmem:s25+$0xB0]  }
0xcb: {  	v35 =	vmov s26;
	s26 =	smov.u32 s28  }
0xcc: {  	v35 =	vshrl.u32 v35, $0x3  }
0xcd: {  	v35 =	vshll.u32 v35, v1  }
0xce: {  	v35 =	vbroadcast v35, $0x0  }
0xcf: {  	[tilespmem:v34+s18+$0x0] =	vst.idx.msk $0xffff, v33  }
0xd0: {  	v34 =	vadd.s32 v29, v35;
	v33 =	vld [tilespmem:s25+$0xC0];
	_ =	sdelay $0x4  }
0xd1: {  	[tilespmem:v34+s18+$0x0] =	vst.idx.msk $0xffff, v33  }
0xd2: {  	v34 =	vadd.s32 v30, v35;
	v33 =	vld [tilespmem:s25+$0xD0];
	_ =	sdelay $0x4  }
0xd3: {  	[tilespmem:v34+s18+$0x0] =	vst.idx.msk $0xffff, v33  }
0xd4: {  	v34 =	vadd.s32 v31, v35;
	v33 =	vld [tilespmem:s25+$0xE0];
	_ =	sdelay $0x1  }
.Ltmp0:
0xd5: {  	(pc) =	sbr.rel @p0 .LBB2_3-.Ltmp0, $3  }
0xd6: {  	_ =	sdelay $0x1  }
0xd7: {  	[tilespmem:v34+s18+$0x0] =	vst.idx.msk $0xffff, v33  }
0xd8: {  	s28 =	sadd.s32 $0x8, s28;
	s29 =	sadd.s32 $0xFFFFFFF9, s26;
	v34 =	vadd.s32 v32, v35;
	v33 =	vld [tilespmem:s25+$0xF0]  }
0xd9: {  	v35 =	vmov s29  }
0xda: {  	v35 =	vshrl.u32 v35, $0x3  }
0xdb: {  	v35 =	vshll.u32 v35, v1  }
0xdc: {  	v35 =	vbroadcast v35, $0x0  }
0xdd: {  	s25 =	sadd.s32 $0x200, s25;
	[tilespmem:v34+s18+$0x0] =	vst.idx.msk $0xffff, v33  }
0xde: {  	v33 =	vld [tilespmem:s25+$0xFFFFFF00];
	v53 =	vadd.s32 v0, v35;
	_ =	sdelay $0x4  }
0xdf: {  	[tilespmem:v53+s18+$0x0] =	vst.idx.msk $0xffff, v33  }
0xe0: {  	v54 =	vadd.s32 v2, v35;
	v33 =	vld [tilespmem:s25+$0xFFFFFF10];
	_ =	sdelay $0x4  }
0xe1: {  	[tilespmem:v54+s18+$0x0] =	vst.idx.msk $0xffff, v33  }
0xe2: {  	v55 =	vadd.s32 v3, v35;
	v33 =	vld [tilespmem:s25+$0xFFFFFF20];
	_ =	sdelay $0x4  }
0xe3: {  	[tilespmem:v55+s18+$0x0] =	vst.idx.msk $0xffff, v33  }
0xe4: {  	s28 =	sadd.s32 $0xFFFFFFFA, s26;
	v56 =	vadd.s32 v4, v35;
	v33 =	vld [tilespmem:s25+$0xFFFFFF30]  }
0xe5: {  	v57 =	vmov s28  }
0xe6: {  	v35 =	vshrl.u32 v57, $0x3  }
0xe7: {  	v35 =	vshll.u32 v35, v1  }
0xe8: {  	v35 =	vbroadcast v35, $0x0  }
0xe9: {  	[tilespmem:v56+s18+$0x0] =	vst.idx.msk $0xffff, v33  }
0xea: {  	v58 =	vadd.s32 v5, v35;
	v33 =	vld [tilespmem:s25+$0xFFFFFF40];
	_ =	sdelay $0x4  }
0xeb: {  	[tilespmem:v58+s18+$0x0] =	vst.idx.msk $0xffff, v33  }
0xec: {  	v59 =	vadd.s32 v6, v35;
	v33 =	vld [tilespmem:s25+$0xFFFFFF50];
	_ =	sdelay $0x4  }
0xed: {  	[tilespmem:v59+s18+$0x0] =	vst.idx.msk $0xffff, v33  }
0xee: {  	v60 =	vadd.s32 v7, v35;
	v33 =	vld [tilespmem:s25+$0xFFFFFF60];
	_ =	sdelay $0x4  }
0xef: {  	[tilespmem:v60+s18+$0x0] =	vst.idx.msk $0xffff, v33  }
0xf0: {  	s28 =	sadd.s32 $0xFFFFFFFB, s26;
	v61 =	vadd.s32 v8, v35;
	v33 =	vld [tilespmem:s25+$0xFFFFFF70]  }
0xf1: {  	v62 =	vmov s28  }
0xf2: {  	v35 =	vshrl.u32 v62, $0x3  }
0xf3: {  	v35 =	vshll.u32 v35, v1  }
0xf4: {  	v35 =	vbroadcast v35, $0x0  }
0xf5: {  	[tilespmem:v61+s18+$0x0] =	vst.idx.msk $0xffff, v33  }
0xf6: {  	v63 =	vadd.s32 v9, v35;
	v33 =	vld [tilespmem:s25+$0xFFFFFF80];
	_ =	sdelay $0x4  }
0xf7: {  	[tilespmem:v63+s18+$0x0] =	vst.idx.msk $0xffff, v33  }
0xf8: {  	v36 =	vadd.s32 v10, v35;
	v33 =	vld [tilespmem:s25+$0xFFFFFF90];
	_ =	sdelay $0x4  }
0xf9: {  	[tilespmem:v36+s18+$0x0] =	vst.idx.msk $0xffff, v33  }
0xfa: {  	v37 =	vadd.s32 v11, v35;
	v33 =	vld [tilespmem:s25+$0xFFFFFFA0];
	_ =	sdelay $0x4  }
0xfb: {  	[tilespmem:v37+s18+$0x0] =	vst.idx.msk $0xffff, v33  }
0xfc: {  	s28 =	sadd.s32 $0xFFFFFFFC, s26;
	v38 =	vadd.s32 v12, v35;
	v33 =	vld [tilespmem:s25+$0xFFFFFFB0]  }
0xfd: {  	v39 =	vmov s28  }
0xfe: {  	v35 =	vshrl.u32 v39, $0x3  }
0xff: {  	v35 =	vshll.u32 v35, v1  }
0x100: {  	v35 =	vbroadcast v35, $0x0  }
0x101: {  	[tilespmem:v38+s18+$0x0] =	vst.idx.msk $0xffff, v33  }
0x102: {  	v40 =	vadd.s32 v13, v35;
	v33 =	vld [tilespmem:s25+$0xFFFFFFC0];
	_ =	sdelay $0x4  }
0x103: {  	[tilespmem:v40+s18+$0x0] =	vst.idx.msk $0xffff, v33  }
0x104: {  	v41 =	vadd.s32 v14, v35;
	v33 =	vld [tilespmem:s25+$0xFFFFFFD0];
	_ =	sdelay $0x4  }
0x105: {  	[tilespmem:v41+s18+$0x0] =	vst.idx.msk $0xffff, v33  }
0x106: {  	v42 =	vadd.s32 v15, v35;
	v33 =	vld [tilespmem:s25+$0xFFFFFFE0];
	_ =	sdelay $0x4  }
0x107: {  	[tilespmem:v42+s18+$0x0] =	vst.idx.msk $0xffff, v33  }
0x108: {  	s28 =	sadd.s32 $0xFFFFFFFD, s26;
	v43 =	vadd.s32 v16, v35;
	v33 =	vld [tilespmem:s25+$0xFFFFFFF0]  }
0x109: {  	v44 =	vmov s28  }
0x10a: {  	v35 =	vshrl.u32 v44, $0x3  }
0x10b: {  	v35 =	vshll.u32 v35, v1  }
0x10c: {  	v35 =	vbroadcast v35, $0x0  }
0x10d: {  	[tilespmem:v43+s18+$0x0] =	vst.idx.msk $0xffff, v33  }
0x10e: {  	v45 =	vadd.s32 v17, v35;
	v33 =	vld [tilespmem:s25+$0x0];
	_ =	sdelay $0x4  }
0x10f: {  	[tilespmem:v45+s18+$0x0] =	vst.idx.msk $0xffff, v33  }
0x110: {  	v46 =	vadd.s32 v18, v35;
	v33 =	vld [tilespmem:s25+$0x10];
	_ =	sdelay $0x4  }
0x111: {  	[tilespmem:v46+s18+$0x0] =	vst.idx.msk $0xffff, v33  }
0x112: {  	v47 =	vadd.s32 v19, v35;
	v33 =	vld [tilespmem:s25+$0x20];
	_ =	sdelay $0x4  }
0x113: {  	[tilespmem:v47+s18+$0x0] =	vst.idx.msk $0xffff, v33  }
0x114: {  	s28 =	sadd.s32 $0xFFFFFFFE, s26;
	v48 =	vadd.s32 v20, v35;
	v33 =	vld [tilespmem:s25+$0x30]  }
0x115: {  	v49 =	vmov s28  }
0x116: {  	v35 =	vshrl.u32 v49, $0x3  }
0x117: {  	v35 =	vshll.u32 v35, v1  }
0x118: {  	v35 =	vbroadcast v35, $0x0  }
0x119: {  	[tilespmem:v48+s18+$0x0] =	vst.idx.msk $0xffff, v33  }
0x11a: {  	v50 =	vadd.s32 v21, v35;
	v33 =	vld [tilespmem:s25+$0x40];
	_ =	sdelay $0x4  }
0x11b: {  	[tilespmem:v50+s18+$0x0] =	vst.idx.msk $0xffff, v33  }
0x11c: {  	v51 =	vadd.s32 v22, v35;
	v33 =	vld [tilespmem:s25+$0x50];
	_ =	sdelay $0x4  }
0x11d: {  	[tilespmem:v51+s18+$0x0] =	vst.idx.msk $0xffff, v33  }
0x11e: {  	v52 =	vadd.s32 v23, v35;
	v33 =	vld [tilespmem:s25+$0x60];
	_ =	sdelay $0x4  }
0x11f: {  	[tilespmem:v52+s18+$0x0] =	vst.idx.msk $0xffff, v33  }
0x120: {  	s28 =	sadd.s32 $0xFFFFFFFF, s26;
	v53 =	vadd.s32 v24, v35;
	v33 =	vld [tilespmem:s25+$0x70]  }
0x121: {  	v54 =	vmov s28  }
0x122: {  	v35 =	vshrl.u32 v54, $0x3  }
0x123: {  	v35 =	vshll.u32 v35, v1  }
0x124: {  	v35 =	vbroadcast v35, $0x0  }
0x125: {  	[tilespmem:v53+s18+$0x0] =	vst.idx.msk $0xffff, v33  }
0x126: {  	v55 =	vadd.s32 v25, v35;
	v33 =	vld [tilespmem:s25+$0x80];
	_ =	sdelay $0x4  }
0x127: {  	[tilespmem:v55+s18+$0x0] =	vst.idx.msk $0xffff, v33  }
0x128: {  	v56 =	vadd.s32 v26, v35;
	v33 =	vld [tilespmem:s25+$0x90];
	_ =	sdelay $0x4  }
0x129: {  	[tilespmem:v56+s18+$0x0] =	vst.idx.msk $0xffff, v33  }
0x12a: {  	v57 =	vadd.s32 v27, v35;
	v33 =	vld [tilespmem:s25+$0xA0];
	_ =	sdelay $0x4  }
0x12b: {  	[tilespmem:v57+s18+$0x0] =	vst.idx.msk $0xffff, v33  }
0x12c: {  	v58 =	vadd.s32 v28, v35;
	v33 =	vld [tilespmem:s25+$0xB0]  }
0x12d: {  	v59 =	vmov s26  }
0x12e: {  	v35 =	vshrl.u32 v59, $0x3  }
0x12f: {  	v35 =	vshll.u32 v35, v1  }
0x130: {  	v35 =	vbroadcast v35, $0x0  }
0x131: {  	[tilespmem:v58+s18+$0x0] =	vst.idx.msk $0xffff, v33  }
0x132: {  	v60 =	vadd.s32 v29, v35;
	v33 =	vld [tilespmem:s25+$0xC0];
	_ =	sdelay $0x4  }
0x133: {  	[tilespmem:v60+s18+$0x0] =	vst.idx.msk $0xffff, v33  }
0x134: {  	v61 =	vadd.s32 v30, v35;
	v33 =	vld [tilespmem:s25+$0xD0];
	_ =	sdelay $0x4  }
0x135: {  	[tilespmem:v61+s18+$0x0] =	vst.idx.msk $0xffff, v33  }
0x136: {  	v62 =	vadd.s32 v31, v35;
	v33 =	vld [tilespmem:s25+$0xE0];
	_ =	sdelay $0x4  }
0x137: {  	[tilespmem:v62+s18+$0x0] =	vst.idx.msk $0xffff, v33  }
0x138: {  	v63 =	vadd.s32 v32, v35;
	v33 =	vld [tilespmem:s25+$0xF0];
	_ =	sdelay $0x2  }
0x139: {  	s25 =	sshll.u32 s24, $0x8  }
0x13a: {  	s31 =	sadd.s32 $0x100, s25  }
0x13b: {  	s30 =	sshll.u32 s24, $0x13;
	s26 =	sand.u32 $0x7F00, s31;
	[tilespmem:v63+s18+$0x0] =	vst.idx.msk $0xffff, v33  }
0x13c: {  	[tilespmem:s15], [sflag:$0x1] =	stream.indirect.gather [hbm4b:s5+s14], $0x40, s26, s14, $0xb8;
	[tilespmem:$0xB800] =	vst v63  }
0x13d: {  	s25 =	sand.u32 $0x100, s25;
	s26 =	sand.u32 $0x1F00000, s30  }
0x13e: {  	s25 =	sor.u32 s25, s26  }
0x13f: {  	s25 =	sor.u32 s3, s25  }
0x140: {  	s29 =	simm.s32 $0x220;
	s25 =	sshrl.u32 s25, $0x3  }
0x141: {  	s31 =	simm.s32 $0x7400;
	s26 =	sshll.u32 s24, $0x1;
	s28 =	sadd.s32 s4, s25  }
0x142: {  	[hbm4b:s28+s2] =	stream.linear.scatter [tilespmem:s31], [sflag:$0x3], $0x80, $0x38;
	[tilespmem:$0xB800] =	vst v63  }
.LBB2_5:
0x143: {  	p0 =	sne.s32 s29, $0x85E0  }
.Ltmp1:
0x144: {  	_ = 	snop;
	(pc) =	sbr.rel @p0 .LBB2_5-.Ltmp1, $4  }
0x145: {  	_ = 	snop  }
0x146: {  	s30 =	sshra.s32 s29, $0x2;
	s29 =	sadd.s32 $0x220, s29  }
0x147: {  	s28 =	sadd.s32 $0x800, s28;
	s30 =	sadd.s32 $0x7400, s30  }
0x148: {  	[hbm4b:s28+s2] =	stream.linear.scatter [tilespmem:s30], [sflag:$0x3], $0x80, $0x38;
	[tilespmem:$0xB800] =	vst v63  }
0x149: {  	_ =	swait.ge [sflag:s19], $0x2000;
	s28 =	simm.s32 $0x0  }
0x14a: {  	[sflag:s19] =	ssyncset.done $0x0;
	v33 =	vmov s28  }
0x14b: {  	[sflag:s19] =	ssyncadd.s32 $0xFFFFE000;
	v33 =	vshrl.u32 v33, $0x3  }
0x14c: {  	_ =	swait.ge [sflag:s20], $0x2000;
	v33 =	vshll.u32 v33, v1  }
0x14d: {  	[sflag:s20] =	ssyncset.done $0x0;
	v33 =	vbroadcast v33, $0x0  }
0x14e: {  	s28 =	simm.s32 $0x55F0;
	[sflag:s20] =	ssyncadd.s32 $0xFFFFE000  }
0x14f: {  	v34 =	vld [tilespmem:s28+$0xFFFFFE10];
	v35 =	vadd.s32 v0, v33;
	_ =	sdelay $0x4  }
0x150: {  	[tilespmem:v35+s21+$0x0] =	vst.idx.msk $0xffff, v34  }
0x151: {  	v56 =	vadd.s32 v2, v33;
	v34 =	vld [tilespmem:s28+$0xFFFFFE20];
	_ =	sdelay $0x4  }
0x152: {  	[tilespmem:v56+s21+$0x0] =	vst.idx.msk $0xffff, v34  }
0x153: {  	v57 =	vadd.s32 v3, v33;
	v34 =	vld [tilespmem:s28+$0xFFFFFE30];
	_ =	sdelay $0x4  }
0x154: {  	[tilespmem:v57+s21+$0x0] =	vst.idx.msk $0xffff, v34  }
0x155: {  	s29 =	simm.s32 $0x1;
	v33 =	vadd.s32 v4, v33;
	v34 =	vld [tilespmem:s28+$0xFFFFFE40]  }
0x156: {  	v58 =	vmov s29  }
0x157: {  	v35 =	vshrl.u32 v58, $0x3  }
0x158: {  	v35 =	vshll.u32 v35, v1  }
0x159: {  	v35 =	vbroadcast v35, $0x0  }
0x15a: {  	[tilespmem:v33+s21+$0x0] =	vst.idx.msk $0xffff, v34  }
0x15b: {  	v59 =	vadd.s32 v5, v35;
	v33 =	vld [tilespmem:s28+$0xFFFFFE50];
	_ =	sdelay $0x4  }
0x15c: {  	[tilespmem:v59+s21+$0x0] =	vst.idx.msk $0xffff, v33  }
0x15d: {  	v60 =	vadd.s32 v6, v35;
	v33 =	vld [tilespmem:s28+$0xFFFFFE60];
	_ =	sdelay $0x4  }
0x15e: {  	[tilespmem:v60+s21+$0x0] =	vst.idx.msk $0xffff, v33  }
0x15f: {  	v61 =	vadd.s32 v7, v35;
	v33 =	vld [tilespmem:s28+$0xFFFFFE70];
	_ =	sdelay $0x4  }
0x160: {  	[tilespmem:v61+s21+$0x0] =	vst.idx.msk $0xffff, v33  }
0x161: {  	s29 =	simm.s32 $0x2;
	v62 =	vadd.s32 v8, v35;
	v33 =	vld [tilespmem:s28+$0xFFFFFE80]  }
0x162: {  	v63 =	vmov s29  }
0x163: {  	v35 =	vshrl.u32 v63, $0x3  }
0x164: {  	v35 =	vshll.u32 v35, v1  }
0x165: {  	v35 =	vbroadcast v35, $0x0  }
0x166: {  	[tilespmem:v62+s21+$0x0] =	vst.idx.msk $0xffff, v33  }
0x167: {  	v36 =	vadd.s32 v9, v35;
	v33 =	vld [tilespmem:s28+$0xFFFFFE90];
	_ =	sdelay $0x4  }
0x168: {  	[tilespmem:v36+s21+$0x0] =	vst.idx.msk $0xffff, v33  }
0x169: {  	v37 =	vadd.s32 v10, v35;
	v33 =	vld [tilespmem:s28+$0xFFFFFEA0];
	_ =	sdelay $0x4  }
0x16a: {  	[tilespmem:v37+s21+$0x0] =	vst.idx.msk $0xffff, v33  }
0x16b: {  	v38 =	vadd.s32 v11, v35;
	v33 =	vld [tilespmem:s28+$0xFFFFFEB0];
	_ =	sdelay $0x4  }
0x16c: {  	[tilespmem:v38+s21+$0x0] =	vst.idx.msk $0xffff, v33  }
0x16d: {  	s29 =	simm.s32 $0x3;
	v39 =	vadd.s32 v12, v35;
	v33 =	vld [tilespmem:s28+$0xFFFFFEC0]  }
0x16e: {  	v40 =	vmov s29  }
0x16f: {  	v35 =	vshrl.u32 v40, $0x3  }
0x170: {  	v35 =	vshll.u32 v35, v1  }
0x171: {  	v35 =	vbroadcast v35, $0x0  }
0x172: {  	[tilespmem:v39+s21+$0x0] =	vst.idx.msk $0xffff, v33  }
0x173: {  	v41 =	vadd.s32 v13, v35;
	v33 =	vld [tilespmem:s28+$0xFFFFFED0];
	_ =	sdelay $0x4  }
0x174: {  	[tilespmem:v41+s21+$0x0] =	vst.idx.msk $0xffff, v33  }
0x175: {  	v42 =	vadd.s32 v14, v35;
	v33 =	vld [tilespmem:s28+$0xFFFFFEE0];
	_ =	sdelay $0x4  }
0x176: {  	[tilespmem:v42+s21+$0x0] =	vst.idx.msk $0xffff, v33  }
0x177: {  	v43 =	vadd.s32 v15, v35;
	v33 =	vld [tilespmem:s28+$0xFFFFFEF0];
	_ =	sdelay $0x4  }
0x178: {  	[tilespmem:v43+s21+$0x0] =	vst.idx.msk $0xffff, v33  }
0x179: {  	s29 =	simm.s32 $0x4;
	v44 =	vadd.s32 v16, v35;
	v33 =	vld [tilespmem:s28+$0xFFFFFF00]  }
0x17a: {  	v45 =	vmov s29  }
0x17b: {  	v35 =	vshrl.u32 v45, $0x3  }
0x17c: {  	v35 =	vshll.u32 v35, v1  }
0x17d: {  	v35 =	vbroadcast v35, $0x0  }
0x17e: {  	[tilespmem:v44+s21+$0x0] =	vst.idx.msk $0xffff, v33  }
0x17f: {  	v46 =	vadd.s32 v17, v35;
	v33 =	vld [tilespmem:s28+$0xFFFFFF10];
	_ =	sdelay $0x4  }
0x180: {  	[tilespmem:v46+s21+$0x0] =	vst.idx.msk $0xffff, v33  }
0x181: {  	v47 =	vadd.s32 v18, v35;
	v33 =	vld [tilespmem:s28+$0xFFFFFF20];
	_ =	sdelay $0x4  }
0x182: {  	[tilespmem:v47+s21+$0x0] =	vst.idx.msk $0xffff, v33  }
0x183: {  	v48 =	vadd.s32 v19, v35;
	v33 =	vld [tilespmem:s28+$0xFFFFFF30];
	_ =	sdelay $0x4  }
0x184: {  	[tilespmem:v48+s21+$0x0] =	vst.idx.msk $0xffff, v33  }
0x185: {  	s29 =	simm.s32 $0x5;
	v49 =	vadd.s32 v20, v35;
	v33 =	vld [tilespmem:s28+$0xFFFFFF40]  }
0x186: {  	v50 =	vmov s29  }
0x187: {  	v35 =	vshrl.u32 v50, $0x3  }
0x188: {  	v35 =	vshll.u32 v35, v1  }
0x189: {  	v35 =	vbroadcast v35, $0x0  }
0x18a: {  	[tilespmem:v49+s21+$0x0] =	vst.idx.msk $0xffff, v33  }
0x18b: {  	v51 =	vadd.s32 v21, v35;
	v33 =	vld [tilespmem:s28+$0xFFFFFF50];
	_ =	sdelay $0x4  }
0x18c: {  	[tilespmem:v51+s21+$0x0] =	vst.idx.msk $0xffff, v33  }
0x18d: {  	v52 =	vadd.s32 v22, v35;
	v33 =	vld [tilespmem:s28+$0xFFFFFF60];
	_ =	sdelay $0x4  }
0x18e: {  	[tilespmem:v52+s21+$0x0] =	vst.idx.msk $0xffff, v33  }
0x18f: {  	v53 =	vadd.s32 v23, v35;
	v33 =	vld [tilespmem:s28+$0xFFFFFF70];
	_ =	sdelay $0x4  }
0x190: {  	[tilespmem:v53+s21+$0x0] =	vst.idx.msk $0xffff, v33  }
0x191: {  	s29 =	simm.s32 $0x6;
	v54 =	vadd.s32 v24, v35;
	v33 =	vld [tilespmem:s28+$0xFFFFFF80]  }
0x192: {  	v55 =	vmov s29  }
0x193: {  	v35 =	vshrl.u32 v55, $0x3  }
0x194: {  	v35 =	vshll.u32 v35, v1  }
0x195: {  	v35 =	vbroadcast v35, $0x0  }
0x196: {  	[tilespmem:v54+s21+$0x0] =	vst.idx.msk $0xffff, v33  }
0x197: {  	v56 =	vadd.s32 v25, v35;
	v33 =	vld [tilespmem:s28+$0xFFFFFF90];
	_ =	sdelay $0x4  }
0x198: {  	[tilespmem:v56+s21+$0x0] =	vst.idx.msk $0xffff, v33  }
0x199: {  	v57 =	vadd.s32 v26, v35;
	v33 =	vld [tilespmem:s28+$0xFFFFFFA0];
	_ =	sdelay $0x4  }
0x19a: {  	[tilespmem:v57+s21+$0x0] =	vst.idx.msk $0xffff, v33  }
0x19b: {  	v58 =	vadd.s32 v27, v35;
	v33 =	vld [tilespmem:s28+$0xFFFFFFB0];
	_ =	sdelay $0x4  }
0x19c: {  	[tilespmem:v58+s21+$0x0] =	vst.idx.msk $0xffff, v33  }
0x19d: {  	s29 =	simm.s32 $0x7;
	v59 =	vadd.s32 v28, v35;
	v33 =	vld [tilespmem:s28+$0xFFFFFFC0]  }
0x19e: {  	v60 =	vmov s29  }
0x19f: {  	v35 =	vshrl.u32 v60, $0x3  }
0x1a0: {  	v35 =	vshll.u32 v35, v1  }
0x1a1: {  	v35 =	vbroadcast v35, $0x0  }
0x1a2: {  	[tilespmem:v59+s21+$0x0] =	vst.idx.msk $0xffff, v33  }
0x1a3: {  	v61 =	vadd.s32 v29, v35;
	v33 =	vld [tilespmem:s28+$0xFFFFFFD0];
	_ =	sdelay $0x4  }
0x1a4: {  	[tilespmem:v61+s21+$0x0] =	vst.idx.msk $0xffff, v33  }
0x1a5: {  	v62 =	vadd.s32 v30, v35;
	v33 =	vld [tilespmem:s28+$0xFFFFFFE0];
	_ =	sdelay $0x4  }
0x1a6: {  	[tilespmem:v62+s21+$0x0] =	vst.idx.msk $0xffff, v33  }
0x1a7: {  	v63 =	vadd.s32 v31, v35;
	v33 =	vld [tilespmem:s28+$0xFFFFFFF0];
	_ =	sdelay $0x4  }
0x1a8: {  	[tilespmem:v63+s21+$0x0] =	vst.idx.msk $0xffff, v33  }
0x1a9: {  	s31 =	simm.s32 $0x8;
	s30 =	simm.s32 $0x17;
	s29 =	simm.s32 $0xF;
	v34 =	vadd.s32 v32, v35;
	v33 =	vld [tilespmem:s28+$0x0]  }
.LBB2_7:
0x1aa: {  	p0 =	sne.s32 s30, $0x7F;
	v35 =	vmov s31  }
0x1ab: {  	v35 =	vshrl.u32 v35, $0x3  }
0x1ac: {  	v35 =	vshll.u32 v35, v1  }
0x1ad: {  	v35 =	vbroadcast v35, $0x0  }
0x1ae: {  	s28 =	sadd.s32 $0x200, s28;
	[tilespmem:v34+s21+$0x0] =	vst.idx.msk $0xffff, v33  }
0x1af: {  	v33 =	vld [tilespmem:s28+$0xFFFFFE10];
	v34 =	vadd.s32 v0, v35;
	_ =	sdelay $0x4  }
0x1b0: {  	[tilespmem:v34+s21+$0x0] =	vst.idx.msk $0xffff, v33  }
0x1b1: {  	v34 =	vadd.s32 v2, v35;
	v33 =	vld [tilespmem:s28+$0xFFFFFE20];
	_ =	sdelay $0x4  }
0x1b2: {  	[tilespmem:v34+s21+$0x0] =	vst.idx.msk $0xffff, v33  }
0x1b3: {  	v34 =	vadd.s32 v3, v35;
	v33 =	vld [tilespmem:s28+$0xFFFFFE30];
	_ =	sdelay $0x4  }
0x1b4: {  	[tilespmem:v34+s21+$0x0] =	vst.idx.msk $0xffff, v33  }
0x1b5: {  	s31 =	sadd.s32 $0xFFFFFFFA, s29;
	v34 =	vadd.s32 v4, v35;
	v33 =	vld [tilespmem:s28+$0xFFFFFE40]  }
0x1b6: {  	v35 =	vmov s31  }
0x1b7: {  	v35 =	vshrl.u32 v35, $0x3  }
0x1b8: {  	v35 =	vshll.u32 v35, v1  }
0x1b9: {  	v35 =	vbroadcast v35, $0x0  }
0x1ba: {  	[tilespmem:v34+s21+$0x0] =	vst.idx.msk $0xffff, v33  }
0x1bb: {  	v34 =	vadd.s32 v5, v35;
	v33 =	vld [tilespmem:s28+$0xFFFFFE50];
	_ =	sdelay $0x4  }
0x1bc: {  	[tilespmem:v34+s21+$0x0] =	vst.idx.msk $0xffff, v33  }
0x1bd: {  	v34 =	vadd.s32 v6, v35;
	v33 =	vld [tilespmem:s28+$0xFFFFFE60];
	_ =	sdelay $0x4  }
0x1be: {  	[tilespmem:v34+s21+$0x0] =	vst.idx.msk $0xffff, v33  }
0x1bf: {  	v34 =	vadd.s32 v7, v35;
	v33 =	vld [tilespmem:s28+$0xFFFFFE70];
	_ =	sdelay $0x4  }
0x1c0: {  	[tilespmem:v34+s21+$0x0] =	vst.idx.msk $0xffff, v33  }
0x1c1: {  	s31 =	sadd.s32 $0xFFFFFFFB, s29;
	v34 =	vadd.s32 v8, v35;
	v33 =	vld [tilespmem:s28+$0xFFFFFE80]  }
0x1c2: {  	v35 =	vmov s31  }
0x1c3: {  	v35 =	vshrl.u32 v35, $0x3  }
0x1c4: {  	v35 =	vshll.u32 v35, v1  }
0x1c5: {  	v35 =	vbroadcast v35, $0x0  }
0x1c6: {  	[tilespmem:v34+s21+$0x0] =	vst.idx.msk $0xffff, v33  }
0x1c7: {  	v34 =	vadd.s32 v9, v35;
	v33 =	vld [tilespmem:s28+$0xFFFFFE90];
	_ =	sdelay $0x4  }
0x1c8: {  	[tilespmem:v34+s21+$0x0] =	vst.idx.msk $0xffff, v33  }
0x1c9: {  	v34 =	vadd.s32 v10, v35;
	v33 =	vld [tilespmem:s28+$0xFFFFFEA0];
	_ =	sdelay $0x4  }
0x1ca: {  	[tilespmem:v34+s21+$0x0] =	vst.idx.msk $0xffff, v33  }
0x1cb: {  	v34 =	vadd.s32 v11, v35;
	v33 =	vld [tilespmem:s28+$0xFFFFFEB0];
	_ =	sdelay $0x4  }
0x1cc: {  	[tilespmem:v34+s21+$0x0] =	vst.idx.msk $0xffff, v33  }
0x1cd: {  	s31 =	sadd.s32 $0xFFFFFFFC, s29;
	v34 =	vadd.s32 v12, v35;
	v33 =	vld [tilespmem:s28+$0xFFFFFEC0]  }
0x1ce: {  	v35 =	vmov s31  }
0x1cf: {  	v35 =	vshrl.u32 v35, $0x3  }
0x1d0: {  	v35 =	vshll.u32 v35, v1  }
0x1d1: {  	v35 =	vbroadcast v35, $0x0  }
0x1d2: {  	[tilespmem:v34+s21+$0x0] =	vst.idx.msk $0xffff, v33  }
0x1d3: {  	v34 =	vadd.s32 v13, v35;
	v33 =	vld [tilespmem:s28+$0xFFFFFED0];
	_ =	sdelay $0x4  }
0x1d4: {  	[tilespmem:v34+s21+$0x0] =	vst.idx.msk $0xffff, v33  }
0x1d5: {  	v34 =	vadd.s32 v14, v35;
	v33 =	vld [tilespmem:s28+$0xFFFFFEE0];
	_ =	sdelay $0x4  }
0x1d6: {  	[tilespmem:v34+s21+$0x0] =	vst.idx.msk $0xffff, v33  }
0x1d7: {  	v34 =	vadd.s32 v15, v35;
	v33 =	vld [tilespmem:s28+$0xFFFFFEF0];
	_ =	sdelay $0x4  }
0x1d8: {  	[tilespmem:v34+s21+$0x0] =	vst.idx.msk $0xffff, v33  }
0x1d9: {  	s31 =	sadd.s32 $0xFFFFFFFD, s29;
	v34 =	vadd.s32 v16, v35;
	v33 =	vld [tilespmem:s28+$0xFFFFFF00]  }
0x1da: {  	v35 =	vmov s31  }
0x1db: {  	v35 =	vshrl.u32 v35, $0x3  }
0x1dc: {  	v35 =	vshll.u32 v35, v1  }
0x1dd: {  	v35 =	vbroadcast v35, $0x0  }
0x1de: {  	[tilespmem:v34+s21+$0x0] =	vst.idx.msk $0xffff, v33  }
0x1df: {  	v34 =	vadd.s32 v17, v35;
	v33 =	vld [tilespmem:s28+$0xFFFFFF10];
	_ =	sdelay $0x4  }
0x1e0: {  	[tilespmem:v34+s21+$0x0] =	vst.idx.msk $0xffff, v33  }
0x1e1: {  	v34 =	vadd.s32 v18, v35;
	v33 =	vld [tilespmem:s28+$0xFFFFFF20];
	_ =	sdelay $0x4  }
0x1e2: {  	[tilespmem:v34+s21+$0x0] =	vst.idx.msk $0xffff, v33  }
0x1e3: {  	v34 =	vadd.s32 v19, v35;
	v33 =	vld [tilespmem:s28+$0xFFFFFF30];
	_ =	sdelay $0x4  }
0x1e4: {  	[tilespmem:v34+s21+$0x0] =	vst.idx.msk $0xffff, v33  }
0x1e5: {  	s31 =	sadd.s32 $0xFFFFFFFE, s29;
	v34 =	vadd.s32 v20, v35;
	v33 =	vld [tilespmem:s28+$0xFFFFFF40]  }
0x1e6: {  	v35 =	vmov s31  }
0x1e7: {  	v35 =	vshrl.u32 v35, $0x3  }
0x1e8: {  	v35 =	vshll.u32 v35, v1  }
0x1e9: {  	v35 =	vbroadcast v35, $0x0  }
0x1ea: {  	[tilespmem:v34+s21+$0x0] =	vst.idx.msk $0xffff, v33  }
0x1eb: {  	v34 =	vadd.s32 v21, v35;
	v33 =	vld [tilespmem:s28+$0xFFFFFF50];
	_ =	sdelay $0x4  }
0x1ec: {  	[tilespmem:v34+s21+$0x0] =	vst.idx.msk $0xffff, v33  }
0x1ed: {  	v34 =	vadd.s32 v22, v35;
	v33 =	vld [tilespmem:s28+$0xFFFFFF60];
	_ =	sdelay $0x4  }
0x1ee: {  	[tilespmem:v34+s21+$0x0] =	vst.idx.msk $0xffff, v33  }
0x1ef: {  	v34 =	vadd.s32 v23, v35;
	v33 =	vld [tilespmem:s28+$0xFFFFFF70];
	_ =	sdelay $0x4  }
0x1f0: {  	[tilespmem:v34+s21+$0x0] =	vst.idx.msk $0xffff, v33  }
0x1f1: {  	s31 =	sadd.s32 $0xFFFFFFFF, s29;
	v34 =	vadd.s32 v24, v35;
	v33 =	vld [tilespmem:s28+$0xFFFFFF80]  }
0x1f2: {  	v35 =	vmov s31  }
0x1f3: {  	v35 =	vshrl.u32 v35, $0x3  }
0x1f4: {  	v35 =	vshll.u32 v35, v1  }
0x1f5: {  	v35 =	vbroadcast v35, $0x0  }
0x1f6: {  	[tilespmem:v34+s21+$0x0] =	vst.idx.msk $0xffff, v33  }
0x1f7: {  	v34 =	vadd.s32 v25, v35;
	v33 =	vld [tilespmem:s28+$0xFFFFFF90];
	_ =	sdelay $0x4  }
0x1f8: {  	[tilespmem:v34+s21+$0x0] =	vst.idx.msk $0xffff, v33  }
0x1f9: {  	v34 =	vadd.s32 v26, v35;
	v33 =	vld [tilespmem:s28+$0xFFFFFFA0];
	_ =	sdelay $0x4  }
0x1fa: {  	[tilespmem:v34+s21+$0x0] =	vst.idx.msk $0xffff, v33  }
0x1fb: {  	v34 =	vadd.s32 v27, v35;
	v33 =	vld [tilespmem:s28+$0xFFFFFFB0];
	_ =	sdelay $0x4  }
0x1fc: {  	[tilespmem:v34+s21+$0x0] =	vst.idx.msk $0xffff, v33  }
0x1fd: {  	v34 =	vadd.s32 v28, v35;
	v33 =	vld [tilespmem:s28+$0xFFFFFFC0]  }
0x1fe: {  	v35 =	vmov s29;
	s29 =	smov.u32 s30  }
0x1ff: {  	v35 =	vshrl.u32 v35, $0x3  }
0x200: {  	v35 =	vshll.u32 v35, v1  }
0x201: {  	v35 =	vbroadcast v35, $0x0  }
0x202: {  	[tilespmem:v34+s21+$0x0] =	vst.idx.msk $0xffff, v33  }
0x203: {  	v34 =	vadd.s32 v29, v35;
	v33 =	vld [tilespmem:s28+$0xFFFFFFD0];
	_ =	sdelay $0x4  }
0x204: {  	[tilespmem:v34+s21+$0x0] =	vst.idx.msk $0xffff, v33  }
0x205: {  	v34 =	vadd.s32 v30, v35;
	v33 =	vld [tilespmem:s28+$0xFFFFFFE0];
	_ =	sdelay $0x4  }
0x206: {  	[tilespmem:v34+s21+$0x0] =	vst.idx.msk $0xffff, v33  }
0x207: {  	v34 =	vadd.s32 v31, v35;
	v33 =	vld [tilespmem:s28+$0xFFFFFFF0];
	_ =	sdelay $0x1  }
.Ltmp2:
0x208: {  	(pc) =	sbr.rel @p0 .LBB2_7-.Ltmp2, $3  }
0x209: {  	_ =	sdelay $0x1  }
0x20a: {  	[tilespmem:v34+s21+$0x0] =	vst.idx.msk $0xffff, v33  }
0x20b: {  	s30 =	sadd.s32 $0x8, s30;
	s31 =	sadd.s32 $0xFFFFFFF9, s29;
	v34 =	vadd.s32 v32, v35;
	v33 =	vld [tilespmem:s28+$0x0]  }
0x20c: {  	v35 =	vmov s31  }
0x20d: {  	v35 =	vshrl.u32 v35, $0x3  }
0x20e: {  	v35 =	vshll.u32 v35, v1  }
0x20f: {  	v35 =	vbroadcast v35, $0x0  }
0x210: {  	s28 =	sadd.s32 $0x200, s28;
	[tilespmem:v34+s21+$0x0] =	vst.idx.msk $0xffff, v33  }
0x211: {  	v33 =	vld [tilespmem:s28+$0xFFFFFE10];
	v53 =	vadd.s32 v0, v35;
	_ =	sdelay $0x4  }
0x212: {  	[tilespmem:v53+s21+$0x0] =	vst.idx.msk $0xffff, v33  }
0x213: {  	v54 =	vadd.s32 v2, v35;
	v33 =	vld [tilespmem:s28+$0xFFFFFE20];
	_ =	sdelay $0x4  }
0x214: {  	[tilespmem:v54+s21+$0x0] =	vst.idx.msk $0xffff, v33  }
0x215: {  	v55 =	vadd.s32 v3, v35;
	v33 =	vld [tilespmem:s28+$0xFFFFFE30];
	_ =	sdelay $0x4  }
0x216: {  	[tilespmem:v55+s21+$0x0] =	vst.idx.msk $0xffff, v33  }
0x217: {  	s30 =	sadd.s32 $0xFFFFFFFA, s29;
	v56 =	vadd.s32 v4, v35;
	v33 =	vld [tilespmem:s28+$0xFFFFFE40]  }
0x218: {  	v57 =	vmov s30  }
0x219: {  	v35 =	vshrl.u32 v57, $0x3  }
0x21a: {  	v35 =	vshll.u32 v35, v1  }
0x21b: {  	v35 =	vbroadcast v35, $0x0  }
0x21c: {  	[tilespmem:v56+s21+$0x0] =	vst.idx.msk $0xffff, v33  }
0x21d: {  	v58 =	vadd.s32 v5, v35;
	v33 =	vld [tilespmem:s28+$0xFFFFFE50];
	_ =	sdelay $0x4  }
0x21e: {  	[tilespmem:v58+s21+$0x0] =	vst.idx.msk $0xffff, v33  }
0x21f: {  	v59 =	vadd.s32 v6, v35;
	v33 =	vld [tilespmem:s28+$0xFFFFFE60];
	_ =	sdelay $0x4  }
0x220: {  	[tilespmem:v59+s21+$0x0] =	vst.idx.msk $0xffff, v33  }
0x221: {  	v60 =	vadd.s32 v7, v35;
	v33 =	vld [tilespmem:s28+$0xFFFFFE70];
	_ =	sdelay $0x4  }
0x222: {  	[tilespmem:v60+s21+$0x0] =	vst.idx.msk $0xffff, v33  }
0x223: {  	s31 =	sadd.s32 $0xFFFFFFFB, s29;
	v61 =	vadd.s32 v8, v35;
	v33 =	vld [tilespmem:s28+$0xFFFFFE80]  }
0x224: {  	v62 =	vmov s31  }
0x225: {  	v35 =	vshrl.u32 v62, $0x3  }
0x226: {  	v35 =	vshll.u32 v35, v1  }
0x227: {  	v35 =	vbroadcast v35, $0x0  }
0x228: {  	[tilespmem:v61+s21+$0x0] =	vst.idx.msk $0xffff, v33  }
0x229: {  	v63 =	vadd.s32 v9, v35;
	v33 =	vld [tilespmem:s28+$0xFFFFFE90];
	_ =	sdelay $0x4  }
0x22a: {  	[tilespmem:v63+s21+$0x0] =	vst.idx.msk $0xffff, v33  }
0x22b: {  	v36 =	vadd.s32 v10, v35;
	v33 =	vld [tilespmem:s28+$0xFFFFFEA0];
	_ =	sdelay $0x4  }
0x22c: {  	[tilespmem:v36+s21+$0x0] =	vst.idx.msk $0xffff, v33  }
0x22d: {  	v37 =	vadd.s32 v11, v35;
	v33 =	vld [tilespmem:s28+$0xFFFFFEB0];
	_ =	sdelay $0x4  }
0x22e: {  	[tilespmem:v37+s21+$0x0] =	vst.idx.msk $0xffff, v33  }
0x22f: {  	s31 =	sadd.s32 $0xFFFFFFFC, s29;
	v38 =	vadd.s32 v12, v35;
	v33 =	vld [tilespmem:s28+$0xFFFFFEC0]  }
0x230: {  	v39 =	vmov s31  }
0x231: {  	v35 =	vshrl.u32 v39, $0x3  }
0x232: {  	v35 =	vshll.u32 v35, v1  }
0x233: {  	v35 =	vbroadcast v35, $0x0  }
0x234: {  	[tilespmem:v38+s21+$0x0] =	vst.idx.msk $0xffff, v33  }
0x235: {  	v40 =	vadd.s32 v13, v35;
	v33 =	vld [tilespmem:s28+$0xFFFFFED0];
	_ =	sdelay $0x4  }
0x236: {  	[tilespmem:v40+s21+$0x0] =	vst.idx.msk $0xffff, v33  }
0x237: {  	v41 =	vadd.s32 v14, v35;
	v33 =	vld [tilespmem:s28+$0xFFFFFEE0];
	_ =	sdelay $0x4  }
0x238: {  	[tilespmem:v41+s21+$0x0] =	vst.idx.msk $0xffff, v33  }
0x239: {  	v42 =	vadd.s32 v15, v35;
	v33 =	vld [tilespmem:s28+$0xFFFFFEF0];
	_ =	sdelay $0x4  }
0x23a: {  	[tilespmem:v42+s21+$0x0] =	vst.idx.msk $0xffff, v33  }
0x23b: {  	s31 =	sadd.s32 $0xFFFFFFFD, s29;
	v43 =	vadd.s32 v16, v35;
	v33 =	vld [tilespmem:s28+$0xFFFFFF00]  }
0x23c: {  	v44 =	vmov s31  }
0x23d: {  	v35 =	vshrl.u32 v44, $0x3  }
0x23e: {  	v35 =	vshll.u32 v35, v1  }
0x23f: {  	v35 =	vbroadcast v35, $0x0  }
0x240: {  	[tilespmem:v43+s21+$0x0] =	vst.idx.msk $0xffff, v33  }
0x241: {  	v45 =	vadd.s32 v17, v35;
	v33 =	vld [tilespmem:s28+$0xFFFFFF10];
	_ =	sdelay $0x4  }
0x242: {  	[tilespmem:v45+s21+$0x0] =	vst.idx.msk $0xffff, v33  }
0x243: {  	v46 =	vadd.s32 v18, v35;
	v33 =	vld [tilespmem:s28+$0xFFFFFF20];
	_ =	sdelay $0x4  }
0x244: {  	[tilespmem:v46+s21+$0x0] =	vst.idx.msk $0xffff, v33  }
0x245: {  	v47 =	vadd.s32 v19, v35;
	v33 =	vld [tilespmem:s28+$0xFFFFFF30];
	_ =	sdelay $0x4  }
0x246: {  	[tilespmem:v47+s21+$0x0] =	vst.idx.msk $0xffff, v33  }
0x247: {  	s31 =	sadd.s32 $0xFFFFFFFE, s29;
	v48 =	vadd.s32 v20, v35;
	v33 =	vld [tilespmem:s28+$0xFFFFFF40]  }
0x248: {  	v49 =	vmov s31  }
0x249: {  	v35 =	vshrl.u32 v49, $0x3  }
0x24a: {  	v35 =	vshll.u32 v35, v1  }
0x24b: {  	v35 =	vbroadcast v35, $0x0  }
0x24c: {  	[tilespmem:v48+s21+$0x0] =	vst.idx.msk $0xffff, v33  }
0x24d: {  	v50 =	vadd.s32 v21, v35;
	v33 =	vld [tilespmem:s28+$0xFFFFFF50];
	_ =	sdelay $0x4  }
0x24e: {  	[tilespmem:v50+s21+$0x0] =	vst.idx.msk $0xffff, v33  }
0x24f: {  	v51 =	vadd.s32 v22, v35;
	v33 =	vld [tilespmem:s28+$0xFFFFFF60];
	_ =	sdelay $0x4  }
0x250: {  	[tilespmem:v51+s21+$0x0] =	vst.idx.msk $0xffff, v33  }
0x251: {  	v52 =	vadd.s32 v23, v35;
	v33 =	vld [tilespmem:s28+$0xFFFFFF70];
	_ =	sdelay $0x4  }
0x252: {  	[tilespmem:v52+s21+$0x0] =	vst.idx.msk $0xffff, v33  }
0x253: {  	s31 =	sadd.s32 $0xFFFFFFFF, s29;
	v53 =	vadd.s32 v24, v35;
	v33 =	vld [tilespmem:s28+$0xFFFFFF80]  }
0x254: {  	v54 =	vmov s31  }
0x255: {  	v35 =	vshrl.u32 v54, $0x3  }
0x256: {  	v35 =	vshll.u32 v35, v1  }
0x257: {  	v35 =	vbroadcast v35, $0x0  }
0x258: {  	[tilespmem:v53+s21+$0x0] =	vst.idx.msk $0xffff, v33  }
0x259: {  	v55 =	vadd.s32 v25, v35;
	v33 =	vld [tilespmem:s28+$0xFFFFFF90];
	_ =	sdelay $0x4  }
0x25a: {  	[tilespmem:v55+s21+$0x0] =	vst.idx.msk $0xffff, v33  }
0x25b: {  	v56 =	vadd.s32 v26, v35;
	v33 =	vld [tilespmem:s28+$0xFFFFFFA0];
	_ =	sdelay $0x4  }
0x25c: {  	[tilespmem:v56+s21+$0x0] =	vst.idx.msk $0xffff, v33  }
0x25d: {  	v57 =	vadd.s32 v27, v35;
	v33 =	vld [tilespmem:s28+$0xFFFFFFB0];
	_ =	sdelay $0x4  }
0x25e: {  	[tilespmem:v57+s21+$0x0] =	vst.idx.msk $0xffff, v33  }
0x25f: {  	v58 =	vadd.s32 v28, v35;
	v33 =	vld [tilespmem:s28+$0xFFFFFFC0]  }
0x260: {  	v59 =	vmov s29  }
0x261: {  	v35 =	vshrl.u32 v59, $0x3  }
0x262: {  	v35 =	vshll.u32 v35, v1  }
0x263: {  	v35 =	vbroadcast v35, $0x0  }
0x264: {  	[tilespmem:v58+s21+$0x0] =	vst.idx.msk $0xffff, v33  }
0x265: {  	v60 =	vadd.s32 v29, v35;
	v33 =	vld [tilespmem:s28+$0xFFFFFFD0];
	_ =	sdelay $0x4  }
0x266: {  	[tilespmem:v60+s21+$0x0] =	vst.idx.msk $0xffff, v33  }
0x267: {  	v61 =	vadd.s32 v30, v35;
	v33 =	vld [tilespmem:s28+$0xFFFFFFE0];
	_ =	sdelay $0x4  }
0x268: {  	[tilespmem:v61+s21+$0x0] =	vst.idx.msk $0xffff, v33  }
0x269: {  	v62 =	vadd.s32 v31, v35;
	v33 =	vld [tilespmem:s28+$0xFFFFFFF0];
	_ =	sdelay $0x4  }
0x26a: {  	[tilespmem:v62+s21+$0x0] =	vst.idx.msk $0xffff, v33  }
0x26b: {  	v63 =	vadd.s32 v32, v35;
	v33 =	vld [tilespmem:s28+$0x0];
	_ =	sdelay $0x2  }
0x26c: {  	s26 =	sshll.u32 s26, $0x7  }
0x26d: {  	s26 =	sadd.s32 $0x180, s26  }
0x26e: {  	s26 =	sand.u32 $0x7F80, s26;
	[tilespmem:v63+s21+$0x0] =	vst.idx.msk $0xffff, v33  }
0x26f: {  	[tilespmem:s16], [sflag:$0x2] =	stream.indirect.gather [hbm4b:s5+s14], $0x40, s26, s14, $0xb8;
	[tilespmem:$0xB800] =	vst v63  }
0x270: {  	s25 =	sadd.s32 s25, s7;
	s31 =	simm.s32 $0x9600;
	s26 =	simm.s32 $0x220  }
0x271: {  	[hbm4b:s25+s2] =	stream.linear.scatter [tilespmem:s31], [sflag:$0x4], $0x80, $0x38;
	[tilespmem:$0xB800] =	vst v63  }
.LBB2_9:
0x272: {  	p0 =	sne.s32 s26, $0x85E0  }
.Ltmp3:
0x273: {  	_ = 	snop;
	(pc) =	sbr.rel @p0 .LBB2_9-.Ltmp3, $4  }
0x274: {  	_ = 	snop  }
0x275: {  	s28 =	sshra.s32 s26, $0x2;
	s26 =	sadd.s32 $0x220, s26  }
0x276: {  	s25 =	sadd.s32 $0x800, s25;
	s28 =	sadd.s32 $0x9600, s28  }
0x277: {  	[hbm4b:s25+s2] =	stream.linear.scatter [tilespmem:s28], [sflag:$0x4], $0x80, $0x38;
	[tilespmem:$0xB800] =	vst v63  }
0x278: {  	s24 =	sadd.s32 $0x1, s24  }
0x279: {  	p0 =	sne.s32 s24, $0x33  }
.Ltmp4:
0x27a: {  	_ = 	snop;
	(pc) =	sbr.rel @p0 .LBB2_2-.Ltmp4, $4  }
0x27b: {  	_ = 	snop  }
0x27c: {  	_ =	swait.ge [sflag:s22], $0x2000  }
0x27d: {  	[sflag:s22] =	ssyncset.done $0x0  }
0x27e: {  	[sflag:s22] =	ssyncadd.s32 $0xFFFFE000  }
0x27f: {  	s24 =	simm.s32 $0x0  }
0x280: {  	v33 =	vmov s24  }
0x281: {  	v33 =	vshrl.u32 v33, $0x3  }
0x282: {  	_ =	swait.ge [sflag:s17], $0x2000;
	v33 =	vshll.u32 v33, v1  }
0x283: {  	[sflag:s17] =	ssyncset.done $0x0;
	v33 =	vbroadcast v33, $0x0  }
0x284: {  	s24 =	simm.s32 $0x3500;
	[sflag:s17] =	ssyncadd.s32 $0xFFFFE000  }
0x285: {  	v34 =	vld [tilespmem:s24+$0xFFFFFF00];
	v35 =	vadd.s32 v0, v33;
	_ =	sdelay $0x4  }
0x286: {  	[tilespmem:v35+s18+$0x0] =	vst.idx.msk $0xffff, v34  }
0x287: {  	v56 =	vadd.s32 v2, v33;
	v34 =	vld [tilespmem:s24+$0xFFFFFF10];
	_ =	sdelay $0x4  }
0x288: {  	[tilespmem:v56+s18+$0x0] =	vst.idx.msk $0xffff, v34  }
0x289: {  	v57 =	vadd.s32 v3, v33;
	v34 =	vld [tilespmem:s24+$0xFFFFFF20];
	_ =	sdelay $0x4  }
0x28a: {  	[tilespmem:v57+s18+$0x0] =	vst.idx.msk $0xffff, v34  }
0x28b: {  	s25 =	simm.s32 $0x1;
	v33 =	vadd.s32 v4, v33;
	v34 =	vld [tilespmem:s24+$0xFFFFFF30]  }
0x28c: {  	v58 =	vmov s25  }
0x28d: {  	v35 =	vshrl.u32 v58, $0x3  }
0x28e: {  	v35 =	vshll.u32 v35, v1  }
0x28f: {  	v35 =	vbroadcast v35, $0x0  }
0x290: {  	[tilespmem:v33+s18+$0x0] =	vst.idx.msk $0xffff, v34  }
0x291: {  	v59 =	vadd.s32 v5, v35;
	v33 =	vld [tilespmem:s24+$0xFFFFFF40];
	_ =	sdelay $0x4  }
0x292: {  	[tilespmem:v59+s18+$0x0] =	vst.idx.msk $0xffff, v33  }
0x293: {  	v60 =	vadd.s32 v6, v35;
	v33 =	vld [tilespmem:s24+$0xFFFFFF50];
	_ =	sdelay $0x4  }
0x294: {  	[tilespmem:v60+s18+$0x0] =	vst.idx.msk $0xffff, v33  }
0x295: {  	v61 =	vadd.s32 v7, v35;
	v33 =	vld [tilespmem:s24+$0xFFFFFF60];
	_ =	sdelay $0x4  }
0x296: {  	[tilespmem:v61+s18+$0x0] =	vst.idx.msk $0xffff, v33  }
0x297: {  	s30 =	simm.s32 $0x2;
	v62 =	vadd.s32 v8, v35;
	v33 =	vld [tilespmem:s24+$0xFFFFFF70]  }
0x298: {  	v63 =	vmov s30  }
0x299: {  	v35 =	vshrl.u32 v63, $0x3  }
0x29a: {  	v35 =	vshll.u32 v35, v1  }
0x29b: {  	v35 =	vbroadcast v35, $0x0  }
0x29c: {  	[tilespmem:v62+s18+$0x0] =	vst.idx.msk $0xffff, v33  }
0x29d: {  	v36 =	vadd.s32 v9, v35;
	v33 =	vld [tilespmem:s24+$0xFFFFFF80];
	_ =	sdelay $0x4  }
0x29e: {  	[tilespmem:v36+s18+$0x0] =	vst.idx.msk $0xffff, v33  }
0x29f: {  	v37 =	vadd.s32 v10, v35;
	v33 =	vld [tilespmem:s24+$0xFFFFFF90];
	_ =	sdelay $0x4  }
0x2a0: {  	[tilespmem:v37+s18+$0x0] =	vst.idx.msk $0xffff, v33  }
0x2a1: {  	v38 =	vadd.s32 v11, v35;
	v33 =	vld [tilespmem:s24+$0xFFFFFFA0];
	_ =	sdelay $0x4  }
0x2a2: {  	[tilespmem:v38+s18+$0x0] =	vst.idx.msk $0xffff, v33  }
0x2a3: {  	s31 =	simm.s32 $0x3;
	v39 =	vadd.s32 v12, v35;
	v33 =	vld [tilespmem:s24+$0xFFFFFFB0]  }
0x2a4: {  	v40 =	vmov s31  }
0x2a5: {  	v35 =	vshrl.u32 v40, $0x3  }
0x2a6: {  	v35 =	vshll.u32 v35, v1  }
0x2a7: {  	v35 =	vbroadcast v35, $0x0  }
0x2a8: {  	[tilespmem:v39+s18+$0x0] =	vst.idx.msk $0xffff, v33  }
0x2a9: {  	v41 =	vadd.s32 v13, v35;
	v33 =	vld [tilespmem:s24+$0xFFFFFFC0];
	_ =	sdelay $0x4  }
0x2aa: {  	[tilespmem:v41+s18+$0x0] =	vst.idx.msk $0xffff, v33  }
0x2ab: {  	v42 =	vadd.s32 v14, v35;
	v33 =	vld [tilespmem:s24+$0xFFFFFFD0];
	_ =	sdelay $0x4  }
0x2ac: {  	[tilespmem:v42+s18+$0x0] =	vst.idx.msk $0xffff, v33  }
0x2ad: {  	v43 =	vadd.s32 v15, v35;
	v33 =	vld [tilespmem:s24+$0xFFFFFFE0];
	_ =	sdelay $0x4  }
0x2ae: {  	[tilespmem:v43+s18+$0x0] =	vst.idx.msk $0xffff, v33  }
0x2af: {  	s26 =	simm.s32 $0x4;
	v44 =	vadd.s32 v16, v35;
	v33 =	vld [tilespmem:s24+$0xFFFFFFF0]  }
0x2b0: {  	v45 =	vmov s26  }
0x2b1: {  	v35 =	vshrl.u32 v45, $0x3  }
0x2b2: {  	v35 =	vshll.u32 v35, v1  }
0x2b3: {  	v35 =	vbroadcast v35, $0x0  }
0x2b4: {  	[tilespmem:v44+s18+$0x0] =	vst.idx.msk $0xffff, v33  }
0x2b5: {  	v46 =	vadd.s32 v17, v35;
	v33 =	vld [tilespmem:s24+$0x0];
	_ =	sdelay $0x4  }
0x2b6: {  	[tilespmem:v46+s18+$0x0] =	vst.idx.msk $0xffff, v33  }
0x2b7: {  	v47 =	vadd.s32 v18, v35;
	v33 =	vld [tilespmem:s24+$0x10];
	_ =	sdelay $0x4  }
0x2b8: {  	[tilespmem:v47+s18+$0x0] =	vst.idx.msk $0xffff, v33  }
0x2b9: {  	v48 =	vadd.s32 v19, v35;
	v33 =	vld [tilespmem:s24+$0x20];
	_ =	sdelay $0x4  }
0x2ba: {  	[tilespmem:v48+s18+$0x0] =	vst.idx.msk $0xffff, v33  }
0x2bb: {  	s29 =	simm.s32 $0x5;
	v49 =	vadd.s32 v20, v35;
	v33 =	vld [tilespmem:s24+$0x30]  }
0x2bc: {  	v50 =	vmov s29  }
0x2bd: {  	v35 =	vshrl.u32 v50, $0x3  }
0x2be: {  	v35 =	vshll.u32 v35, v1  }
0x2bf: {  	v35 =	vbroadcast v35, $0x0  }
0x2c0: {  	[tilespmem:v49+s18+$0x0] =	vst.idx.msk $0xffff, v33  }
0x2c1: {  	v51 =	vadd.s32 v21, v35;
	v33 =	vld [tilespmem:s24+$0x40];
	_ =	sdelay $0x4  }
0x2c2: {  	[tilespmem:v51+s18+$0x0] =	vst.idx.msk $0xffff, v33  }
0x2c3: {  	v52 =	vadd.s32 v22, v35;
	v33 =	vld [tilespmem:s24+$0x50];
	_ =	sdelay $0x4  }
0x2c4: {  	[tilespmem:v52+s18+$0x0] =	vst.idx.msk $0xffff, v33  }
0x2c5: {  	v53 =	vadd.s32 v23, v35;
	v33 =	vld [tilespmem:s24+$0x60];
	_ =	sdelay $0x4  }
0x2c6: {  	[tilespmem:v53+s18+$0x0] =	vst.idx.msk $0xffff, v33  }
0x2c7: {  	s30 =	simm.s32 $0x6;
	v54 =	vadd.s32 v24, v35;
	v33 =	vld [tilespmem:s24+$0x70]  }
0x2c8: {  	v55 =	vmov s30  }
0x2c9: {  	v35 =	vshrl.u32 v55, $0x3  }
0x2ca: {  	v35 =	vshll.u32 v35, v1  }
0x2cb: {  	v35 =	vbroadcast v35, $0x0  }
0x2cc: {  	[tilespmem:v54+s18+$0x0] =	vst.idx.msk $0xffff, v33  }
0x2cd: {  	v56 =	vadd.s32 v25, v35;
	v33 =	vld [tilespmem:s24+$0x80];
	_ =	sdelay $0x4  }
0x2ce: {  	[tilespmem:v56+s18+$0x0] =	vst.idx.msk $0xffff, v33  }
0x2cf: {  	v57 =	vadd.s32 v26, v35;
	v33 =	vld [tilespmem:s24+$0x90];
	_ =	sdelay $0x4  }
0x2d0: {  	[tilespmem:v57+s18+$0x0] =	vst.idx.msk $0xffff, v33  }
0x2d1: {  	v58 =	vadd.s32 v27, v35;
	v33 =	vld [tilespmem:s24+$0xA0];
	_ =	sdelay $0x4  }
0x2d2: {  	[tilespmem:v58+s18+$0x0] =	vst.idx.msk $0xffff, v33  }
0x2d3: {  	s31 =	simm.s32 $0x7;
	v59 =	vadd.s32 v28, v35;
	v33 =	vld [tilespmem:s24+$0xB0]  }
0x2d4: {  	v60 =	vmov s31  }
0x2d5: {  	v35 =	vshrl.u32 v60, $0x3  }
0x2d6: {  	v35 =	vshll.u32 v35, v1  }
0x2d7: {  	v35 =	vbroadcast v35, $0x0  }
0x2d8: {  	[tilespmem:v59+s18+$0x0] =	vst.idx.msk $0xffff, v33  }
0x2d9: {  	v61 =	vadd.s32 v29, v35;
	v33 =	vld [tilespmem:s24+$0xC0];
	_ =	sdelay $0x4  }
0x2da: {  	[tilespmem:v61+s18+$0x0] =	vst.idx.msk $0xffff, v33  }
0x2db: {  	v62 =	vadd.s32 v30, v35;
	v33 =	vld [tilespmem:s24+$0xD0];
	_ =	sdelay $0x4  }
0x2dc: {  	[tilespmem:v62+s18+$0x0] =	vst.idx.msk $0xffff, v33  }
0x2dd: {  	v63 =	vadd.s32 v31, v35;
	v33 =	vld [tilespmem:s24+$0xE0];
	_ =	sdelay $0x4  }
0x2de: {  	[tilespmem:v63+s18+$0x0] =	vst.idx.msk $0xffff, v33  }
0x2df: {  	s28 =	simm.s32 $0x8;
	s25 =	simm.s32 $0xF;
	s26 =	simm.s32 $0x17;
	v34 =	vadd.s32 v32, v35;
	v33 =	vld [tilespmem:s24+$0xF0]  }
.LBB2_12:
0x2e0: {  	p0 =	sne.s32 s26, $0x7F;
	v35 =	vmov s28  }
0x2e1: {  	v35 =	vshrl.u32 v35, $0x3  }
0x2e2: {  	v35 =	vshll.u32 v35, v1  }
0x2e3: {  	v35 =	vbroadcast v35, $0x0  }
0x2e4: {  	s24 =	sadd.s32 $0x200, s24;
	[tilespmem:v34+s18+$0x0] =	vst.idx.msk $0xffff, v33  }
0x2e5: {  	v33 =	vld [tilespmem:s24+$0xFFFFFF00];
	v34 =	vadd.s32 v0, v35;
	_ =	sdelay $0x4  }
0x2e6: {  	[tilespmem:v34+s18+$0x0] =	vst.idx.msk $0xffff, v33  }
0x2e7: {  	v34 =	vadd.s32 v2, v35;
	v33 =	vld [tilespmem:s24+$0xFFFFFF10];
	_ =	sdelay $0x4  }
0x2e8: {  	[tilespmem:v34+s18+$0x0] =	vst.idx.msk $0xffff, v33  }
0x2e9: {  	v34 =	vadd.s32 v3, v35;
	v33 =	vld [tilespmem:s24+$0xFFFFFF20];
	_ =	sdelay $0x4  }
0x2ea: {  	[tilespmem:v34+s18+$0x0] =	vst.idx.msk $0xffff, v33  }
0x2eb: {  	s28 =	sadd.s32 $0xFFFFFFFA, s25;
	v34 =	vadd.s32 v4, v35;
	v33 =	vld [tilespmem:s24+$0xFFFFFF30]  }
0x2ec: {  	v35 =	vmov s28  }
0x2ed: {  	v35 =	vshrl.u32 v35, $0x3  }
0x2ee: {  	v35 =	vshll.u32 v35, v1  }
0x2ef: {  	v35 =	vbroadcast v35, $0x0  }
0x2f0: {  	[tilespmem:v34+s18+$0x0] =	vst.idx.msk $0xffff, v33  }
0x2f1: {  	v34 =	vadd.s32 v5, v35;
	v33 =	vld [tilespmem:s24+$0xFFFFFF40];
	_ =	sdelay $0x4  }
0x2f2: {  	[tilespmem:v34+s18+$0x0] =	vst.idx.msk $0xffff, v33  }
0x2f3: {  	v34 =	vadd.s32 v6, v35;
	v33 =	vld [tilespmem:s24+$0xFFFFFF50];
	_ =	sdelay $0x4  }
0x2f4: {  	[tilespmem:v34+s18+$0x0] =	vst.idx.msk $0xffff, v33  }
0x2f5: {  	v34 =	vadd.s32 v7, v35;
	v33 =	vld [tilespmem:s24+$0xFFFFFF60];
	_ =	sdelay $0x4  }
0x2f6: {  	[tilespmem:v34+s18+$0x0] =	vst.idx.msk $0xffff, v33  }
0x2f7: {  	s28 =	sadd.s32 $0xFFFFFFFB, s25;
	v34 =	vadd.s32 v8, v35;
	v33 =	vld [tilespmem:s24+$0xFFFFFF70]  }
0x2f8: {  	v35 =	vmov s28  }
0x2f9: {  	v35 =	vshrl.u32 v35, $0x3  }
0x2fa: {  	v35 =	vshll.u32 v35, v1  }
0x2fb: {  	v35 =	vbroadcast v35, $0x0  }
0x2fc: {  	[tilespmem:v34+s18+$0x0] =	vst.idx.msk $0xffff, v33  }
0x2fd: {  	v34 =	vadd.s32 v9, v35;
	v33 =	vld [tilespmem:s24+$0xFFFFFF80];
	_ =	sdelay $0x4  }
0x2fe: {  	[tilespmem:v34+s18+$0x0] =	vst.idx.msk $0xffff, v33  }
0x2ff: {  	v34 =	vadd.s32 v10, v35;
	v33 =	vld [tilespmem:s24+$0xFFFFFF90];
	_ =	sdelay $0x4  }
0x300: {  	[tilespmem:v34+s18+$0x0] =	vst.idx.msk $0xffff, v33  }
0x301: {  	v34 =	vadd.s32 v11, v35;
	v33 =	vld [tilespmem:s24+$0xFFFFFFA0];
	_ =	sdelay $0x4  }
0x302: {  	[tilespmem:v34+s18+$0x0] =	vst.idx.msk $0xffff, v33  }
0x303: {  	s28 =	sadd.s32 $0xFFFFFFFC, s25;
	v34 =	vadd.s32 v12, v35;
	v33 =	vld [tilespmem:s24+$0xFFFFFFB0]  }
0x304: {  	v35 =	vmov s28  }
0x305: {  	v35 =	vshrl.u32 v35, $0x3  }
0x306: {  	v35 =	vshll.u32 v35, v1  }
0x307: {  	v35 =	vbroadcast v35, $0x0  }
0x308: {  	[tilespmem:v34+s18+$0x0] =	vst.idx.msk $0xffff, v33  }
0x309: {  	v34 =	vadd.s32 v13, v35;
	v33 =	vld [tilespmem:s24+$0xFFFFFFC0];
	_ =	sdelay $0x4  }
0x30a: {  	[tilespmem:v34+s18+$0x0] =	vst.idx.msk $0xffff, v33  }
0x30b: {  	v34 =	vadd.s32 v14, v35;
	v33 =	vld [tilespmem:s24+$0xFFFFFFD0];
	_ =	sdelay $0x4  }
0x30c: {  	[tilespmem:v34+s18+$0x0] =	vst.idx.msk $0xffff, v33  }
0x30d: {  	v34 =	vadd.s32 v15, v35;
	v33 =	vld [tilespmem:s24+$0xFFFFFFE0];
	_ =	sdelay $0x4  }
0x30e: {  	[tilespmem:v34+s18+$0x0] =	vst.idx.msk $0xffff, v33  }
0x30f: {  	s28 =	sadd.s32 $0xFFFFFFFD, s25;
	v34 =	vadd.s32 v16, v35;
	v33 =	vld [tilespmem:s24+$0xFFFFFFF0]  }
0x310: {  	v35 =	vmov s28  }
0x311: {  	v35 =	vshrl.u32 v35, $0x3  }
0x312: {  	v35 =	vshll.u32 v35, v1  }
0x313: {  	v35 =	vbroadcast v35, $0x0  }
0x314: {  	[tilespmem:v34+s18+$0x0] =	vst.idx.msk $0xffff, v33  }
0x315: {  	v34 =	vadd.s32 v17, v35;
	v33 =	vld [tilespmem:s24+$0x0];
	_ =	sdelay $0x4  }
0x316: {  	[tilespmem:v34+s18+$0x0] =	vst.idx.msk $0xffff, v33  }
0x317: {  	v34 =	vadd.s32 v18, v35;
	v33 =	vld [tilespmem:s24+$0x10];
	_ =	sdelay $0x4  }
0x318: {  	[tilespmem:v34+s18+$0x0] =	vst.idx.msk $0xffff, v33  }
0x319: {  	v34 =	vadd.s32 v19, v35;
	v33 =	vld [tilespmem:s24+$0x20];
	_ =	sdelay $0x4  }
0x31a: {  	[tilespmem:v34+s18+$0x0] =	vst.idx.msk $0xffff, v33  }
0x31b: {  	s28 =	sadd.s32 $0xFFFFFFFE, s25;
	v34 =	vadd.s32 v20, v35;
	v33 =	vld [tilespmem:s24+$0x30]  }
0x31c: {  	v35 =	vmov s28  }
0x31d: {  	v35 =	vshrl.u32 v35, $0x3  }
0x31e: {  	v35 =	vshll.u32 v35, v1  }
0x31f: {  	v35 =	vbroadcast v35, $0x0  }
0x320: {  	[tilespmem:v34+s18+$0x0] =	vst.idx.msk $0xffff, v33  }
0x321: {  	v34 =	vadd.s32 v21, v35;
	v33 =	vld [tilespmem:s24+$0x40];
	_ =	sdelay $0x4  }
0x322: {  	[tilespmem:v34+s18+$0x0] =	vst.idx.msk $0xffff, v33  }
0x323: {  	v34 =	vadd.s32 v22, v35;
	v33 =	vld [tilespmem:s24+$0x50];
	_ =	sdelay $0x4  }
0x324: {  	[tilespmem:v34+s18+$0x0] =	vst.idx.msk $0xffff, v33  }
0x325: {  	v34 =	vadd.s32 v23, v35;
	v33 =	vld [tilespmem:s24+$0x60];
	_ =	sdelay $0x4  }
0x326: {  	[tilespmem:v34+s18+$0x0] =	vst.idx.msk $0xffff, v33  }
0x327: {  	s28 =	sadd.s32 $0xFFFFFFFF, s25;
	v34 =	vadd.s32 v24, v35;
	v33 =	vld [tilespmem:s24+$0x70]  }
0x328: {  	v35 =	vmov s28  }
0x329: {  	v35 =	vshrl.u32 v35, $0x3  }
0x32a: {  	v35 =	vshll.u32 v35, v1  }
0x32b: {  	v35 =	vbroadcast v35, $0x0  }
0x32c: {  	[tilespmem:v34+s18+$0x0] =	vst.idx.msk $0xffff, v33  }
0x32d: {  	v34 =	vadd.s32 v25, v35;
	v33 =	vld [tilespmem:s24+$0x80];
	_ =	sdelay $0x4  }
0x32e: {  	[tilespmem:v34+s18+$0x0] =	vst.idx.msk $0xffff, v33  }
0x32f: {  	v34 =	vadd.s32 v26, v35;
	v33 =	vld [tilespmem:s24+$0x90];
	_ =	sdelay $0x4  }
0x330: {  	[tilespmem:v34+s18+$0x0] =	vst.idx.msk $0xffff, v33  }
0x331: {  	v34 =	vadd.s32 v27, v35;
	v33 =	vld [tilespmem:s24+$0xA0];
	_ =	sdelay $0x4  }
0x332: {  	[tilespmem:v34+s18+$0x0] =	vst.idx.msk $0xffff, v33  }
0x333: {  	v34 =	vadd.s32 v28, v35;
	v33 =	vld [tilespmem:s24+$0xB0]  }
0x334: {  	v35 =	vmov s25;
	s25 =	smov.u32 s26  }
0x335: {  	v35 =	vshrl.u32 v35, $0x3  }
0x336: {  	v35 =	vshll.u32 v35, v1  }
0x337: {  	v35 =	vbroadcast v35, $0x0  }
0x338: {  	[tilespmem:v34+s18+$0x0] =	vst.idx.msk $0xffff, v33  }
0x339: {  	v34 =	vadd.s32 v29, v35;
	v33 =	vld [tilespmem:s24+$0xC0];
	_ =	sdelay $0x4  }
0x33a: {  	[tilespmem:v34+s18+$0x0] =	vst.idx.msk $0xffff, v33  }
0x33b: {  	v34 =	vadd.s32 v30, v35;
	v33 =	vld [tilespmem:s24+$0xD0];
	_ =	sdelay $0x4  }
0x33c: {  	[tilespmem:v34+s18+$0x0] =	vst.idx.msk $0xffff, v33  }
0x33d: {  	v34 =	vadd.s32 v31, v35;
	v33 =	vld [tilespmem:s24+$0xE0];
	_ =	sdelay $0x1  }
.Ltmp5:
0x33e: {  	(pc) =	sbr.rel @p0 .LBB2_12-.Ltmp5, $3  }
0x33f: {  	_ =	sdelay $0x1  }
0x340: {  	[tilespmem:v34+s18+$0x0] =	vst.idx.msk $0xffff, v33  }
0x341: {  	s26 =	sadd.s32 $0x8, s26;
	s28 =	sadd.s32 $0xFFFFFFF9, s25;
	v34 =	vadd.s32 v32, v35;
	v33 =	vld [tilespmem:s24+$0xF0]  }
0x342: {  	v35 =	vmov s28  }
0x343: {  	v35 =	vshrl.u32 v35, $0x3  }
0x344: {  	v35 =	vshll.u32 v35, v1  }
0x345: {  	v35 =	vbroadcast v35, $0x0  }
0x346: {  	s24 =	sadd.s32 $0x200, s24;
	[tilespmem:v34+s18+$0x0] =	vst.idx.msk $0xffff, v33  }
0x347: {  	v33 =	vld [tilespmem:s24+$0xFFFFFF00];
	v53 =	vadd.s32 v0, v35;
	_ =	sdelay $0x4  }
0x348: {  	[tilespmem:v53+s18+$0x0] =	vst.idx.msk $0xffff, v33  }
0x349: {  	v54 =	vadd.s32 v2, v35;
	v33 =	vld [tilespmem:s24+$0xFFFFFF10];
	_ =	sdelay $0x4  }
0x34a: {  	[tilespmem:v54+s18+$0x0] =	vst.idx.msk $0xffff, v33  }
0x34b: {  	v55 =	vadd.s32 v3, v35;
	v33 =	vld [tilespmem:s24+$0xFFFFFF20];
	_ =	sdelay $0x4  }
0x34c: {  	[tilespmem:v55+s18+$0x0] =	vst.idx.msk $0xffff, v33  }
0x34d: {  	s26 =	sadd.s32 $0xFFFFFFFA, s25;
	v56 =	vadd.s32 v4, v35;
	v33 =	vld [tilespmem:s24+$0xFFFFFF30]  }
0x34e: {  	v57 =	vmov s26  }
0x34f: {  	v35 =	vshrl.u32 v57, $0x3  }
0x350: {  	v35 =	vshll.u32 v35, v1  }
0x351: {  	v35 =	vbroadcast v35, $0x0  }
0x352: {  	[tilespmem:v56+s18+$0x0] =	vst.idx.msk $0xffff, v33  }
0x353: {  	v58 =	vadd.s32 v5, v35;
	v33 =	vld [tilespmem:s24+$0xFFFFFF40];
	_ =	sdelay $0x4  }
0x354: {  	[tilespmem:v58+s18+$0x0] =	vst.idx.msk $0xffff, v33  }
0x355: {  	v59 =	vadd.s32 v6, v35;
	v33 =	vld [tilespmem:s24+$0xFFFFFF50];
	_ =	sdelay $0x4  }
0x356: {  	[tilespmem:v59+s18+$0x0] =	vst.idx.msk $0xffff, v33  }
0x357: {  	v60 =	vadd.s32 v7, v35;
	v33 =	vld [tilespmem:s24+$0xFFFFFF60];
	_ =	sdelay $0x4  }
0x358: {  	[tilespmem:v60+s18+$0x0] =	vst.idx.msk $0xffff, v33  }
0x359: {  	s30 =	sadd.s32 $0xFFFFFFFB, s25;
	v61 =	vadd.s32 v8, v35;
	v33 =	vld [tilespmem:s24+$0xFFFFFF70]  }
0x35a: {  	v62 =	vmov s30  }
0x35b: {  	v35 =	vshrl.u32 v62, $0x3  }
0x35c: {  	v35 =	vshll.u32 v35, v1  }
0x35d: {  	v35 =	vbroadcast v35, $0x0  }
0x35e: {  	[tilespmem:v61+s18+$0x0] =	vst.idx.msk $0xffff, v33  }
0x35f: {  	v63 =	vadd.s32 v9, v35;
	v33 =	vld [tilespmem:s24+$0xFFFFFF80];
	_ =	sdelay $0x4  }
0x360: {  	[tilespmem:v63+s18+$0x0] =	vst.idx.msk $0xffff, v33  }
0x361: {  	v36 =	vadd.s32 v10, v35;
	v33 =	vld [tilespmem:s24+$0xFFFFFF90];
	_ =	sdelay $0x4  }
0x362: {  	[tilespmem:v36+s18+$0x0] =	vst.idx.msk $0xffff, v33  }
0x363: {  	v37 =	vadd.s32 v11, v35;
	v33 =	vld [tilespmem:s24+$0xFFFFFFA0];
	_ =	sdelay $0x4  }
0x364: {  	[tilespmem:v37+s18+$0x0] =	vst.idx.msk $0xffff, v33  }
0x365: {  	s31 =	sadd.s32 $0xFFFFFFFC, s25;
	v38 =	vadd.s32 v12, v35;
	v33 =	vld [tilespmem:s24+$0xFFFFFFB0]  }
0x366: {  	v39 =	vmov s31  }
0x367: {  	v35 =	vshrl.u32 v39, $0x3  }
0x368: {  	v35 =	vshll.u32 v35, v1  }
0x369: {  	v35 =	vbroadcast v35, $0x0  }
0x36a: {  	[tilespmem:v38+s18+$0x0] =	vst.idx.msk $0xffff, v33  }
0x36b: {  	v40 =	vadd.s32 v13, v35;
	v33 =	vld [tilespmem:s24+$0xFFFFFFC0];
	_ =	sdelay $0x4  }
0x36c: {  	[tilespmem:v40+s18+$0x0] =	vst.idx.msk $0xffff, v33  }
0x36d: {  	v41 =	vadd.s32 v14, v35;
	v33 =	vld [tilespmem:s24+$0xFFFFFFD0];
	_ =	sdelay $0x4  }
0x36e: {  	[tilespmem:v41+s18+$0x0] =	vst.idx.msk $0xffff, v33  }
0x36f: {  	v42 =	vadd.s32 v15, v35;
	v33 =	vld [tilespmem:s24+$0xFFFFFFE0];
	_ =	sdelay $0x4  }
0x370: {  	[tilespmem:v42+s18+$0x0] =	vst.idx.msk $0xffff, v33  }
0x371: {  	s28 =	sadd.s32 $0xFFFFFFFD, s25;
	v43 =	vadd.s32 v16, v35;
	v33 =	vld [tilespmem:s24+$0xFFFFFFF0]  }
0x372: {  	v44 =	vmov s28  }
0x373: {  	v35 =	vshrl.u32 v44, $0x3  }
0x374: {  	v35 =	vshll.u32 v35, v1  }
0x375: {  	v35 =	vbroadcast v35, $0x0  }
0x376: {  	[tilespmem:v43+s18+$0x0] =	vst.idx.msk $0xffff, v33  }
0x377: {  	v45 =	vadd.s32 v17, v35;
	v33 =	vld [tilespmem:s24+$0x0];
	_ =	sdelay $0x4  }
0x378: {  	[tilespmem:v45+s18+$0x0] =	vst.idx.msk $0xffff, v33  }
0x379: {  	v46 =	vadd.s32 v18, v35;
	v33 =	vld [tilespmem:s24+$0x10];
	_ =	sdelay $0x4  }
0x37a: {  	[tilespmem:v46+s18+$0x0] =	vst.idx.msk $0xffff, v33  }
0x37b: {  	v47 =	vadd.s32 v19, v35;
	v33 =	vld [tilespmem:s24+$0x20];
	_ =	sdelay $0x4  }
0x37c: {  	[tilespmem:v47+s18+$0x0] =	vst.idx.msk $0xffff, v33  }
0x37d: {  	s29 =	sadd.s32 $0xFFFFFFFE, s25;
	v48 =	vadd.s32 v20, v35;
	v33 =	vld [tilespmem:s24+$0x30]  }
0x37e: {  	v49 =	vmov s29  }
0x37f: {  	v35 =	vshrl.u32 v49, $0x3  }
0x380: {  	v35 =	vshll.u32 v35, v1  }
0x381: {  	v35 =	vbroadcast v35, $0x0  }
0x382: {  	[tilespmem:v48+s18+$0x0] =	vst.idx.msk $0xffff, v33  }
0x383: {  	v50 =	vadd.s32 v21, v35;
	v33 =	vld [tilespmem:s24+$0x40];
	_ =	sdelay $0x4  }
0x384: {  	[tilespmem:v50+s18+$0x0] =	vst.idx.msk $0xffff, v33  }
0x385: {  	v51 =	vadd.s32 v22, v35;
	v33 =	vld [tilespmem:s24+$0x50];
	_ =	sdelay $0x4  }
0x386: {  	[tilespmem:v51+s18+$0x0] =	vst.idx.msk $0xffff, v33  }
0x387: {  	v52 =	vadd.s32 v23, v35;
	v33 =	vld [tilespmem:s24+$0x60];
	_ =	sdelay $0x4  }
0x388: {  	[tilespmem:v52+s18+$0x0] =	vst.idx.msk $0xffff, v33  }
0x389: {  	s30 =	sadd.s32 $0xFFFFFFFF, s25;
	v53 =	vadd.s32 v24, v35;
	v33 =	vld [tilespmem:s24+$0x70]  }
0x38a: {  	v54 =	vmov s30  }
0x38b: {  	v35 =	vshrl.u32 v54, $0x3  }
0x38c: {  	v35 =	vshll.u32 v35, v1  }
0x38d: {  	v35 =	vbroadcast v35, $0x0  }
0x38e: {  	[tilespmem:v53+s18+$0x0] =	vst.idx.msk $0xffff, v33  }
0x38f: {  	v55 =	vadd.s32 v25, v35;
	v33 =	vld [tilespmem:s24+$0x80];
	_ =	sdelay $0x4  }
0x390: {  	[tilespmem:v55+s18+$0x0] =	vst.idx.msk $0xffff, v33  }
0x391: {  	v56 =	vadd.s32 v26, v35;
	v33 =	vld [tilespmem:s24+$0x90];
	_ =	sdelay $0x4  }
0x392: {  	[tilespmem:v56+s18+$0x0] =	vst.idx.msk $0xffff, v33  }
0x393: {  	v57 =	vadd.s32 v27, v35;
	v33 =	vld [tilespmem:s24+$0xA0];
	_ =	sdelay $0x4  }
0x394: {  	[tilespmem:v57+s18+$0x0] =	vst.idx.msk $0xffff, v33  }
0x395: {  	v58 =	vadd.s32 v28, v35;
	v33 =	vld [tilespmem:s24+$0xB0]  }
0x396: {  	v59 =	vmov s25  }
0x397: {  	v35 =	vshrl.u32 v59, $0x3  }
0x398: {  	v35 =	vshll.u32 v35, v1  }
0x399: {  	v35 =	vbroadcast v35, $0x0  }
0x39a: {  	[tilespmem:v58+s18+$0x0] =	vst.idx.msk $0xffff, v33  }
0x39b: {  	v60 =	vadd.s32 v29, v35;
	v33 =	vld [tilespmem:s24+$0xC0];
	_ =	sdelay $0x4  }
0x39c: {  	[tilespmem:v60+s18+$0x0] =	vst.idx.msk $0xffff, v33  }
0x39d: {  	v61 =	vadd.s32 v30, v35;
	v33 =	vld [tilespmem:s24+$0xD0];
	_ =	sdelay $0x4  }
0x39e: {  	[tilespmem:v61+s18+$0x0] =	vst.idx.msk $0xffff, v33  }
0x39f: {  	v62 =	vadd.s32 v31, v35;
	v33 =	vld [tilespmem:s24+$0xE0];
	_ =	sdelay $0x4  }
0x3a0: {  	[tilespmem:v62+s18+$0x0] =	vst.idx.msk $0xffff, v33  }
0x3a1: {  	v63 =	vadd.s32 v32, v35;
	v33 =	vld [tilespmem:s24+$0xF0];
	_ =	sdelay $0x4  }
0x3a2: {  	s31 =	simm.s32 $0x7400;
	s25 =	smov.u32 s8;
	s24 =	simm.s32 $0x220;
	[tilespmem:v63+s18+$0x0] =	vst.idx.msk $0xffff, v33  }
0x3a3: {  	[hbm4b:s8+s2] =	stream.linear.scatter [tilespmem:s31], [sflag:$0x3], $0x80, $0x38;
	[tilespmem:$0xB800] =	vst v63  }
.LBB2_14:
0x3a4: {  	p0 =	sne.s32 s24, $0x85E0  }
.Ltmp6:
0x3a5: {  	_ = 	snop;
	(pc) =	sbr.rel @p0 .LBB2_14-.Ltmp6, $4  }
0x3a6: {  	_ = 	snop  }
0x3a7: {  	s26 =	sshra.s32 s24, $0x2;
	s24 =	sadd.s32 $0x220, s24  }
0x3a8: {  	s25 =	sadd.s32 $0x800, s25;
	s26 =	sadd.s32 $0x7400, s26  }
0x3a9: {  	[hbm4b:s25+s2] =	stream.linear.scatter [tilespmem:s26], [sflag:$0x3], $0x80, $0x38;
	[tilespmem:$0xB800] =	vst v63  }
0x3aa: {  	_ =	swait.ge [sflag:s19], $0x2000;
	s24 =	simm.s32 $0x0  }
0x3ab: {  	[sflag:s19] =	ssyncset.done $0x0;
	v33 =	vmov s24  }
0x3ac: {  	[sflag:s19] =	ssyncadd.s32 $0xFFFFE000;
	v33 =	vshrl.u32 v33, $0x3  }
0x3ad: {  	_ =	swait.ge [sflag:s20], $0x2000;
	v33 =	vshll.u32 v33, v1  }
0x3ae: {  	[sflag:s20] =	ssyncset.done $0x0;
	v33 =	vbroadcast v33, $0x0  }
0x3af: {  	s24 =	simm.s32 $0x55F0;
	[sflag:s20] =	ssyncadd.s32 $0xFFFFE000  }
0x3b0: {  	v34 =	vld [tilespmem:s24+$0xFFFFFE10];
	v35 =	vadd.s32 v0, v33;
	_ =	sdelay $0x4  }
0x3b1: {  	[tilespmem:v35+s21+$0x0] =	vst.idx.msk $0xffff, v34  }
0x3b2: {  	v56 =	vadd.s32 v2, v33;
	v34 =	vld [tilespmem:s24+$0xFFFFFE20];
	_ =	sdelay $0x4  }
0x3b3: {  	[tilespmem:v56+s21+$0x0] =	vst.idx.msk $0xffff, v34  }
0x3b4: {  	v57 =	vadd.s32 v3, v33;
	v34 =	vld [tilespmem:s24+$0xFFFFFE30];
	_ =	sdelay $0x4  }
0x3b5: {  	[tilespmem:v57+s21+$0x0] =	vst.idx.msk $0xffff, v34  }
0x3b6: {  	s25 =	simm.s32 $0x1;
	v33 =	vadd.s32 v4, v33;
	v34 =	vld [tilespmem:s24+$0xFFFFFE40]  }
0x3b7: {  	v58 =	vmov s25  }
0x3b8: {  	v35 =	vshrl.u32 v58, $0x3  }
0x3b9: {  	v35 =	vshll.u32 v35, v1  }
0x3ba: {  	v35 =	vbroadcast v35, $0x0  }
0x3bb: {  	[tilespmem:v33+s21+$0x0] =	vst.idx.msk $0xffff, v34  }
0x3bc: {  	v59 =	vadd.s32 v5, v35;
	v33 =	vld [tilespmem:s24+$0xFFFFFE50];
	_ =	sdelay $0x4  }
0x3bd: {  	[tilespmem:v59+s21+$0x0] =	vst.idx.msk $0xffff, v33  }
0x3be: {  	v60 =	vadd.s32 v6, v35;
	v33 =	vld [tilespmem:s24+$0xFFFFFE60];
	_ =	sdelay $0x4  }
0x3bf: {  	[tilespmem:v60+s21+$0x0] =	vst.idx.msk $0xffff, v33  }
0x3c0: {  	v61 =	vadd.s32 v7, v35;
	v33 =	vld [tilespmem:s24+$0xFFFFFE70];
	_ =	sdelay $0x4  }
0x3c1: {  	[tilespmem:v61+s21+$0x0] =	vst.idx.msk $0xffff, v33  }
0x3c2: {  	s30 =	simm.s32 $0x2;
	v62 =	vadd.s32 v8, v35;
	v33 =	vld [tilespmem:s24+$0xFFFFFE80]  }
0x3c3: {  	v63 =	vmov s30  }
0x3c4: {  	v35 =	vshrl.u32 v63, $0x3  }
0x3c5: {  	v35 =	vshll.u32 v35, v1  }
0x3c6: {  	v35 =	vbroadcast v35, $0x0  }
0x3c7: {  	[tilespmem:v62+s21+$0x0] =	vst.idx.msk $0xffff, v33  }
0x3c8: {  	v36 =	vadd.s32 v9, v35;
	v33 =	vld [tilespmem:s24+$0xFFFFFE90];
	_ =	sdelay $0x4  }
0x3c9: {  	[tilespmem:v36+s21+$0x0] =	vst.idx.msk $0xffff, v33  }
0x3ca: {  	v37 =	vadd.s32 v10, v35;
	v33 =	vld [tilespmem:s24+$0xFFFFFEA0];
	_ =	sdelay $0x4  }
0x3cb: {  	[tilespmem:v37+s21+$0x0] =	vst.idx.msk $0xffff, v33  }
0x3cc: {  	v38 =	vadd.s32 v11, v35;
	v33 =	vld [tilespmem:s24+$0xFFFFFEB0];
	_ =	sdelay $0x4  }
0x3cd: {  	[tilespmem:v38+s21+$0x0] =	vst.idx.msk $0xffff, v33  }
0x3ce: {  	s31 =	simm.s32 $0x3;
	v39 =	vadd.s32 v12, v35;
	v33 =	vld [tilespmem:s24+$0xFFFFFEC0]  }
0x3cf: {  	v40 =	vmov s31  }
0x3d0: {  	v35 =	vshrl.u32 v40, $0x3  }
0x3d1: {  	v35 =	vshll.u32 v35, v1  }
0x3d2: {  	v35 =	vbroadcast v35, $0x0  }
0x3d3: {  	[tilespmem:v39+s21+$0x0] =	vst.idx.msk $0xffff, v33  }
0x3d4: {  	v41 =	vadd.s32 v13, v35;
	v33 =	vld [tilespmem:s24+$0xFFFFFED0];
	_ =	sdelay $0x4  }
0x3d5: {  	[tilespmem:v41+s21+$0x0] =	vst.idx.msk $0xffff, v33  }
0x3d6: {  	v42 =	vadd.s32 v14, v35;
	v33 =	vld [tilespmem:s24+$0xFFFFFEE0];
	_ =	sdelay $0x4  }
0x3d7: {  	[tilespmem:v42+s21+$0x0] =	vst.idx.msk $0xffff, v33  }
0x3d8: {  	v43 =	vadd.s32 v15, v35;
	v33 =	vld [tilespmem:s24+$0xFFFFFEF0];
	_ =	sdelay $0x4  }
0x3d9: {  	[tilespmem:v43+s21+$0x0] =	vst.idx.msk $0xffff, v33  }
0x3da: {  	s26 =	simm.s32 $0x4;
	v44 =	vadd.s32 v16, v35;
	v33 =	vld [tilespmem:s24+$0xFFFFFF00]  }
0x3db: {  	v45 =	vmov s26  }
0x3dc: {  	v35 =	vshrl.u32 v45, $0x3  }
0x3dd: {  	v35 =	vshll.u32 v35, v1  }
0x3de: {  	v35 =	vbroadcast v35, $0x0  }
0x3df: {  	[tilespmem:v44+s21+$0x0] =	vst.idx.msk $0xffff, v33  }
0x3e0: {  	v46 =	vadd.s32 v17, v35;
	v33 =	vld [tilespmem:s24+$0xFFFFFF10];
	_ =	sdelay $0x4  }
0x3e1: {  	[tilespmem:v46+s21+$0x0] =	vst.idx.msk $0xffff, v33  }
0x3e2: {  	v47 =	vadd.s32 v18, v35;
	v33 =	vld [tilespmem:s24+$0xFFFFFF20];
	_ =	sdelay $0x4  }
0x3e3: {  	[tilespmem:v47+s21+$0x0] =	vst.idx.msk $0xffff, v33  }
0x3e4: {  	v48 =	vadd.s32 v19, v35;
	v33 =	vld [tilespmem:s24+$0xFFFFFF30];
	_ =	sdelay $0x4  }
0x3e5: {  	[tilespmem:v48+s21+$0x0] =	vst.idx.msk $0xffff, v33  }
0x3e6: {  	s29 =	simm.s32 $0x5;
	v49 =	vadd.s32 v20, v35;
	v33 =	vld [tilespmem:s24+$0xFFFFFF40]  }
0x3e7: {  	v50 =	vmov s29  }
0x3e8: {  	v35 =	vshrl.u32 v50, $0x3  }
0x3e9: {  	v35 =	vshll.u32 v35, v1  }
0x3ea: {  	v35 =	vbroadcast v35, $0x0  }
0x3eb: {  	[tilespmem:v49+s21+$0x0] =	vst.idx.msk $0xffff, v33  }
0x3ec: {  	v51 =	vadd.s32 v21, v35;
	v33 =	vld [tilespmem:s24+$0xFFFFFF50];
	_ =	sdelay $0x4  }
0x3ed: {  	[tilespmem:v51+s21+$0x0] =	vst.idx.msk $0xffff, v33  }
0x3ee: {  	v52 =	vadd.s32 v22, v35;
	v33 =	vld [tilespmem:s24+$0xFFFFFF60];
	_ =	sdelay $0x4  }
0x3ef: {  	[tilespmem:v52+s21+$0x0] =	vst.idx.msk $0xffff, v33  }
0x3f0: {  	v53 =	vadd.s32 v23, v35;
	v33 =	vld [tilespmem:s24+$0xFFFFFF70];
	_ =	sdelay $0x4  }
0x3f1: {  	[tilespmem:v53+s21+$0x0] =	vst.idx.msk $0xffff, v33  }
0x3f2: {  	s30 =	simm.s32 $0x6;
	v54 =	vadd.s32 v24, v35;
	v33 =	vld [tilespmem:s24+$0xFFFFFF80]  }
0x3f3: {  	v55 =	vmov s30  }
0x3f4: {  	v35 =	vshrl.u32 v55, $0x3  }
0x3f5: {  	v35 =	vshll.u32 v35, v1  }
0x3f6: {  	v35 =	vbroadcast v35, $0x0  }
0x3f7: {  	[tilespmem:v54+s21+$0x0] =	vst.idx.msk $0xffff, v33  }
0x3f8: {  	v56 =	vadd.s32 v25, v35;
	v33 =	vld [tilespmem:s24+$0xFFFFFF90];
	_ =	sdelay $0x4  }
0x3f9: {  	[tilespmem:v56+s21+$0x0] =	vst.idx.msk $0xffff, v33  }
0x3fa: {  	v57 =	vadd.s32 v26, v35;
	v33 =	vld [tilespmem:s24+$0xFFFFFFA0];
	_ =	sdelay $0x4  }
0x3fb: {  	[tilespmem:v57+s21+$0x0] =	vst.idx.msk $0xffff, v33  }
0x3fc: {  	v58 =	vadd.s32 v27, v35;
	v33 =	vld [tilespmem:s24+$0xFFFFFFB0];
	_ =	sdelay $0x4  }
0x3fd: {  	[tilespmem:v58+s21+$0x0] =	vst.idx.msk $0xffff, v33  }
0x3fe: {  	s31 =	simm.s32 $0x7;
	v59 =	vadd.s32 v28, v35;
	v33 =	vld [tilespmem:s24+$0xFFFFFFC0]  }
0x3ff: {  	v60 =	vmov s31  }
0x400: {  	v35 =	vshrl.u32 v60, $0x3  }
0x401: {  	v35 =	vshll.u32 v35, v1  }
0x402: {  	v35 =	vbroadcast v35, $0x0  }
0x403: {  	[tilespmem:v59+s21+$0x0] =	vst.idx.msk $0xffff, v33  }
0x404: {  	v61 =	vadd.s32 v29, v35;
	v33 =	vld [tilespmem:s24+$0xFFFFFFD0];
	_ =	sdelay $0x4  }
0x405: {  	[tilespmem:v61+s21+$0x0] =	vst.idx.msk $0xffff, v33  }
0x406: {  	v62 =	vadd.s32 v30, v35;
	v33 =	vld [tilespmem:s24+$0xFFFFFFE0];
	_ =	sdelay $0x4  }
0x407: {  	[tilespmem:v62+s21+$0x0] =	vst.idx.msk $0xffff, v33  }
0x408: {  	v63 =	vadd.s32 v31, v35;
	v33 =	vld [tilespmem:s24+$0xFFFFFFF0];
	_ =	sdelay $0x4  }
0x409: {  	[tilespmem:v63+s21+$0x0] =	vst.idx.msk $0xffff, v33  }
0x40a: {  	s28 =	simm.s32 $0x8;
	s25 =	simm.s32 $0xF;
	s26 =	simm.s32 $0x17;
	v34 =	vadd.s32 v32, v35;
	v33 =	vld [tilespmem:s24+$0x0]  }
.LBB2_16:
0x40b: {  	p0 =	sne.s32 s26, $0x7F;
	v35 =	vmov s28  }
0x40c: {  	v35 =	vshrl.u32 v35, $0x3  }
0x40d: {  	v35 =	vshll.u32 v35, v1  }
0x40e: {  	v35 =	vbroadcast v35, $0x0  }
0x40f: {  	s24 =	sadd.s32 $0x200, s24;
	[tilespmem:v34+s21+$0x0] =	vst.idx.msk $0xffff, v33  }
0x410: {  	v33 =	vld [tilespmem:s24+$0xFFFFFE10];
	v34 =	vadd.s32 v0, v35;
	_ =	sdelay $0x4  }
0x411: {  	[tilespmem:v34+s21+$0x0] =	vst.idx.msk $0xffff, v33  }
0x412: {  	v34 =	vadd.s32 v2, v35;
	v33 =	vld [tilespmem:s24+$0xFFFFFE20];
	_ =	sdelay $0x4  }
0x413: {  	[tilespmem:v34+s21+$0x0] =	vst.idx.msk $0xffff, v33  }
0x414: {  	v34 =	vadd.s32 v3, v35;
	v33 =	vld [tilespmem:s24+$0xFFFFFE30];
	_ =	sdelay $0x4  }
0x415: {  	[tilespmem:v34+s21+$0x0] =	vst.idx.msk $0xffff, v33  }
0x416: {  	s28 =	sadd.s32 $0xFFFFFFFA, s25;
	v34 =	vadd.s32 v4, v35;
	v33 =	vld [tilespmem:s24+$0xFFFFFE40]  }
0x417: {  	v35 =	vmov s28  }
0x418: {  	v35 =	vshrl.u32 v35, $0x3  }
0x419: {  	v35 =	vshll.u32 v35, v1  }
0x41a: {  	v35 =	vbroadcast v35, $0x0  }
0x41b: {  	[tilespmem:v34+s21+$0x0] =	vst.idx.msk $0xffff, v33  }
0x41c: {  	v34 =	vadd.s32 v5, v35;
	v33 =	vld [tilespmem:s24+$0xFFFFFE50];
	_ =	sdelay $0x4  }
0x41d: {  	[tilespmem:v34+s21+$0x0] =	vst.idx.msk $0xffff, v33  }
0x41e: {  	v34 =	vadd.s32 v6, v35;
	v33 =	vld [tilespmem:s24+$0xFFFFFE60];
	_ =	sdelay $0x4  }
0x41f: {  	[tilespmem:v34+s21+$0x0] =	vst.idx.msk $0xffff, v33  }
0x420: {  	v34 =	vadd.s32 v7, v35;
	v33 =	vld [tilespmem:s24+$0xFFFFFE70];
	_ =	sdelay $0x4  }
0x421: {  	[tilespmem:v34+s21+$0x0] =	vst.idx.msk $0xffff, v33  }
0x422: {  	s28 =	sadd.s32 $0xFFFFFFFB, s25;
	v34 =	vadd.s32 v8, v35;
	v33 =	vld [tilespmem:s24+$0xFFFFFE80]  }
0x423: {  	v35 =	vmov s28  }
0x424: {  	v35 =	vshrl.u32 v35, $0x3  }
0x425: {  	v35 =	vshll.u32 v35, v1  }
0x426: {  	v35 =	vbroadcast v35, $0x0  }
0x427: {  	[tilespmem:v34+s21+$0x0] =	vst.idx.msk $0xffff, v33  }
0x428: {  	v34 =	vadd.s32 v9, v35;
	v33 =	vld [tilespmem:s24+$0xFFFFFE90];
	_ =	sdelay $0x4  }
0x429: {  	[tilespmem:v34+s21+$0x0] =	vst.idx.msk $0xffff, v33  }
0x42a: {  	v34 =	vadd.s32 v10, v35;
	v33 =	vld [tilespmem:s24+$0xFFFFFEA0];
	_ =	sdelay $0x4  }
0x42b: {  	[tilespmem:v34+s21+$0x0] =	vst.idx.msk $0xffff, v33  }
0x42c: {  	v34 =	vadd.s32 v11, v35;
	v33 =	vld [tilespmem:s24+$0xFFFFFEB0];
	_ =	sdelay $0x4  }
0x42d: {  	[tilespmem:v34+s21+$0x0] =	vst.idx.msk $0xffff, v33  }
0x42e: {  	s28 =	sadd.s32 $0xFFFFFFFC, s25;
	v34 =	vadd.s32 v12, v35;
	v33 =	vld [tilespmem:s24+$0xFFFFFEC0]  }
0x42f: {  	v35 =	vmov s28  }
0x430: {  	v35 =	vshrl.u32 v35, $0x3  }
0x431: {  	v35 =	vshll.u32 v35, v1  }
0x432: {  	v35 =	vbroadcast v35, $0x0  }
0x433: {  	[tilespmem:v34+s21+$0x0] =	vst.idx.msk $0xffff, v33  }
0x434: {  	v34 =	vadd.s32 v13, v35;
	v33 =	vld [tilespmem:s24+$0xFFFFFED0];
	_ =	sdelay $0x4  }
0x435: {  	[tilespmem:v34+s21+$0x0] =	vst.idx.msk $0xffff, v33  }
0x436: {  	v34 =	vadd.s32 v14, v35;
	v33 =	vld [tilespmem:s24+$0xFFFFFEE0];
	_ =	sdelay $0x4  }
0x437: {  	[tilespmem:v34+s21+$0x0] =	vst.idx.msk $0xffff, v33  }
0x438: {  	v34 =	vadd.s32 v15, v35;
	v33 =	vld [tilespmem:s24+$0xFFFFFEF0];
	_ =	sdelay $0x4  }
0x439: {  	[tilespmem:v34+s21+$0x0] =	vst.idx.msk $0xffff, v33  }
0x43a: {  	s28 =	sadd.s32 $0xFFFFFFFD, s25;
	v34 =	vadd.s32 v16, v35;
	v33 =	vld [tilespmem:s24+$0xFFFFFF00]  }
0x43b: {  	v35 =	vmov s28  }
0x43c: {  	v35 =	vshrl.u32 v35, $0x3  }
0x43d: {  	v35 =	vshll.u32 v35, v1  }
0x43e: {  	v35 =	vbroadcast v35, $0x0  }
0x43f: {  	[tilespmem:v34+s21+$0x0] =	vst.idx.msk $0xffff, v33  }
0x440: {  	v34 =	vadd.s32 v17, v35;
	v33 =	vld [tilespmem:s24+$0xFFFFFF10];
	_ =	sdelay $0x4  }
0x441: {  	[tilespmem:v34+s21+$0x0] =	vst.idx.msk $0xffff, v33  }
0x442: {  	v34 =	vadd.s32 v18, v35;
	v33 =	vld [tilespmem:s24+$0xFFFFFF20];
	_ =	sdelay $0x4  }
0x443: {  	[tilespmem:v34+s21+$0x0] =	vst.idx.msk $0xffff, v33  }
0x444: {  	v34 =	vadd.s32 v19, v35;
	v33 =	vld [tilespmem:s24+$0xFFFFFF30];
	_ =	sdelay $0x4  }
0x445: {  	[tilespmem:v34+s21+$0x0] =	vst.idx.msk $0xffff, v33  }
0x446: {  	s28 =	sadd.s32 $0xFFFFFFFE, s25;
	v34 =	vadd.s32 v20, v35;
	v33 =	vld [tilespmem:s24+$0xFFFFFF40]  }
0x447: {  	v35 =	vmov s28  }
0x448: {  	v35 =	vshrl.u32 v35, $0x3  }
0x449: {  	v35 =	vshll.u32 v35, v1  }
0x44a: {  	v35 =	vbroadcast v35, $0x0  }
0x44b: {  	[tilespmem:v34+s21+$0x0] =	vst.idx.msk $0xffff, v33  }
0x44c: {  	v34 =	vadd.s32 v21, v35;
	v33 =	vld [tilespmem:s24+$0xFFFFFF50];
	_ =	sdelay $0x4  }
0x44d: {  	[tilespmem:v34+s21+$0x0] =	vst.idx.msk $0xffff, v33  }
0x44e: {  	v34 =	vadd.s32 v22, v35;
	v33 =	vld [tilespmem:s24+$0xFFFFFF60];
	_ =	sdelay $0x4  }
0x44f: {  	[tilespmem:v34+s21+$0x0] =	vst.idx.msk $0xffff, v33  }
0x450: {  	v34 =	vadd.s32 v23, v35;
	v33 =	vld [tilespmem:s24+$0xFFFFFF70];
	_ =	sdelay $0x4  }
0x451: {  	[tilespmem:v34+s21+$0x0] =	vst.idx.msk $0xffff, v33  }
0x452: {  	s28 =	sadd.s32 $0xFFFFFFFF, s25;
	v34 =	vadd.s32 v24, v35;
	v33 =	vld [tilespmem:s24+$0xFFFFFF80]  }
0x453: {  	v35 =	vmov s28  }
0x454: {  	v35 =	vshrl.u32 v35, $0x3  }
0x455: {  	v35 =	vshll.u32 v35, v1  }
0x456: {  	v35 =	vbroadcast v35, $0x0  }
0x457: {  	[tilespmem:v34+s21+$0x0] =	vst.idx.msk $0xffff, v33  }
0x458: {  	v34 =	vadd.s32 v25, v35;
	v33 =	vld [tilespmem:s24+$0xFFFFFF90];
	_ =	sdelay $0x4  }
0x459: {  	[tilespmem:v34+s21+$0x0] =	vst.idx.msk $0xffff, v33  }
0x45a: {  	v34 =	vadd.s32 v26, v35;
	v33 =	vld [tilespmem:s24+$0xFFFFFFA0];
	_ =	sdelay $0x4  }
0x45b: {  	[tilespmem:v34+s21+$0x0] =	vst.idx.msk $0xffff, v33  }
0x45c: {  	v34 =	vadd.s32 v27, v35;
	v33 =	vld [tilespmem:s24+$0xFFFFFFB0];
	_ =	sdelay $0x4  }
0x45d: {  	[tilespmem:v34+s21+$0x0] =	vst.idx.msk $0xffff, v33  }
0x45e: {  	v34 =	vadd.s32 v28, v35;
	v33 =	vld [tilespmem:s24+$0xFFFFFFC0]  }
0x45f: {  	v35 =	vmov s25;
	s25 =	smov.u32 s26  }
0x460: {  	v35 =	vshrl.u32 v35, $0x3  }
0x461: {  	v35 =	vshll.u32 v35, v1  }
0x462: {  	v35 =	vbroadcast v35, $0x0  }
0x463: {  	[tilespmem:v34+s21+$0x0] =	vst.idx.msk $0xffff, v33  }
0x464: {  	v34 =	vadd.s32 v29, v35;
	v33 =	vld [tilespmem:s24+$0xFFFFFFD0];
	_ =	sdelay $0x4  }
0x465: {  	[tilespmem:v34+s21+$0x0] =	vst.idx.msk $0xffff, v33  }
0x466: {  	v34 =	vadd.s32 v30, v35;
	v33 =	vld [tilespmem:s24+$0xFFFFFFE0];
	_ =	sdelay $0x4  }
0x467: {  	[tilespmem:v34+s21+$0x0] =	vst.idx.msk $0xffff, v33  }
0x468: {  	v34 =	vadd.s32 v31, v35;
	v33 =	vld [tilespmem:s24+$0xFFFFFFF0];
	_ =	sdelay $0x1  }
.Ltmp7:
0x469: {  	(pc) =	sbr.rel @p0 .LBB2_16-.Ltmp7, $3  }
0x46a: {  	_ =	sdelay $0x1  }
0x46b: {  	[tilespmem:v34+s21+$0x0] =	vst.idx.msk $0xffff, v33  }
0x46c: {  	s26 =	sadd.s32 $0x8, s26;
	s28 =	sadd.s32 $0xFFFFFFF9, s25;
	v34 =	vadd.s32 v32, v35;
	v33 =	vld [tilespmem:s24+$0x0]  }
0x46d: {  	v35 =	vmov s28  }
0x46e: {  	v35 =	vshrl.u32 v35, $0x3  }
0x46f: {  	v35 =	vshll.u32 v35, v1  }
0x470: {  	v35 =	vbroadcast v35, $0x0  }
0x471: {  	s24 =	sadd.s32 $0x200, s24;
	[tilespmem:v34+s21+$0x0] =	vst.idx.msk $0xffff, v33  }
0x472: {  	v33 =	vld [tilespmem:s24+$0xFFFFFE10];
	v53 =	vadd.s32 v0, v35;
	_ =	sdelay $0x4  }
0x473: {  	[tilespmem:v53+s21+$0x0] =	vst.idx.msk $0xffff, v33  }
0x474: {  	v54 =	vadd.s32 v2, v35;
	v33 =	vld [tilespmem:s24+$0xFFFFFE20];
	_ =	sdelay $0x4  }
0x475: {  	[tilespmem:v54+s21+$0x0] =	vst.idx.msk $0xffff, v33  }
0x476: {  	v55 =	vadd.s32 v3, v35;
	v33 =	vld [tilespmem:s24+$0xFFFFFE30];
	_ =	sdelay $0x4  }
0x477: {  	[tilespmem:v55+s21+$0x0] =	vst.idx.msk $0xffff, v33  }
0x478: {  	s26 =	sadd.s32 $0xFFFFFFFA, s25;
	v56 =	vadd.s32 v4, v35;
	v33 =	vld [tilespmem:s24+$0xFFFFFE40]  }
0x479: {  	v57 =	vmov s26  }
0x47a: {  	v35 =	vshrl.u32 v57, $0x3  }
0x47b: {  	v35 =	vshll.u32 v35, v1  }
0x47c: {  	v35 =	vbroadcast v35, $0x0  }
0x47d: {  	[tilespmem:v56+s21+$0x0] =	vst.idx.msk $0xffff, v33  }
0x47e: {  	v58 =	vadd.s32 v5, v35;
	v33 =	vld [tilespmem:s24+$0xFFFFFE50];
	_ =	sdelay $0x4  }
0x47f: {  	[tilespmem:v58+s21+$0x0] =	vst.idx.msk $0xffff, v33  }
0x480: {  	v59 =	vadd.s32 v6, v35;
	v33 =	vld [tilespmem:s24+$0xFFFFFE60];
	_ =	sdelay $0x4  }
0x481: {  	[tilespmem:v59+s21+$0x0] =	vst.idx.msk $0xffff, v33  }
0x482: {  	v60 =	vadd.s32 v7, v35;
	v33 =	vld [tilespmem:s24+$0xFFFFFE70];
	_ =	sdelay $0x4  }
0x483: {  	[tilespmem:v60+s21+$0x0] =	vst.idx.msk $0xffff, v33  }
0x484: {  	s30 =	sadd.s32 $0xFFFFFFFB, s25;
	v61 =	vadd.s32 v8, v35;
	v33 =	vld [tilespmem:s24+$0xFFFFFE80]  }
0x485: {  	v62 =	vmov s30  }
0x486: {  	v35 =	vshrl.u32 v62, $0x3  }
0x487: {  	v35 =	vshll.u32 v35, v1  }
0x488: {  	v35 =	vbroadcast v35, $0x0  }
0x489: {  	[tilespmem:v61+s21+$0x0] =	vst.idx.msk $0xffff, v33  }
0x48a: {  	v63 =	vadd.s32 v9, v35;
	v33 =	vld [tilespmem:s24+$0xFFFFFE90];
	_ =	sdelay $0x4  }
0x48b: {  	[tilespmem:v63+s21+$0x0] =	vst.idx.msk $0xffff, v33  }
0x48c: {  	v36 =	vadd.s32 v10, v35;
	v33 =	vld [tilespmem:s24+$0xFFFFFEA0];
	_ =	sdelay $0x4  }
0x48d: {  	[tilespmem:v36+s21+$0x0] =	vst.idx.msk $0xffff, v33  }
0x48e: {  	v37 =	vadd.s32 v11, v35;
	v33 =	vld [tilespmem:s24+$0xFFFFFEB0];
	_ =	sdelay $0x4  }
0x48f: {  	[tilespmem:v37+s21+$0x0] =	vst.idx.msk $0xffff, v33  }
0x490: {  	s31 =	sadd.s32 $0xFFFFFFFC, s25;
	v38 =	vadd.s32 v12, v35;
	v33 =	vld [tilespmem:s24+$0xFFFFFEC0]  }
0x491: {  	v39 =	vmov s31  }
0x492: {  	v35 =	vshrl.u32 v39, $0x3  }
0x493: {  	v35 =	vshll.u32 v35, v1  }
0x494: {  	v35 =	vbroadcast v35, $0x0  }
0x495: {  	[tilespmem:v38+s21+$0x0] =	vst.idx.msk $0xffff, v33  }
0x496: {  	v40 =	vadd.s32 v13, v35;
	v33 =	vld [tilespmem:s24+$0xFFFFFED0];
	_ =	sdelay $0x4  }
0x497: {  	[tilespmem:v40+s21+$0x0] =	vst.idx.msk $0xffff, v33  }
0x498: {  	v41 =	vadd.s32 v14, v35;
	v33 =	vld [tilespmem:s24+$0xFFFFFEE0];
	_ =	sdelay $0x4  }
0x499: {  	[tilespmem:v41+s21+$0x0] =	vst.idx.msk $0xffff, v33  }
0x49a: {  	v42 =	vadd.s32 v15, v35;
	v33 =	vld [tilespmem:s24+$0xFFFFFEF0];
	_ =	sdelay $0x4  }
0x49b: {  	[tilespmem:v42+s21+$0x0] =	vst.idx.msk $0xffff, v33  }
0x49c: {  	s28 =	sadd.s32 $0xFFFFFFFD, s25;
	v43 =	vadd.s32 v16, v35;
	v33 =	vld [tilespmem:s24+$0xFFFFFF00]  }
0x49d: {  	v44 =	vmov s28  }
0x49e: {  	v35 =	vshrl.u32 v44, $0x3  }
0x49f: {  	v35 =	vshll.u32 v35, v1  }
0x4a0: {  	v35 =	vbroadcast v35, $0x0  }
0x4a1: {  	[tilespmem:v43+s21+$0x0] =	vst.idx.msk $0xffff, v33  }
0x4a2: {  	v45 =	vadd.s32 v17, v35;
	v33 =	vld [tilespmem:s24+$0xFFFFFF10];
	_ =	sdelay $0x4  }
0x4a3: {  	[tilespmem:v45+s21+$0x0] =	vst.idx.msk $0xffff, v33  }
0x4a4: {  	v46 =	vadd.s32 v18, v35;
	v33 =	vld [tilespmem:s24+$0xFFFFFF20];
	_ =	sdelay $0x4  }
0x4a5: {  	[tilespmem:v46+s21+$0x0] =	vst.idx.msk $0xffff, v33  }
0x4a6: {  	v47 =	vadd.s32 v19, v35;
	v33 =	vld [tilespmem:s24+$0xFFFFFF30];
	_ =	sdelay $0x4  }
0x4a7: {  	[tilespmem:v47+s21+$0x0] =	vst.idx.msk $0xffff, v33  }
0x4a8: {  	s29 =	sadd.s32 $0xFFFFFFFE, s25;
	v48 =	vadd.s32 v20, v35;
	v33 =	vld [tilespmem:s24+$0xFFFFFF40]  }
0x4a9: {  	v49 =	vmov s29  }
0x4aa: {  	v35 =	vshrl.u32 v49, $0x3  }
0x4ab: {  	v35 =	vshll.u32 v35, v1  }
0x4ac: {  	v35 =	vbroadcast v35, $0x0  }
0x4ad: {  	[tilespmem:v48+s21+$0x0] =	vst.idx.msk $0xffff, v33  }
0x4ae: {  	v50 =	vadd.s32 v21, v35;
	v33 =	vld [tilespmem:s24+$0xFFFFFF50];
	_ =	sdelay $0x4  }
0x4af: {  	[tilespmem:v50+s21+$0x0] =	vst.idx.msk $0xffff, v33  }
0x4b0: {  	v51 =	vadd.s32 v22, v35;
	v33 =	vld [tilespmem:s24+$0xFFFFFF60];
	_ =	sdelay $0x4  }
0x4b1: {  	[tilespmem:v51+s21+$0x0] =	vst.idx.msk $0xffff, v33  }
0x4b2: {  	v52 =	vadd.s32 v23, v35;
	v33 =	vld [tilespmem:s24+$0xFFFFFF70];
	_ =	sdelay $0x4  }
0x4b3: {  	[tilespmem:v52+s21+$0x0] =	vst.idx.msk $0xffff, v33  }
0x4b4: {  	s30 =	sadd.s32 $0xFFFFFFFF, s25;
	v53 =	vadd.s32 v24, v35;
	v33 =	vld [tilespmem:s24+$0xFFFFFF80]  }
0x4b5: {  	v54 =	vmov s30  }
0x4b6: {  	v35 =	vshrl.u32 v54, $0x3  }
0x4b7: {  	v35 =	vshll.u32 v35, v1  }
0x4b8: {  	v35 =	vbroadcast v35, $0x0  }
0x4b9: {  	[tilespmem:v53+s21+$0x0] =	vst.idx.msk $0xffff, v33  }
0x4ba: {  	v55 =	vadd.s32 v25, v35;
	v33 =	vld [tilespmem:s24+$0xFFFFFF90];
	_ =	sdelay $0x4  }
0x4bb: {  	[tilespmem:v55+s21+$0x0] =	vst.idx.msk $0xffff, v33  }
0x4bc: {  	v56 =	vadd.s32 v26, v35;
	v33 =	vld [tilespmem:s24+$0xFFFFFFA0];
	_ =	sdelay $0x4  }
0x4bd: {  	[tilespmem:v56+s21+$0x0] =	vst.idx.msk $0xffff, v33  }
0x4be: {  	v57 =	vadd.s32 v27, v35;
	v33 =	vld [tilespmem:s24+$0xFFFFFFB0];
	_ =	sdelay $0x4  }
0x4bf: {  	[tilespmem:v57+s21+$0x0] =	vst.idx.msk $0xffff, v33  }
0x4c0: {  	v58 =	vadd.s32 v28, v35;
	v33 =	vld [tilespmem:s24+$0xFFFFFFC0]  }
0x4c1: {  	v59 =	vmov s25  }
0x4c2: {  	v35 =	vshrl.u32 v59, $0x3  }
0x4c3: {  	v35 =	vshll.u32 v35, v1  }
0x4c4: {  	v35 =	vbroadcast v35, $0x0  }
0x4c5: {  	[tilespmem:v58+s21+$0x0] =	vst.idx.msk $0xffff, v33  }
0x4c6: {  	v60 =	vadd.s32 v29, v35;
	v33 =	vld [tilespmem:s24+$0xFFFFFFD0];
	_ =	sdelay $0x4  }
0x4c7: {  	[tilespmem:v60+s21+$0x0] =	vst.idx.msk $0xffff, v33  }
0x4c8: {  	v61 =	vadd.s32 v30, v35;
	v33 =	vld [tilespmem:s24+$0xFFFFFFE0];
	_ =	sdelay $0x4  }
0x4c9: {  	[tilespmem:v61+s21+$0x0] =	vst.idx.msk $0xffff, v33  }
0x4ca: {  	v62 =	vadd.s32 v31, v35;
	v33 =	vld [tilespmem:s24+$0xFFFFFFF0];
	_ =	sdelay $0x4  }
0x4cb: {  	[tilespmem:v62+s21+$0x0] =	vst.idx.msk $0xffff, v33  }
0x4cc: {  	v63 =	vadd.s32 v32, v35;
	v33 =	vld [tilespmem:s24+$0x0];
	_ =	sdelay $0x4  }
0x4cd: {  	s31 =	simm.s32 $0x9600;
	s25 =	smov.u32 s9;
	s24 =	simm.s32 $0x220;
	[tilespmem:v63+s21+$0x0] =	vst.idx.msk $0xffff, v33  }
0x4ce: {  	[hbm4b:s9+s2] =	stream.linear.scatter [tilespmem:s31], [sflag:$0x4], $0x80, $0x38;
	[tilespmem:$0xB800] =	vst v63  }
.LBB2_18:
0x4cf: {  	p0 =	sne.s32 s24, $0x85E0  }
.Ltmp8:
0x4d0: {  	_ = 	snop;
	(pc) =	sbr.rel @p0 .LBB2_18-.Ltmp8, $4  }
0x4d1: {  	_ = 	snop  }
0x4d2: {  	s26 =	sshra.s32 s24, $0x2;
	s24 =	sadd.s32 $0x220, s24  }
0x4d3: {  	s25 =	sadd.s32 $0x800, s25;
	s26 =	sadd.s32 $0x9600, s26  }
0x4d4: {  	[hbm4b:s25+s2] =	stream.linear.scatter [tilespmem:s26], [sflag:$0x4], $0x80, $0x38;
	[tilespmem:$0xB800] =	vst v63  }
0x4d5: {  	s23 =	sadd.s32 $0x1, s23  }
0x4d6: {  	p0 =	sne.s32 s23, s10  }
.Ltmp9:
0x4d7: {  	_ = 	snop;
	(pc) =	sbr.rel @p0 .LBB2_1-.Ltmp9, $4  }
0x4d8: {  	_ = 	snop  }
0x4d9: {  	_ =	swait.ge [sflag:s22], $0x2000  }
0x4da: {  	[sflag:s22] =	ssyncset.done $0x0  }
0x4db: {  	[sflag:s22] =	ssyncadd.s32 $0xFFFFE000  }
0x4dc: {  	_ =	sfence.sel $0x180000  }
0x4dd: {  	[bflag:$0x0] =	sbarrier.arrive $0xFFFF  }
0x4de: {  	p0 =	sne.s32 s1, $0x0;
	_ =	strace $0x90000047  }
0x4df: {  	s0 =	sadd.s32 @!p0 $0x100000, s0;
	[bflag:$0x2] =	sbarrier.arrive $0xFFFF  }
0x4e0: {  	[sflag:s0] =	ssyncadd.tile.s32 @!p0 $0x1;
	_ =	shalt  }
.Lfunc_end2:
_tile_overlayer_lowered:
.L_overlay_start_2:
0x4e1: {  	(tag) =	ssettag $0x2  }
0x4e2: {  	s0 =	rddreg [dreg:$0x0];
	s2 =	stileid.u32  }
0x4e3: {  	s1 =	rddreg [dreg:$0x1];
	p0 =	sne.s32 s2, $0x0  }
0x4e4: {  	s3 =	rddreg [dreg:$0x2];
	[bflag:$0x3] =	sbarrier.arrive $0xFFFF;
	s2 =	simm.s32 @!p0 $0x1C05  }
0x4e5: {  	[timem:s3], [sflag:s2] =	dma.local @!p0 [hbm:s0], s1  }
0x4e6: {  	s0 =	simm.s32 @!p0 $0x5  }
0x4e7: {  	_ =	swait.ge @!p0 [sflag:s0], s1  }
0x4e8: {  	s1 =	ssub.s32 @!p0 $0x0, s1;
	[sflag:s0] =	ssyncset.done @!p0 $0x0  }
0x4e9: {  	[sflag:s0] =	ssyncadd.s32 @!p0 s1  }
0x4ea: {  	[bflag:$0x3] =	sbarrier.arrive $0xFFFF  }
0x4eb: {  	_ =	shalt  }

</sc_bundles>
